<compile_context>
chip_gen: v7x
topology: tpu7x:2x2x1
jax: 0.10.2.dev20260603
libtpu: 0.0.44.dev20260713+nightly
codegen_flags: <defaults>
</compile_context>

<pallas_src>
import functools
import math
from fractions import Fraction

import numpy as np
import jax
import jax.numpy as jnp
from jax import lax
from jax.experimental import pallas as pl
from jax.experimental.pallas import tpu as pltpu
from jax.experimental.pallas import tpu_sc as plsc

_LS1 = [0, 1, 2]
_LS2 = [0, 1, 2]
_DIM1 = sum(2 * l + 1 for l in _LS1)
_DIM2 = sum(2 * l + 1 for l in _LS2)
_ODIM = _DIM1 * _DIM2



def _su2_cg(j1, m1, j2, m2, j3, m3):
    if m3 != m1 + m2:
        return 0.0
    vmin = int(max(-j1 + j2 + m3, -j1 + m1, 0))
    vmax = int(min(j2 + j3 + m1, j3 - j1 + j2, j3 + m3))
    f = math.factorial
    C = ((2.0 * j3 + 1.0) * Fraction(
        f(j3 + j1 - j2) * f(j3 - j1 + j2) * f(j1 + j2 - j3) * f(j3 + m3) * f(j3 - m3),
        f(j1 + j2 + j3 + 1) * f(j1 - m1) * f(j1 + m1) * f(j2 - m2) * f(j2 + m2))) ** 0.5
    S = 0
    for v in range(vmin, vmax + 1):
        S += (-1) ** (v + j2 + m2) * Fraction(
            f(j2 + j3 + m1 - v) * f(j1 - m1 + v),
            f(v) * f(j3 - j1 + j2 - v) * f(j3 + m3 - v) * f(v + j1 - j2 - m3))
    return float(C * S)


def _su2_cg_tensor(j1, j2, j3):
    mat = np.zeros((2 * j1 + 1, 2 * j2 + 1, 2 * j3 + 1))
    for m1 in range(-j1, j1 + 1):
        for m2 in range(-j2, j2 + 1):
            m3 = m1 + m2
            if abs(m3) <= j3:
                mat[j1 + m1, j2 + m2, j3 + m3] = _su2_cg(j1, m1, j2, m2, j3, m3)
    return mat


def _q_real_to_complex(l):
    q = np.zeros((2 * l + 1, 2 * l + 1), dtype=np.complex128)
    for m in range(-l, 0):
        q[l + m, l + abs(m)] = 1 / 2 ** 0.5
        q[l + m, l - abs(m)] = -1j / 2 ** 0.5
    q[l, l] = 1.0
    for m in range(1, l + 1):
        q[l + m, l + abs(m)] = (-1) ** m / 2 ** 0.5
        q[l + m, l - abs(m)] = 1j * (-1) ** m / 2 ** 0.5
    return (-1j) ** l * q


def _wigner_3j(l1, l2, l3):
    Q1 = _q_real_to_complex(l1)
    Q2 = _q_real_to_complex(l2)
    Q3 = _q_real_to_complex(l3)
    C = _su2_cg_tensor(l1, l2, l3).astype(np.complex128)
    C = np.einsum('ij,kl,mn,ikn->jlm', Q1, Q2, np.conj(Q3.T), C)
    C = np.real(C)
    n = np.linalg.norm(C)
    if n > 0:
        C = C / n
    return C


def _build_pair_groups(ls1, ls2):
    lmax2 = max(ls2)
    layout = {}
    idx1 = 0
    for l1 in ls1:
        idx2 = 0
        for l2 in ls2:
            for l3 in range(abs(l1 - l2), l1 + l2 + 1):
                layout.setdefault(l3, []).append((l1, l2, idx1, idx2))
            idx2 += 2 * l2 + 1
        idx1 += 2 * l1 + 1
    blocks = []
    row = 0
    for l3 in sorted(layout.keys()):
        mults = sorted(layout[l3], key=lambda x: x[0] * lmax2 + x[1])
        for (l1, l2, o1, o2) in mults:
            cb = _wigner_3j(l1, l2, l3) * math.sqrt(2 * l3 + 1)
            blocks.append((l1, l2, o1, o2, row, cb))
            row += 2 * l3 + 1
    pair_groups = {}
    for (l1, l2, o1, o2, row, cb) in blocks:
        n1, n2, n3 = cb.shape
        key = (o1, o2, n1, n2)
        klist = pair_groups.setdefault(key, [])
        for c in range(n3):
            bywabs = {}
            for a in range(n1):
                for b in range(n2):
                    w = float(cb[a, b, c])
                    if abs(w) > 1e-14:
                        bywabs.setdefault(round(abs(w), 12), []).append(
                            (a, b, 1.0 if w > 0 else -1.0))
            klist.append((row + c, sorted(bywabs.items())))
    return list(pair_groups.items())


_PAIR_GROUPS = _build_pair_groups(_LS1, _LS2)

_CHUNK = 512
_NWORK = 32


@functools.lru_cache(maxsize=None)
def _make_sc_kernel(batch):
    assert batch % 128 == 0 and batch >= _CHUNK
    nchunk = (batch + _CHUNK - 1) // _CHUNK
    niter = (nchunk + _NWORK - 1) // _NWORK
    ngroup = _CHUNK // 16

    mesh = plsc.VectorSubcoreMesh(core_axis_name="c", subcore_axis_name="s")

    @functools.partial(
        pl.kernel,
        out_type=jax.ShapeDtypeStruct((_ODIM, batch), jnp.float32),
        mesh=mesh,
        scratch_types=[
            pltpu.VMEM((_DIM1, _CHUNK), jnp.float32),
            pltpu.VMEM((_DIM1, _CHUNK), jnp.float32),
            pltpu.VMEM((_DIM2, _CHUNK), jnp.float32),
            pltpu.VMEM((_DIM2, _CHUNK), jnp.float32),
            pltpu.VMEM((_ODIM, _CHUNK), jnp.float32),
            pltpu.VMEM((_ODIM, _CHUNK), jnp.float32),
            pltpu.SemaphoreType.DMA,
            pltpu.SemaphoreType.DMA,
            pltpu.SemaphoreType.DMA,
            pltpu.SemaphoreType.DMA,
            pltpu.SemaphoreType.DMA,
            pltpu.SemaphoreType.DMA,
        ],
        compiler_params=pltpu.CompilerParams(
            needs_layout_passes=False, use_tc_tiling_on_sc=True),
    )
    def sc_kernel(in1_hbm, in2_hbm, out_hbm,
                  x1a, x1b, x2a, x2b, oa, ob,
                  s1a, s1b, s2a, s2b, soa, sob):
        wid = lax.axis_index("s") * 2 + lax.axis_index("c")
        x1 = (x1a, x1b)
        x2 = (x2a, x2b)
        ov = (oa, ob)
        s1 = (s1a, s1b)
        s2 = (s2a, s2b)
        so = (soa, sob)

        def compute_chunk(x1_v, x2_v, o_v):
            def group_body(g, carry):
                off = g * 16
                x1c = [x1_v[i, pl.ds(off, 16)] for i in range(_DIM1)]
                x2c = [x2_v[j, pl.ds(off, 16)] for j in range(_DIM2)]
                for (o1, o2, n1, n2), klist in _PAIR_GROUPS:
                    prods = {}
                    for a in range(n1):
                        for b in range(n2):
                            prods[(a, b)] = x1c[o1 + a] * x2c[o2 + b]
                    for (k, wgroups) in klist:
                        acc = None
                        for (wabs, sterms) in wgroups:
                            a0, b0, sg0 = sterms[0]
                            s = prods[(a0, b0)] if sg0 > 0 else -prods[(a0, b0)]
                            for (a, b, sg) in sterms[1:]:
                                if sg > 0:
                                    s = s + prods[(a, b)]
                                else:
                                    s = s - prods[(a, b)]
                            if wabs != 1.0:
                                s = s * wabs
                            acc = s if acc is None else acc + s
                        o_v[k, pl.ds(off, 16)] = acc
                return carry

            lax.fori_loop(0, ngroup, group_body, 0)

        def start_in(t, p):
            chunk = wid + _NWORK * t

            @pl.when(chunk < nchunk)
            def _():
                r0 = jnp.minimum(chunk * _CHUNK, batch - _CHUNK)
                pltpu.async_copy(
                    in1_hbm.at[:, pl.ds(r0, _CHUNK)], x1[p], s1[p])
                pltpu.async_copy(
                    in2_hbm.at[:, pl.ds(r0, _CHUNK)], x2[p], s2[p])

        def stage(t, p):
            chunk = wid + _NWORK * t
            start_in(t + 1, 1 - p)

            @pl.when(chunk < nchunk)
            def _():
                r0 = jnp.minimum(chunk * _CHUNK, batch - _CHUNK)
                pltpu.make_async_copy(
                    in1_hbm.at[:, pl.ds(r0, _CHUNK)], x1[p], s1[p]).wait()
                pltpu.make_async_copy(
                    in2_hbm.at[:, pl.ds(r0, _CHUNK)], x2[p], s2[p]).wait()

                @pl.when(t >= 2)
                def _():
                    pltpu.make_async_copy(
                        ov[p], out_hbm.at[:, pl.ds(r0, _CHUNK)], so[p]).wait()

                compute_chunk(x1[p], x2[p], ov[p])
                pltpu.async_copy(
                    ov[p], out_hbm.at[:, pl.ds(r0, _CHUNK)], so[p])

        start_in(0, 0)

        def pair_body(u, carry):
            stage(2 * u, 0)
            stage(2 * u + 1, 1)
            return carry

        lax.fori_loop(0, (niter + 1) // 2, pair_body, 0)

        nactive = (nchunk - wid + _NWORK - 1) // _NWORK

        @pl.when(nactive >= 1)
        def _():
            last = nactive - 1
            r0 = jnp.minimum((wid + _NWORK * last) * _CHUNK, batch - _CHUNK)

            @pl.when(last % 2 == 0)
            def _():
                pltpu.make_async_copy(
                    ov[0], out_hbm.at[:, pl.ds(r0, _CHUNK)], so[0]).wait()

            @pl.when(last % 2 == 1)
            def _():
                pltpu.make_async_copy(
                    ov[1], out_hbm.at[:, pl.ds(r0, _CHUNK)], so[1]).wait()

        @pl.when(nactive >= 2)
        def _():
            prev = nactive - 2
            r0 = jnp.minimum((wid + _NWORK * prev) * _CHUNK, batch - _CHUNK)

            @pl.when(prev % 2 == 0)
            def _():
                pltpu.make_async_copy(
                    ov[0], out_hbm.at[:, pl.ds(r0, _CHUNK)], so[0]).wait()

            @pl.when(prev % 2 == 1)
            def _():
                pltpu.make_async_copy(
                    ov[1], out_hbm.at[:, pl.ds(r0, _CHUNK)], so[1]).wait()

    return sc_kernel


def kernel(in1, in2):
    batch = in1.shape[0]
    out_t = _make_sc_kernel(batch)(in1.T, in2.T)
    return out_t.T

# --- scband reference (transcript-rebuilt; emitter-appended) ---
"""Pipeline reference for scband-cuda-tensor-product-19189913879101 (READ-ONLY COPY).

The authoritative reference and input builder live on the scoring server;
editing this copy changes nothing except your own understanding.
"""

import jax, jax.numpy as jnp
import numpy as np
import math
from fractions import Fraction

LS1 = [0, 1, 2]
LS2 = [0, 1, 2]
DIM1 = sum(2 * l + 1 for l in LS1)
DIM2 = sum(2 * l + 1 for l in LS2)
BATCH = 800000


def _su2_cg(j1, m1, j2, m2, j3, m3):
    if m3 != m1 + m2:
        return 0.0
    vmin = int(max(-j1 + j2 + m3, -j1 + m1, 0))
    vmax = int(min(j2 + j3 + m1, j3 - j1 + j2, j3 + m3))
    f = math.factorial
    C = ((2.0 * j3 + 1.0) * Fraction(
        f(j3 + j1 - j2) * f(j3 - j1 + j2) * f(j1 + j2 - j3) * f(j3 + m3) * f(j3 - m3),
        f(j1 + j2 + j3 + 1) * f(j1 - m1) * f(j1 + m1) * f(j2 - m2) * f(j2 + m2))) ** 0.5
    S = 0
    for v in range(vmin, vmax + 1):
        S += (-1) ** (v + j2 + m2) * Fraction(
            f(j2 + j3 + m1 - v) * f(j1 - m1 + v),
            f(v) * f(j3 - j1 + j2 - v) * f(j3 + m3 - v) * f(v + j1 - j2 - m3))
    return float(C * S)


def _su2_cg_tensor(j1, j2, j3):
    mat = np.zeros((2 * j1 + 1, 2 * j2 + 1, 2 * j3 + 1))
    for m1 in range(-j1, j1 + 1):
        for m2 in range(-j2, j2 + 1):
            m3 = m1 + m2
            if abs(m3) <= j3:
                mat[j1 + m1, j2 + m2, j3 + m3] = _su2_cg(j1, m1, j2, m2, j3, m3)
    return mat


def _q_real_to_complex(l):
    q = np.zeros((2 * l + 1, 2 * l + 1), dtype=np.complex128)
    for m in range(-l, 0):
        q[l + m, l + abs(m)] = 1 / 2 ** 0.5
        q[l + m, l - abs(m)] = -1j / 2 ** 0.5
    q[l, l] = 1.0
    for m in range(1, l + 1):
        q[l + m, l + abs(m)] = (-1) ** m / 2 ** 0.5
        q[l + m, l - abs(m)] = 1j * (-1) ** m / 2 ** 0.5
    return (-1j) ** l * q


def wigner_3j(l1, l2, l3):
    Q1 = _q_real_to_complex(l1)
    Q2 = _q_real_to_complex(l2)
    Q3 = _q_real_to_complex(l3)
    C = _su2_cg_tensor(l1, l2, l3).astype(np.complex128)
    C = np.einsum('ij,kl,mn,ikn->jlm', Q1, Q2, np.conj(Q3.T), C)
    C = np.real(C)
    n = np.linalg.norm(C)
    if n > 0:
        C = C / n
    return C


def build_blocks(ls1, ls2):
    # Mirrors CudaTensorProduct.__init__ layout construction exactly
    lmax2 = max(ls2)
    layout = {}
    idx1 = 0
    for l1 in ls1:
        idx2 = 0
        for l2 in ls2:
            for l3 in range(abs(l1 - l2), l1 + l2 + 1):
                layout.setdefault(l3, []).append((l1, l2, idx1, idx2))
            idx2 += 2 * l2 + 1
        idx1 += 2 * l1 + 1
    blocks = []
    row = 0
    for l3 in sorted(layout.keys()):
        mults = sorted(layout[l3], key=lambda x: x[0] * lmax2 + x[1])  # stable, same as torch
        for (l1, l2, o1, o2) in mults:
            cb = wigner_3j(l1, l2, l3) * math.sqrt(2 * l3 + 1)
            blocks.append((l1, l2, o1, o2, row, cb))
            row += 2 * l3 + 1
    return blocks, row


_BLOCKS, _TOTAL_ROWS = build_blocks(LS1, LS2)
assert _TOTAL_ROWS == DIM1 * DIM2


def setup_inputs(seed: int = 0):
    key = jax.random.key(seed)
    k1, k2 = jax.random.split(key)
    in1 = jax.random.normal(k1, (BATCH, DIM1), dtype=jnp.float32)
    in2 = jax.random.normal(k2, (BATCH, DIM2), dtype=jnp.float32)
    return {'in1': in1, 'in2': in2}


def reference(in1, in2):
    # out[b, row:row+2*l3+1] = sum_{m1,m2} cb[m1,m2,m3] * in1[b, o1+m1] * in2[b, o2+m2]
    # Blocks are laid out contiguously in l3-major order, so concatenation along
    # axis 1 reproduces the kernel's scatter into out columns [0, dim1*dim2).
    outs = []
    for (l1, l2, o1, o2, row, cb) in _BLOCKS:
        x1 = in1[:, o1:o1 + 2 * l1 + 1]
        x2 = in2[:, o2:o2 + 2 * l2 + 1]
        outs.append(jnp.einsum('bi,bj,ijk->bk', x1, x2, jnp.asarray(cb, dtype=in1.dtype)))
    return jnp.concatenate(outs, axis=1)

if __name__ == "__main__":
    import jax
    _d = setup_inputs()
    print(jax.jit(kernel)(*tuple(_d.values())))

</pallas_src>

<mosaic_0001>
#map = affine_map<(d0, d1) -> (0, 0)>
module attributes {stable_mosaic.version = 14 : i64} {
  func.func @sc_kernel(%arg0: i32, %arg1: i32, %arg2: memref<9x800000xf32, #tpu.memory_space<hbm>>, %arg3: memref<9x800000xf32, #tpu.memory_space<hbm>>, %arg4: memref<81x800000xf32, #tpu.memory_space<hbm>>, %arg5: memref<9x512xf32, #tpu.memory_space<vmem>>, %arg6: memref<9x512xf32, #tpu.memory_space<vmem>>, %arg7: memref<9x512xf32, #tpu.memory_space<vmem>>, %arg8: memref<9x512xf32, #tpu.memory_space<vmem>>, %arg9: memref<81x512xf32, #tpu.memory_space<vmem>>, %arg10: memref<81x512xf32, #tpu.memory_space<vmem>>, %arg11: memref<!tpu.dma_semaphore, #tpu.memory_space<semaphore_mem>>, %arg12: memref<!tpu.dma_semaphore, #tpu.memory_space<semaphore_mem>>, %arg13: memref<!tpu.dma_semaphore, #tpu.memory_space<semaphore_mem>>, %arg14: memref<!tpu.dma_semaphore, #tpu.memory_space<semaphore_mem>>, %arg15: memref<!tpu.dma_semaphore, #tpu.memory_space<semaphore_mem>>, %arg16: memref<!tpu.dma_semaphore, #tpu.memory_space<semaphore_mem>>) attributes {dimension_semantics = [#tpu.dimension_semantics<core_parallel>, #tpu.dimension_semantics<subcore_parallel>], iteration_bounds = array<i64: 2, 16>, scalar_prefetch = 0 : i64, scratch_operands = 12 : i64, tpu.core_type = #tpu.core_type<sc_vector_subcore>, window_params = [{transform_indices = #map}, {transform_indices = #map}, {transform_indices = #map}]} {
    %mul3A = arith.constant 2 : i32
    %mul3A_0 = arith.muli %arg1, %mul3A : i32
    %add3A = arith.addi %mul3A_0, %arg0 : i32
    %add3A_1 = arith.constant 0 : i32
    %add3A_2 = arith.addi %add3A, %add3A_1 : i32
    %lt3A = arith.constant 1563 : i32
    %lt3A_3 = arith.cmpi slt, %add3A_2, %lt3A : i32
    %convert_element_type3A = arith.extui %lt3A_3 : i1 to i32
    %cond3A = arith.constant 0 : i32
    %cond3A_4 = arith.cmpi ne, %convert_element_type3A, %cond3A : i32
    scf.if %cond3A_4 {
      %mul3A_41 = arith.constant 512 : i32
      %mul3A_42 = arith.muli %add3A_2, %mul3A_41 : i32
      %min3A = arith.constant 799488 : i32
      %min3A_43 = arith.minsi %mul3A_42, %min3A : i32
      %dma_start3A = arith.constant 0 : i32
      %dma_start3A_44 = tpu.memref_slice %arg2[%dma_start3A, %min3A_43] : memref<9x800000xf32, #tpu.memory_space<hbm>> -> memref<9x512xf32, #tpu.memory_space<hbm>>
      %dma_start3A_45 = arith.constant 0 : i32
      %dma_start3A_46 = tpu.memref_slice %arg2[%dma_start3A_45, %min3A_43] : memref<9x800000xf32, #tpu.memory_space<hbm>> -> memref<9x512xf32, #tpu.memory_space<hbm>>
      tpu.enqueue_dma source(%dma_start3A_46 : memref<9x512xf32, #tpu.memory_space<hbm>>) target(%arg5 : memref<9x512xf32, #tpu.memory_space<vmem>>) target_semaphore(%arg11 : memref<!tpu.dma_semaphore, #tpu.memory_space<semaphore_mem>>)
      %dma_start3A_47 = arith.constant 0 : i32
      %dma_start3A_48 = tpu.memref_slice %arg3[%dma_start3A_47, %min3A_43] : memref<9x800000xf32, #tpu.memory_space<hbm>> -> memref<9x512xf32, #tpu.memory_space<hbm>>
      %dma_start3A_49 = arith.constant 0 : i32
      %dma_start3A_50 = tpu.memref_slice %arg3[%dma_start3A_49, %min3A_43] : memref<9x800000xf32, #tpu.memory_space<hbm>> -> memref<9x512xf32, #tpu.memory_space<hbm>>
      tpu.enqueue_dma source(%dma_start3A_50 : memref<9x512xf32, #tpu.memory_space<hbm>>) target(%arg7 : memref<9x512xf32, #tpu.memory_space<vmem>>) target_semaphore(%arg13 : memref<!tpu.dma_semaphore, #tpu.memory_space<semaphore_mem>>)
    } else {
    }
    %scan3A = arith.constant 0 : i32
    %scan3A_5 = arith.constant 0 : i32
    %scan3A_6 = arith.constant 25 : i32
    %scan3A_7 = arith.addi %scan3A_5, %scan3A_6 : i32
    %scan3A_8 = arith.constant 1 : i32
    scf.for %scan3A_41 = %scan3A_5 to %scan3A_7 step %scan3A_8  : i32 {
      %mul3A_42 = arith.constant 2 : i32
      %mul3A_43 = arith.muli %mul3A_42, %scan3A_41 : i32
      %mul3A_44 = arith.constant 32 : i32
      %mul3A_45 = arith.muli %mul3A_44, %mul3A_43 : i32
      %add3A_46 = arith.addi %add3A, %mul3A_45 : i32
      %add3A_47 = arith.constant 1 : i32
      %add3A_48 = arith.addi %mul3A_43, %add3A_47 : i32
      %mul3A_49 = arith.constant 32 : i32
      %mul3A_50 = arith.muli %mul3A_49, %add3A_48 : i32
      %add3A_51 = arith.addi %add3A, %mul3A_50 : i32
      %lt3A_52 = arith.constant 1563 : i32
      %lt3A_53 = arith.cmpi slt, %add3A_51, %lt3A_52 : i32
      %convert_element_type3A_54 = arith.extui %lt3A_53 : i1 to i32
      %cond3A_55 = arith.constant 0 : i32
      %cond3A_56 = arith.cmpi ne, %convert_element_type3A_54, %cond3A_55 : i32
      scf.if %cond3A_56 {
        %mul3A_84 = arith.constant 512 : i32
        %mul3A_85 = arith.muli %add3A_51, %mul3A_84 : i32
        %min3A = arith.constant 799488 : i32
        %min3A_86 = arith.minsi %mul3A_85, %min3A : i32
        %dma_start3A = arith.constant 0 : i32
        %dma_start3A_87 = tpu.memref_slice %arg2[%dma_start3A, %min3A_86] : memref<9x800000xf32, #tpu.memory_space<hbm>> -> memref<9x512xf32, #tpu.memory_space<hbm>>
        %dma_start3A_88 = arith.constant 0 : i32
        %dma_start3A_89 = tpu.memref_slice %arg2[%dma_start3A_88, %min3A_86] : memref<9x800000xf32, #tpu.memory_space<hbm>> -> memref<9x512xf32, #tpu.memory_space<hbm>>
        tpu.enqueue_dma source(%dma_start3A_89 : memref<9x512xf32, #tpu.memory_space<hbm>>) target(%arg6 : memref<9x512xf32, #tpu.memory_space<vmem>>) target_semaphore(%arg12 : memref<!tpu.dma_semaphore, #tpu.memory_space<semaphore_mem>>)
        %dma_start3A_90 = arith.constant 0 : i32
        %dma_start3A_91 = tpu.memref_slice %arg3[%dma_start3A_90, %min3A_86] : memref<9x800000xf32, #tpu.memory_space<hbm>> -> memref<9x512xf32, #tpu.memory_space<hbm>>
        %dma_start3A_92 = arith.constant 0 : i32
        %dma_start3A_93 = tpu.memref_slice %arg3[%dma_start3A_92, %min3A_86] : memref<9x800000xf32, #tpu.memory_space<hbm>> -> memref<9x512xf32, #tpu.memory_space<hbm>>
        tpu.enqueue_dma source(%dma_start3A_93 : memref<9x512xf32, #tpu.memory_space<hbm>>) target(%arg8 : memref<9x512xf32, #tpu.memory_space<vmem>>) target_semaphore(%arg14 : memref<!tpu.dma_semaphore, #tpu.memory_space<semaphore_mem>>)
      } else {
      }
      %lt3A_57 = arith.constant 1563 : i32
      %lt3A_58 = arith.cmpi slt, %add3A_46, %lt3A_57 : i32
      %convert_element_type3A_59 = arith.extui %lt3A_58 : i1 to i32
      %cond3A_60 = arith.constant 0 : i32
      %cond3A_61 = arith.cmpi ne, %convert_element_type3A_59, %cond3A_60 : i32
      scf.if %cond3A_61 {
        %mul3A_84 = arith.constant 512 : i32
        %mul3A_85 = arith.muli %add3A_46, %mul3A_84 : i32
        %min3A = arith.constant 799488 : i32
        %min3A_86 = arith.minsi %mul3A_85, %min3A : i32
        %dma_wait3A = arith.constant 0 : i32
        %dma_wait3A_87 = tpu.memref_slice %arg2[%dma_wait3A, %min3A_86] : memref<9x800000xf32, #tpu.memory_space<hbm>> -> memref<9x512xf32, #tpu.memory_space<hbm>>
        %dma_wait3A_88 = arith.constant 0 : i32
        %dma_wait3A_89 = tpu.memref_slice %arg2[%dma_wait3A_88, %min3A_86] : memref<9x800000xf32, #tpu.memory_space<hbm>> -> memref<9x512xf32, #tpu.memory_space<hbm>>
        tpu.wait_dma2 semaphore(%arg11 : memref<!tpu.dma_semaphore, #tpu.memory_space<semaphore_mem>>) src(%dma_wait3A_89 : memref<9x512xf32, #tpu.memory_space<hbm>>) dst(%arg5 : memref<9x512xf32, #tpu.memory_space<vmem>>)
        %dma_wait3A_90 = arith.constant 0 : i32
        %dma_wait3A_91 = tpu.memref_slice %arg3[%dma_wait3A_90, %min3A_86] : memref<9x800000xf32, #tpu.memory_space<hbm>> -> memref<9x512xf32, #tpu.memory_space<hbm>>
        %dma_wait3A_92 = arith.constant 0 : i32
        %dma_wait3A_93 = tpu.memref_slice %arg3[%dma_wait3A_92, %min3A_86] : memref<9x800000xf32, #tpu.memory_space<hbm>> -> memref<9x512xf32, #tpu.memory_space<hbm>>
        tpu.wait_dma2 semaphore(%arg13 : memref<!tpu.dma_semaphore, #tpu.memory_space<semaphore_mem>>) src(%dma_wait3A_93 : memref<9x512xf32, #tpu.memory_space<hbm>>) dst(%arg7 : memref<9x512xf32, #tpu.memory_space<vmem>>)
        %ge3A_94 = arith.constant 2 : i32
        %ge3A_95 = arith.cmpi sge, %mul3A_43, %ge3A_94 : i32
        %convert_element_type3A_96 = arith.extui %ge3A_95 : i1 to i32
        %cond3A_97 = arith.constant 0 : i32
        %cond3A_98 = arith.cmpi ne, %convert_element_type3A_96, %cond3A_97 : i32
        scf.if %cond3A_98 {
          %dma_wait3A_108 = arith.constant 0 : i32
          %dma_wait3A_109 = tpu.memref_slice %arg4[%dma_wait3A_108, %min3A_86] : memref<81x800000xf32, #tpu.memory_space<hbm>> -> memref<81x512xf32, #tpu.memory_space<hbm>>
          %dma_wait3A_110 = arith.constant 0 : i32
          %dma_wait3A_111 = tpu.memref_slice %arg4[%dma_wait3A_110, %min3A_86] : memref<81x800000xf32, #tpu.memory_space<hbm>> -> memref<81x512xf32, #tpu.memory_space<hbm>>
          tpu.wait_dma2 semaphore(%arg15 : memref<!tpu.dma_semaphore, #tpu.memory_space<semaphore_mem>>) src(%arg9 : memref<81x512xf32, #tpu.memory_space<vmem>>) dst(%dma_wait3A_111 : memref<81x512xf32, #tpu.memory_space<hbm>>)
        } else {
        }
        %scan3A_99 = arith.constant 0 : i32
        %scan3A_100 = arith.constant 0 : i32
        %scan3A_101 = arith.constant 32 : i32
        %scan3A_102 = arith.addi %scan3A_100, %scan3A_101 : i32
        %scan3A_103 = arith.constant 1 : i32
        scf.for %scan3A_108 = %scan3A_100 to %scan3A_102 step %scan3A_103  : i32 {
          %mul3A_109 = arith.constant 16 : i32
          %mul3A_110 = arith.muli %scan3A_108, %mul3A_109 : i32
          %get3A = arith.constant 0 : i32
          %get3A_111 = arith.index_cast %get3A : i32 to index
          %get3A_112 = arith.index_cast %mul3A_110 : i32 to index
          %get3A_113 = tpu.vector_load %arg5[%get3A_111, %get3A_112] {strides = array<i32>} : memref<9x512xf32, #tpu.memory_space<vmem>>, vector<16xf32>,
          %get3A_114 = arith.constant 1 : i32
          %get3A_115 = arith.index_cast %get3A_114 : i32 to index
          %get3A_116 = arith.index_cast %mul3A_110 : i32 to index
          %get3A_117 = tpu.vector_load %arg5[%get3A_115, %get3A_116] {strides = array<i32>} : memref<9x512xf32, #tpu.memory_space<vmem>>, vector<16xf32>,
          %get3A_118 = arith.constant 2 : i32
          %get3A_119 = arith.index_cast %get3A_118 : i32 to index
          %get3A_120 = arith.index_cast %mul3A_110 : i32 to index
          %get3A_121 = tpu.vector_load %arg5[%get3A_119, %get3A_120] {strides = array<i32>} : memref<9x512xf32, #tpu.memory_space<vmem>>, vector<16xf32>,
          %get3A_122 = arith.constant 3 : i32
          %get3A_123 = arith.index_cast %get3A_122 : i32 to index
          %get3A_124 = arith.index_cast %mul3A_110 : i32 to index
          %get3A_125 = tpu.vector_load %arg5[%get3A_123, %get3A_124] {strides = array<i32>} : memref<9x512xf32, #tpu.memory_space<vmem>>, vector<16xf32>,
          %get3A_126 = arith.constant 4 : i32
          %get3A_127 = arith.index_cast %get3A_126 : i32 to index
          %get3A_128 = arith.index_cast %mul3A_110 : i32 to index
          %get3A_129 = tpu.vector_load %arg5[%get3A_127, %get3A_128] {strides = array<i32>} : memref<9x512xf32, #tpu.memory_space<vmem>>, vector<16xf32>,
          %get3A_130 = arith.constant 5 : i32
          %get3A_131 = arith.index_cast %get3A_130 : i32 to index
          %get3A_132 = arith.index_cast %mul3A_110 : i32 to index
          %get3A_133 = tpu.vector_load %arg5[%get3A_131, %get3A_132] {strides = array<i32>} : memref<9x512xf32, #tpu.memory_space<vmem>>, vector<16xf32>,
          %get3A_134 = arith.constant 6 : i32
          %get3A_135 = arith.index_cast %get3A_134 : i32 to index
          %get3A_136 = arith.index_cast %mul3A_110 : i32 to index
          %get3A_137 = tpu.vector_load %arg5[%get3A_135, %get3A_136] {strides = array<i32>} : memref<9x512xf32, #tpu.memory_space<vmem>>, vector<16xf32>,
          %get3A_138 = arith.constant 7 : i32
          %get3A_139 = arith.index_cast %get3A_138 : i32 to index
          %get3A_140 = arith.index_cast %mul3A_110 : i32 to index
          %get3A_141 = tpu.vector_load %arg5[%get3A_139, %get3A_140] {strides = array<i32>} : memref<9x512xf32, #tpu.memory_space<vmem>>, vector<16xf32>,
          %get3A_142 = arith.constant 8 : i32
          %get3A_143 = arith.index_cast %get3A_142 : i32 to index
          %get3A_144 = arith.index_cast %mul3A_110 : i32 to index
          %get3A_145 = tpu.vector_load %arg5[%get3A_143, %get3A_144] {strides = array<i32>} : memref<9x512xf32, #tpu.memory_space<vmem>>, vector<16xf32>,
          %get3A_146 = arith.constant 0 : i32
          %get3A_147 = arith.index_cast %get3A_146 : i32 to index
          %get3A_148 = arith.index_cast %mul3A_110 : i32 to index
          %get3A_149 = tpu.vector_load %arg7[%get3A_147, %get3A_148] {strides = array<i32>} : memref<9x512xf32, #tpu.memory_space<vmem>>, vector<16xf32>,
          %get3A_150 = arith.constant 1 : i32
          %get3A_151 = arith.index_cast %get3A_150 : i32 to index
          %get3A_152 = arith.index_cast %mul3A_110 : i32 to index
          %get3A_153 = tpu.vector_load %arg7[%get3A_151, %get3A_152] {strides = array<i32>} : memref<9x512xf32, #tpu.memory_space<vmem>>, vector<16xf32>,
          %get3A_154 = arith.constant 2 : i32
          %get3A_155 = arith.index_cast %get3A_154 : i32 to index
          %get3A_156 = arith.index_cast %mul3A_110 : i32 to index
          %get3A_157 = tpu.vector_load %arg7[%get3A_155, %get3A_156] {strides = array<i32>} : memref<9x512xf32, #tpu.memory_space<vmem>>, vector<16xf32>,
          %get3A_158 = arith.constant 3 : i32
          %get3A_159 = arith.index_cast %get3A_158 : i32 to index
          %get3A_160 = arith.index_cast %mul3A_110 : i32 to index
          %get3A_161 = tpu.vector_load %arg7[%get3A_159, %get3A_160] {strides = array<i32>} : memref<9x512xf32, #tpu.memory_space<vmem>>, vector<16xf32>,
          %get3A_162 = arith.constant 4 : i32
          %get3A_163 = arith.index_cast %get3A_162 : i32 to index
          %get3A_164 = arith.index_cast %mul3A_110 : i32 to index
          %get3A_165 = tpu.vector_load %arg7[%get3A_163, %get3A_164] {strides = array<i32>} : memref<9x512xf32, #tpu.memory_space<vmem>>, vector<16xf32>,
          %get3A_166 = arith.constant 5 : i32
          %get3A_167 = arith.index_cast %get3A_166 : i32 to index
          %get3A_168 = arith.index_cast %mul3A_110 : i32 to index
          %get3A_169 = tpu.vector_load %arg7[%get3A_167, %get3A_168] {strides = array<i32>} : memref<9x512xf32, #tpu.memory_space<vmem>>, vector<16xf32>,
          %get3A_170 = arith.constant 6 : i32
          %get3A_171 = arith.index_cast %get3A_170 : i32 to index
          %get3A_172 = arith.index_cast %mul3A_110 : i32 to index
          %get3A_173 = tpu.vector_load %arg7[%get3A_171, %get3A_172] {strides = array<i32>} : memref<9x512xf32, #tpu.memory_space<vmem>>, vector<16xf32>,
          %get3A_174 = arith.constant 7 : i32
          %get3A_175 = arith.index_cast %get3A_174 : i32 to index
          %get3A_176 = arith.index_cast %mul3A_110 : i32 to index
          %get3A_177 = tpu.vector_load %arg7[%get3A_175, %get3A_176] {strides = array<i32>} : memref<9x512xf32, #tpu.memory_space<vmem>>, vector<16xf32>,
          %get3A_178 = arith.constant 8 : i32
          %get3A_179 = arith.index_cast %get3A_178 : i32 to index
          %get3A_180 = arith.index_cast %mul3A_110 : i32 to index
          %get3A_181 = tpu.vector_load %arg7[%get3A_179, %get3A_180] {strides = array<i32>} : memref<9x512xf32, #tpu.memory_space<vmem>>, vector<16xf32>,
          %mul3A_182 = arith.mulf %get3A_113, %get3A_149 : vector<16xf32>
          %swap3A = arith.constant 0 : i32
          %swap3A_183 = arith.index_cast %swap3A : i32 to index
          %swap3A_184 = arith.index_cast %mul3A_110 : i32 to index
          %swap3A_185 = tpu.vector_load %arg9[%swap3A_183, %swap3A_184] {strides = array<i32>} : memref<81x512xf32, #tpu.memory_space<vmem>>, vector<16xf32>,
          tpu.vector_store %arg9[%swap3A_183, %swap3A_184], %mul3A_182 {strides = array<i32>} : memref<81x512xf32, #tpu.memory_space<vmem>>, vector<16xf32>,
          %mul3A_186 = arith.mulf %get3A_117, %get3A_153 : vector<16xf32>
          %mul3A_187 = arith.mulf %get3A_117, %get3A_157 : vector<16xf32>
          %mul3A_188 = arith.mulf %get3A_117, %get3A_161 : vector<16xf32>
          %mul3A_189 = arith.mulf %get3A_121, %get3A_153 : vector<16xf32>
          %mul3A_190 = arith.mulf %get3A_121, %get3A_157 : vector<16xf32>
          %mul3A_191 = arith.mulf %get3A_121, %get3A_161 : vector<16xf32>
          %mul3A_192 = arith.mulf %get3A_125, %get3A_153 : vector<16xf32>
          %mul3A_193 = arith.mulf %get3A_125, %get3A_157 : vector<16xf32>
          %mul3A_194 = arith.mulf %get3A_125, %get3A_161 : vector<16xf32>
          %add3A_195 = arith.addf %mul3A_186, %mul3A_190 : vector<16xf32>
          %add3A_196 = arith.addf %add3A_195, %mul3A_194 : vector<16xf32>
          %mul3A_197 = arith.constant 0.577350259 : f32
          %mul3A_198 = vector.broadcast %mul3A_197 : f32 to vector<16xf32>
          %mul3A_199 = arith.mulf %add3A_196, %mul3A_198 : vector<16xf32>
          %swap3A_200 = arith.constant 1 : i32
          %swap3A_201 = arith.index_cast %swap3A_200 : i32 to index
          %swap3A_202 = arith.index_cast %mul3A_110 : i32 to index
          %swap3A_203 = tpu.vector_load %arg9[%swap3A_201, %swap3A_202] {strides = array<i32>} : memref<81x512xf32, #tpu.memory_space<vmem>>, vector<16xf32>,
          tpu.vector_store %arg9[%swap3A_201, %swap3A_202], %mul3A_199 {strides = array<i32>} : memref<81x512xf32, #tpu.memory_space<vmem>>, vector<16xf32>,
          %sub3A_204 = arith.subf %mul3A_191, %mul3A_193 : vector<16xf32>
          %mul3A_205 = arith.constant 0.707106769 : f32
          %mul3A_206 = vector.broadcast %mul3A_205 : f32 to vector<16xf32>
          %mul3A_207 = arith.mulf %sub3A_204, %mul3A_206 : vector<16xf32>
          %swap3A_208 = arith.constant 9 : i32
          %swap3A_209 = arith.index_cast %swap3A_208 : i32 to index
          %swap3A_210 = arith.index_cast %mul3A_110 : i32 to index
          %swap3A_211 = tpu.vector_load %arg9[%swap3A_209, %swap3A_210] {strides = array<i32>} : memref<81x512xf32, #tpu.memory_space<vmem>>, vector<16xf32>,
          tpu.vector_store %arg9[%swap3A_209, %swap3A_210], %mul3A_207 {strides = array<i32>} : memref<81x512xf32, #tpu.memory_space<vmem>>, vector<16xf32>,
          %neg3A = arith.constant 0.000000e+00 : f32
          %neg3A_212 = vector.broadcast %neg3A : f32 to vector<16xf32>
          %neg3A_213 = arith.subf %neg3A_212, %mul3A_188 : vector<16xf32>
          %add3A_214 = arith.addf %neg3A_213, %mul3A_192 : vector<16xf32>
          %mul3A_215 = arith.constant 0.707106769 : f32
          %mul3A_216 = vector.broadcast %mul3A_215 : f32 to vector<16xf32>
          %mul3A_217 = arith.mulf %add3A_214, %mul3A_216 : vector<16xf32>
          %swap3A_218 = arith.constant 10 : i32
          %swap3A_219 = arith.index_cast %swap3A_218 : i32 to index
          %swap3A_220 = arith.index_cast %mul3A_110 : i32 to index
          %swap3A_221 = tpu.vector_load %arg9[%swap3A_219, %swap3A_220] {strides = array<i32>} : memref<81x512xf32, #tpu.memory_space<vmem>>, vector<16xf32>,
          tpu.vector_store %arg9[%swap3A_219, %swap3A_220], %mul3A_217 {strides = array<i32>} : memref<81x512xf32, #tpu.memory_space<vmem>>, vector<16xf32>,
          %sub3A_222 = arith.subf %mul3A_187, %mul3A_189 : vector<16xf32>
          %mul3A_223 = arith.constant 0.707106769 : f32
          %mul3A_224 = vector.broadcast %mul3A_223 : f32 to vector<16xf32>
          %mul3A_225 = arith.mulf %sub3A_222, %mul3A_224 : vector<16xf32>
          %swap3A_226 = arith.constant 11 : i32
          %swap3A_227 = arith.index_cast %swap3A_226 : i32 to index
          %swap3A_228 = arith.index_cast %mul3A_110 : i32 to index
          %swap3A_229 = tpu.vector_load %arg9[%swap3A_227, %swap3A_228] {strides = array<i32>} : memref<81x512xf32, #tpu.memory_space<vmem>>, vector<16xf32>,
          tpu.vector_store %arg9[%swap3A_227, %swap3A_228], %mul3A_225 {strides = array<i32>} : memref<81x512xf32, #tpu.memory_space<vmem>>, vector<16xf32>,
          %add3A_230 = arith.addf %mul3A_188, %mul3A_192 : vector<16xf32>
          %mul3A_231 = arith.constant 0.707106769 : f32
          %mul3A_232 = vector.broadcast %mul3A_231 : f32 to vector<16xf32>
          %mul3A_233 = arith.mulf %add3A_230, %mul3A_232 : vector<16xf32>
          %swap3A_234 = arith.constant 26 : i32
          %swap3A_235 = arith.index_cast %swap3A_234 : i32 to index
          %swap3A_236 = arith.index_cast %mul3A_110 : i32 to index
          %swap3A_237 = tpu.vector_load %arg9[%swap3A_235, %swap3A_236] {strides = array<i32>} : memref<81x512xf32, #tpu.memory_space<vmem>>, vector<16xf32>,
          tpu.vector_store %arg9[%swap3A_235, %swap3A_236], %mul3A_233 {strides = array<i32>} : memref<81x512xf32, #tpu.memory_space<vmem>>, vector<16xf32>,
          %add3A_238 = arith.addf %mul3A_187, %mul3A_189 : vector<16xf32>
          %mul3A_239 = arith.constant 0.707106769 : f32
          %mul3A_240 = vector.broadcast %mul3A_239 : f32 to vector<16xf32>
          %mul3A_241 = arith.mulf %add3A_238, %mul3A_240 : vector<16xf32>
          %swap3A_242 = arith.constant 27 : i32
          %swap3A_243 = arith.index_cast %swap3A_242 : i32 to index
          %swap3A_244 = arith.index_cast %mul3A_110 : i32 to index
          %swap3A_245 = tpu.vector_load %arg9[%swap3A_243, %swap3A_244] {strides = array<i32>} : memref<81x512xf32, #tpu.memory_space<vmem>>, vector<16xf32>,
          tpu.vector_store %arg9[%swap3A_243, %swap3A_244], %mul3A_241 {strides = array<i32>} : memref<81x512xf32, #tpu.memory_space<vmem>>, vector<16xf32>,
          %neg3A_246 = arith.constant 0.000000e+00 : f32
          %neg3A_247 = vector.broadcast %neg3A_246 : f32 to vector<16xf32>
          %neg3A_248 = arith.subf %neg3A_247, %mul3A_186 : vector<16xf32>
          %sub3A_249 = arith.subf %neg3A_248, %mul3A_194 : vector<16xf32>
          %mul3A_250 = arith.constant 0.408248305 : f32
          %mul3A_251 = vector.broadcast %mul3A_250 : f32 to vector<16xf32>
          %mul3A_252 = arith.mulf %sub3A_249, %mul3A_251 : vector<16xf32>
          %mul3A_253 = arith.constant 0.816496611 : f32
          %mul3A_254 = vector.broadcast %mul3A_253 : f32 to vector<16xf32>
          %mul3A_255 = arith.mulf %mul3A_190, %mul3A_254 : vector<16xf32>
          %add3A_256 = arith.addf %mul3A_252, %mul3A_255 : vector<16xf32>
          %swap3A_257 = arith.constant 28 : i32
          %swap3A_258 = arith.index_cast %swap3A_257 : i32 to index
          %swap3A_259 = arith.index_cast %mul3A_110 : i32 to index
          %swap3A_260 = tpu.vector_load %arg9[%swap3A_258, %swap3A_259] {strides = array<i32>} : memref<81x512xf32, #tpu.memory_space<vmem>>, vector<16xf32>,
          tpu.vector_store %arg9[%swap3A_258, %swap3A_259], %add3A_256 {strides = array<i32>} : memref<81x512xf32, #tpu.memory_space<vmem>>, vector<16xf32>,
          %add3A_261 = arith.addf %mul3A_191, %mul3A_193 : vector<16xf32>
          %mul3A_262 = arith.constant 0.707106769 : f32
          %mul3A_263 = vector.broadcast %mul3A_262 : f32 to vector<16xf32>
          %mul3A_264 = arith.mulf %add3A_261, %mul3A_263 : vector<16xf32>
          %swap3A_265 = arith.constant 29 : i32
          %swap3A_266 = arith.index_cast %swap3A_265 : i32 to index
          %swap3A_267 = arith.index_cast %mul3A_110 : i32 to index
          %swap3A_268 = tpu.vector_load %arg9[%swap3A_266, %swap3A_267] {strides = array<i32>} : memref<81x512xf32, #tpu.memory_space<vmem>>, vector<16xf32>,
          tpu.vector_store %arg9[%swap3A_266, %swap3A_267], %mul3A_264 {strides = array<i32>} : memref<81x512xf32, #tpu.memory_space<vmem>>, vector<16xf32>,
          %neg3A_269 = arith.constant 0.000000e+00 : f32
          %neg3A_270 = vector.broadcast %neg3A_269 : f32 to vector<16xf32>
          %neg3A_271 = arith.subf %neg3A_270, %mul3A_186 : vector<16xf32>
          %add3A_272 = arith.addf %neg3A_271, %mul3A_194 : vector<16xf32>
          %mul3A_273 = arith.constant 0.707106769 : f32
          %mul3A_274 = vector.broadcast %mul3A_273 : f32 to vector<16xf32>
          %mul3A_275 = arith.mulf %add3A_272, %mul3A_274 : vector<16xf32>
          %swap3A_276 = arith.constant 30 : i32
          %swap3A_277 = arith.index_cast %swap3A_276 : i32 to index
          %swap3A_278 = arith.index_cast %mul3A_110 : i32 to index
          %swap3A_279 = tpu.vector_load %arg9[%swap3A_277, %swap3A_278] {strides = array<i32>} : memref<81x512xf32, #tpu.memory_space<vmem>>, vector<16xf32>,
          tpu.vector_store %arg9[%swap3A_277, %swap3A_278], %mul3A_275 {strides = array<i32>} : memref<81x512xf32, #tpu.memory_space<vmem>>, vector<16xf32>,
          %mul3A_280 = arith.mulf %get3A_129, %get3A_165 : vector<16xf32>
          %mul3A_281 = arith.mulf %get3A_129, %get3A_169 : vector<16xf32>
          %mul3A_282 = arith.mulf %get3A_129, %get3A_173 : vector<16xf32>
          %mul3A_283 = arith.mulf %get3A_129, %get3A_177 : vector<16xf32>
          %mul3A_284 = arith.mulf %get3A_129, %get3A_181 : vector<16xf32>
          %mul3A_285 = arith.mulf %get3A_133, %get3A_165 : vector<16xf32>
          %mul3A_286 = arith.mulf %get3A_133, %get3A_169 : vector<16xf32>
          %mul3A_287 = arith.mulf %get3A_133, %get3A_173 : vector<16xf32>
          %mul3A_288 = arith.mulf %get3A_133, %get3A_177 : vector<16xf32>
          %mul3A_289 = arith.mulf %get3A_133, %get3A_181 : vector<16xf32>
          %mul3A_290 = arith.mulf %get3A_137, %get3A_165 : vector<16xf32>
          %mul3A_291 = arith.mulf %get3A_137, %get3A_169 : vector<16xf32>
          %mul3A_292 = arith.mulf %get3A_137, %get3A_173 : vector<16xf32>
          %mul3A_293 = arith.mulf %get3A_137, %get3A_177 : vector<16xf32>
          %mul3A_294 = arith.mulf %get3A_137, %get3A_181 : vector<16xf32>
          %mul3A_295 = arith.mulf %get3A_141, %get3A_165 : vector<16xf32>
          %mul3A_296 = arith.mulf %get3A_141, %get3A_169 : vector<16xf32>
          %mul3A_297 = arith.mulf %get3A_141, %get3A_173 : vector<16xf32>
          %mul3A_298 = arith.mulf %get3A_141, %get3A_177 : vector<16xf32>
          %mul3A_299 = arith.mulf %get3A_141, %get3A_181 : vector<16xf32>
          %mul3A_300 = arith.mulf %get3A_145, %get3A_165 : vector<16xf32>
          %mul3A_301 = arith.mulf %get3A_145, %get3A_169 : vector<16xf32>
          %mul3A_302 = arith.mulf %get3A_145, %get3A_173 : vector<16xf32>
          %mul3A_303 = arith.mulf %get3A_145, %get3A_177 : vector<16xf32>
          %mul3A_304 = arith.mulf %get3A_145, %get3A_181 : vector<16xf32>
          %add3A_305 = arith.addf %mul3A_280, %mul3A_286 : vector<16xf32>
          %add3A_306 = arith.addf %add3A_305, %mul3A_292 : vector<16xf32>
          %add3A_307 = arith.addf %add3A_306, %mul3A_298 : vector<16xf32>
          %add3A_308 = arith.addf %add3A_307, %mul3A_304 : vector<16xf32>
          %mul3A_309 = arith.constant 0.44721359 : f32
          %mul3A_310 = vector.broadcast %mul3A_309 : f32 to vector<16xf32>
          %mul3A_311 = arith.mulf %add3A_308, %mul3A_310 : vector<16xf32>
          %swap3A_312 = arith.constant 2 : i32
          %swap3A_313 = arith.index_cast %swap3A_312 : i32 to index
          %swap3A_314 = arith.index_cast %mul3A_110 : i32 to index
          %swap3A_315 = tpu.vector_load %arg9[%swap3A_313, %swap3A_314] {strides = array<i32>} : memref<81x512xf32, #tpu.memory_space<vmem>>, vector<16xf32>,
          tpu.vector_store %arg9[%swap3A_313, %swap3A_314], %mul3A_311 {strides = array<i32>} : memref<81x512xf32, #tpu.memory_space<vmem>>, vector<16xf32>,
          %neg3A_316 = arith.constant 0.000000e+00 : f32
          %neg3A_317 = vector.broadcast %neg3A_316 : f32 to vector<16xf32>
          %neg3A_318 = arith.subf %neg3A_317, %mul3A_281 : vector<16xf32>
          %add3A_319 = arith.addf %neg3A_318, %mul3A_285 : vector<16xf32>
          %add3A_320 = arith.addf %add3A_319, %mul3A_299 : vector<16xf32>
          %sub3A_321 = arith.subf %add3A_320, %mul3A_303 : vector<16xf32>
          %mul3A_322 = arith.constant 0.316227764 : f32
          %mul3A_323 = vector.broadcast %mul3A_322 : f32 to vector<16xf32>
          %mul3A_324 = arith.mulf %sub3A_321, %mul3A_323 : vector<16xf32>
          %sub3A_325 = arith.subf %mul3A_293, %mul3A_297 : vector<16xf32>
          %mul3A_326 = arith.constant 0.547722578 : f32
          %mul3A_327 = vector.broadcast %mul3A_326 : f32 to vector<16xf32>
          %mul3A_328 = arith.mulf %sub3A_325, %mul3A_327 : vector<16xf32>
          %add3A_329 = arith.addf %mul3A_324, %mul3A_328 : vector<16xf32>
          %swap3A_330 = arith.constant 18 : i32
          %swap3A_331 = arith.index_cast %swap3A_330 : i32 to index
          %swap3A_332 = arith.index_cast %mul3A_110 : i32 to index
          %swap3A_333 = tpu.vector_load %arg9[%swap3A_331, %swap3A_332] {strides = array<i32>} : memref<81x512xf32, #tpu.memory_space<vmem>>, vector<16xf32>,
          tpu.vector_store %arg9[%swap3A_331, %swap3A_332], %add3A_329 {strides = array<i32>} : memref<81x512xf32, #tpu.memory_space<vmem>>, vector<16xf32>,
          %neg3A_334 = arith.constant 0.000000e+00 : f32
          %neg3A_335 = vector.broadcast %neg3A_334 : f32 to vector<16xf32>
          %neg3A_336 = arith.subf %neg3A_335, %mul3A_288 : vector<16xf32>
          %add3A_337 = arith.addf %neg3A_336, %mul3A_296 : vector<16xf32>
          %mul3A_338 = arith.constant 0.316227764 : f32
          %mul3A_339 = vector.broadcast %mul3A_338 : f32 to vector<16xf32>
          %mul3A_340 = arith.mulf %add3A_337, %mul3A_339 : vector<16xf32>
          %neg3A_341 = arith.constant 0.000000e+00 : f32
          %neg3A_342 = vector.broadcast %neg3A_341 : f32 to vector<16xf32>
          %neg3A_343 = arith.subf %neg3A_342, %mul3A_284 : vector<16xf32>
          %add3A_344 = arith.addf %neg3A_343, %mul3A_300 : vector<16xf32>
          %mul3A_345 = arith.constant 0.632455527 : f32
          %mul3A_346 = vector.broadcast %mul3A_345 : f32 to vector<16xf32>
          %mul3A_347 = arith.mulf %add3A_344, %mul3A_346 : vector<16xf32>
          %add3A_348 = arith.addf %mul3A_340, %mul3A_347 : vector<16xf32>
          %swap3A_349 = arith.constant 19 : i32
          %swap3A_350 = arith.index_cast %swap3A_349 : i32 to index
          %swap3A_351 = arith.index_cast %mul3A_110 : i32 to index
          %swap3A_352 = tpu.vector_load %arg9[%swap3A_350, %swap3A_351] {strides = array<i32>} : memref<81x512xf32, #tpu.memory_space<vmem>>, vector<16xf32>,
          tpu.vector_store %arg9[%swap3A_350, %swap3A_351], %add3A_348 {strides = array<i32>} : memref<81x512xf32, #tpu.memory_space<vmem>>, vector<16xf32>,
          %add3A_353 = arith.addf %mul3A_283, %mul3A_289 : vector<16xf32>
          %sub3A_354 = arith.subf %add3A_353, %mul3A_295 : vector<16xf32>
          %sub3A_355 = arith.subf %sub3A_354, %mul3A_301 : vector<16xf32>
          %mul3A_356 = arith.constant 0.316227764 : f32
          %mul3A_357 = vector.broadcast %mul3A_356 : f32 to vector<16xf32>
          %mul3A_358 = arith.mulf %sub3A_355, %mul3A_357 : vector<16xf32>
          %sub3A_359 = arith.subf %mul3A_287, %mul3A_291 : vector<16xf32>
          %mul3A_360 = arith.constant 0.547722578 : f32
          %mul3A_361 = vector.broadcast %mul3A_360 : f32 to vector<16xf32>
          %mul3A_362 = arith.mulf %sub3A_359, %mul3A_361 : vector<16xf32>
          %add3A_363 = arith.addf %mul3A_358, %mul3A_362 : vector<16xf32>
          %swap3A_364 = arith.constant 20 : i32
          %swap3A_365 = arith.index_cast %swap3A_364 : i32 to index
          %swap3A_366 = arith.index_cast %mul3A_110 : i32 to index
          %swap3A_367 = tpu.vector_load %arg9[%swap3A_365, %swap3A_366] {strides = array<i32>} : memref<81x512xf32, #tpu.memory_space<vmem>>, vector<16xf32>,
          tpu.vector_store %arg9[%swap3A_365, %swap3A_366], %add3A_363 {strides = array<i32>} : memref<81x512xf32, #tpu.memory_space<vmem>>, vector<16xf32>,
          %add3A_368 = arith.addf %mul3A_288, %mul3A_296 : vector<16xf32>
          %mul3A_369 = arith.constant 0.462910056 : f32
          %mul3A_370 = vector.broadcast %mul3A_369 : f32 to vector<16xf32>
          %mul3A_371 = arith.mulf %add3A_368, %mul3A_370 : vector<16xf32>
          %neg3A_372 = arith.constant 0.000000e+00 : f32
          %neg3A_373 = vector.broadcast %neg3A_372 : f32 to vector<16xf32>
          %neg3A_374 = arith.subf %neg3A_373, %mul3A_282 : vector<16xf32>
          %sub3A_375 = arith.subf %neg3A_374, %mul3A_290 : vector<16xf32>
          %mul3A_376 = arith.constant 0.534522474 : f32
          %mul3A_377 = vector.broadcast %mul3A_376 : f32 to vector<16xf32>
          %mul3A_378 = arith.mulf %sub3A_375, %mul3A_377 : vector<16xf32>
          %add3A_379 = arith.addf %mul3A_371, %mul3A_378 : vector<16xf32>
          %swap3A_380 = arith.constant 46 : i32
          %swap3A_381 = arith.index_cast %swap3A_380 : i32 to index
          %swap3A_382 = arith.index_cast %mul3A_110 : i32 to index
          %swap3A_383 = tpu.vector_load %arg9[%swap3A_381, %swap3A_382] {strides = array<i32>} : memref<81x512xf32, #tpu.memory_space<vmem>>, vector<16xf32>,
          tpu.vector_store %arg9[%swap3A_381, %swap3A_382], %add3A_379 {strides = array<i32>} : memref<81x512xf32, #tpu.memory_space<vmem>>, vector<16xf32>,
          %add3A_384 = arith.addf %mul3A_287, %mul3A_291 : vector<16xf32>
          %mul3A_385 = arith.constant 0.267261237 : f32
          %mul3A_386 = vector.broadcast %mul3A_385 : f32 to vector<16xf32>
          %mul3A_387 = arith.mulf %add3A_384, %mul3A_386 : vector<16xf32>
          %sub3A_388 = arith.subf %mul3A_283, %mul3A_289 : vector<16xf32>
          %add3A_389 = arith.addf %sub3A_388, %mul3A_295 : vector<16xf32>
          %sub3A_390 = arith.subf %add3A_389, %mul3A_301 : vector<16xf32>
          %mul3A_391 = arith.constant 0.462910056 : f32
          %mul3A_392 = vector.broadcast %mul3A_391 : f32 to vector<16xf32>
          %mul3A_393 = arith.mulf %sub3A_390, %mul3A_392 : vector<16xf32>
          %add3A_394 = arith.addf %mul3A_387, %mul3A_393 : vector<16xf32>
          %swap3A_395 = arith.constant 47 : i32
          %swap3A_396 = arith.index_cast %swap3A_395 : i32 to index
          %swap3A_397 = arith.index_cast %mul3A_110 : i32 to index
          %swap3A_398 = tpu.vector_load %arg9[%swap3A_396, %swap3A_397] {strides = array<i32>} : memref<81x512xf32, #tpu.memory_space<vmem>>, vector<16xf32>,
          tpu.vector_store %arg9[%swap3A_396, %swap3A_397], %add3A_394 {strides = array<i32>} : memref<81x512xf32, #tpu.memory_space<vmem>>, vector<16xf32>,
          %add3A_399 = arith.addf %mul3A_286, %mul3A_298 : vector<16xf32>
          %mul3A_400 = arith.constant 0.267261237 : f32
          %mul3A_401 = vector.broadcast %mul3A_400 : f32 to vector<16xf32>
          %mul3A_402 = arith.mulf %add3A_399, %mul3A_401 : vector<16xf32>
          %neg3A_403 = arith.constant 0.000000e+00 : f32
          %neg3A_404 = vector.broadcast %neg3A_403 : f32 to vector<16xf32>
          %neg3A_405 = arith.subf %neg3A_404, %mul3A_280 : vector<16xf32>
          %add3A_406 = arith.addf %neg3A_405, %mul3A_292 : vector<16xf32>
          %sub3A_407 = arith.subf %add3A_406, %mul3A_304 : vector<16xf32>
          %mul3A_408 = arith.constant 0.534522474 : f32
          %mul3A_409 = vector.broadcast %mul3A_408 : f32 to vector<16xf32>
          %mul3A_410 = arith.mulf %sub3A_407, %mul3A_409 : vector<16xf32>
          %add3A_411 = arith.addf %mul3A_402, %mul3A_410 : vector<16xf32>
          %swap3A_412 = arith.constant 48 : i32
          %swap3A_413 = arith.index_cast %swap3A_412 : i32 to index
          %swap3A_414 = arith.index_cast %mul3A_110 : i32 to index
          %swap3A_415 = tpu.vector_load %arg9[%swap3A_413, %swap3A_414] {strides = array<i32>} : memref<81x512xf32, #tpu.memory_space<vmem>>, vector<16xf32>,
          tpu.vector_store %arg9[%swap3A_413, %swap3A_414], %add3A_411 {strides = array<i32>} : memref<81x512xf32, #tpu.memory_space<vmem>>, vector<16xf32>,
          %add3A_416 = arith.addf %mul3A_293, %mul3A_297 : vector<16xf32>
          %mul3A_417 = arith.constant 0.267261237 : f32
          %mul3A_418 = vector.broadcast %mul3A_417 : f32 to vector<16xf32>
          %mul3A_419 = arith.mulf %add3A_416, %mul3A_418 : vector<16xf32>
          %add3A_420 = arith.addf %mul3A_281, %mul3A_285 : vector<16xf32>
          %add3A_421 = arith.addf %add3A_420, %mul3A_299 : vector<16xf32>
          %add3A_422 = arith.addf %add3A_421, %mul3A_303 : vector<16xf32>
          %mul3A_423 = arith.constant 0.462910056 : f32
          %mul3A_424 = vector.broadcast %mul3A_423 : f32 to vector<16xf32>
          %mul3A_425 = arith.mulf %add3A_422, %mul3A_424 : vector<16xf32>
          %add3A_426 = arith.addf %mul3A_419, %mul3A_425 : vector<16xf32>
          %swap3A_427 = arith.constant 49 : i32
          %swap3A_428 = arith.index_cast %swap3A_427 : i32 to index
          %swap3A_429 = arith.index_cast %mul3A_110 : i32 to index
          %swap3A_430 = tpu.vector_load %arg9[%swap3A_428, %swap3A_429] {strides = array<i32>} : memref<81x512xf32, #tpu.memory_space<vmem>>, vector<16xf32>,
          tpu.vector_store %arg9[%swap3A_428, %swap3A_429], %add3A_426 {strides = array<i32>} : memref<81x512xf32, #tpu.memory_space<vmem>>, vector<16xf32>,
          %neg3A_431 = arith.constant 0.000000e+00 : f32
          %neg3A_432 = vector.broadcast %neg3A_431 : f32 to vector<16xf32>
          %neg3A_433 = arith.subf %neg3A_432, %mul3A_286 : vector<16xf32>
          %add3A_434 = arith.addf %neg3A_433, %mul3A_298 : vector<16xf32>
          %mul3A_435 = arith.constant 0.462910056 : f32
          %mul3A_436 = vector.broadcast %mul3A_435 : f32 to vector<16xf32>
          %mul3A_437 = arith.mulf %add3A_434, %mul3A_436 : vector<16xf32>
          %neg3A_438 = arith.constant 0.000000e+00 : f32
          %neg3A_439 = vector.broadcast %neg3A_438 : f32 to vector<16xf32>
          %neg3A_440 = arith.subf %neg3A_439, %mul3A_294 : vector<16xf32>
          %sub3A_441 = arith.subf %neg3A_440, %mul3A_302 : vector<16xf32>
          %mul3A_442 = arith.constant 0.534522474 : f32
          %mul3A_443 = vector.broadcast %mul3A_442 : f32 to vector<16xf32>
          %mul3A_444 = arith.mulf %sub3A_441, %mul3A_443 : vector<16xf32>
          %add3A_445 = arith.addf %mul3A_437, %mul3A_444 : vector<16xf32>
          %swap3A_446 = arith.constant 50 : i32
          %swap3A_447 = arith.index_cast %swap3A_446 : i32 to index
          %swap3A_448 = arith.index_cast %mul3A_110 : i32 to index
          %swap3A_449 = tpu.vector_load %arg9[%swap3A_447, %swap3A_448] {strides = array<i32>} : memref<81x512xf32, #tpu.memory_space<vmem>>, vector<16xf32>,
          tpu.vector_store %arg9[%swap3A_447, %swap3A_448], %add3A_445 {strides = array<i32>} : memref<81x512xf32, #tpu.memory_space<vmem>>, vector<16xf32>,
          %sub3A_450 = arith.subf %mul3A_281, %mul3A_285 : vector<16xf32>
          %add3A_451 = arith.addf %sub3A_450, %mul3A_299 : vector<16xf32>
          %sub3A_452 = arith.subf %add3A_451, %mul3A_303 : vector<16xf32>
          %mul3A_453 = arith.constant 5.000000e-01 : f32
          %mul3A_454 = vector.broadcast %mul3A_453 : f32 to vector<16xf32>
          %mul3A_455 = arith.mulf %sub3A_452, %mul3A_454 : vector<16xf32>
          %swap3A_456 = arith.constant 65 : i32
          %swap3A_457 = arith.index_cast %swap3A_456 : i32 to index
          %swap3A_458 = arith.index_cast %mul3A_110 : i32 to index
          %swap3A_459 = tpu.vector_load %arg9[%swap3A_457, %swap3A_458] {strides = array<i32>} : memref<81x512xf32, #tpu.memory_space<vmem>>, vector<16xf32>,
          tpu.vector_store %arg9[%swap3A_457, %swap3A_458], %mul3A_455 {strides = array<i32>} : memref<81x512xf32, #tpu.memory_space<vmem>>, vector<16xf32>,
          %sub3A_460 = arith.subf %mul3A_294, %mul3A_302 : vector<16xf32>
          %mul3A_461 = arith.constant 0.707106769 : f32
          %mul3A_462 = vector.broadcast %mul3A_461 : f32 to vector<16xf32>
          %mul3A_463 = arith.mulf %sub3A_460, %mul3A_462 : vector<16xf32>
          %swap3A_464 = arith.constant 66 : i32
          %swap3A_465 = arith.index_cast %swap3A_464 : i32 to index
          %swap3A_466 = arith.index_cast %mul3A_110 : i32 to index
          %swap3A_467 = tpu.vector_load %arg9[%swap3A_465, %swap3A_466] {strides = array<i32>} : memref<81x512xf32, #tpu.memory_space<vmem>>, vector<16xf32>,
          tpu.vector_store %arg9[%swap3A_465, %swap3A_466], %mul3A_463 {strides = array<i32>} : memref<81x512xf32, #tpu.memory_space<vmem>>, vector<16xf32>,
          %sub3A_468 = arith.subf %mul3A_281, %mul3A_285 : vector<16xf32>
          %sub3A_469 = arith.subf %sub3A_468, %mul3A_299 : vector<16xf32>
          %add3A_470 = arith.addf %sub3A_469, %mul3A_303 : vector<16xf32>
          %mul3A_471 = arith.constant 0.387298346 : f32
          %mul3A_472 = vector.broadcast %mul3A_471 : f32 to vector<16xf32>
          %mul3A_473 = arith.mulf %add3A_470, %mul3A_472 : vector<16xf32>
          %sub3A_474 = arith.subf %mul3A_293, %mul3A_297 : vector<16xf32>
          %mul3A_475 = arith.constant 0.44721359 : f32
          %mul3A_476 = vector.broadcast %mul3A_475 : f32 to vector<16xf32>
          %mul3A_477 = arith.mulf %sub3A_474, %mul3A_476 : vector<16xf32>
          %add3A_478 = arith.addf %mul3A_473, %mul3A_477 : vector<16xf32>
          %swap3A_479 = arith.constant 67 : i32
          %swap3A_480 = arith.index_cast %swap3A_479 : i32 to index
          %swap3A_481 = arith.index_cast %mul3A_110 : i32 to index
          %swap3A_482 = tpu.vector_load %arg9[%swap3A_480, %swap3A_481] {strides = array<i32>} : memref<81x512xf32, #tpu.memory_space<vmem>>, vector<16xf32>,
          tpu.vector_store %arg9[%swap3A_480, %swap3A_481], %add3A_478 {strides = array<i32>} : memref<81x512xf32, #tpu.memory_space<vmem>>, vector<16xf32>,
          %sub3A_483 = arith.subf %mul3A_284, %mul3A_300 : vector<16xf32>
          %mul3A_484 = arith.constant 0.316227764 : f32
          %mul3A_485 = vector.broadcast %mul3A_484 : f32 to vector<16xf32>
          %mul3A_486 = arith.mulf %sub3A_483, %mul3A_485 : vector<16xf32>
          %neg3A_487 = arith.constant 0.000000e+00 : f32
          %neg3A_488 = vector.broadcast %neg3A_487 : f32 to vector<16xf32>
          %neg3A_489 = arith.subf %neg3A_488, %mul3A_288 : vector<16xf32>
          %add3A_490 = arith.addf %neg3A_489, %mul3A_296 : vector<16xf32>
          %mul3A_491 = arith.constant 0.632455527 : f32
          %mul3A_492 = vector.broadcast %mul3A_491 : f32 to vector<16xf32>
          %mul3A_493 = arith.mulf %add3A_490, %mul3A_492 : vector<16xf32>
          %add3A_494 = arith.addf %mul3A_486, %mul3A_493 : vector<16xf32>
          %swap3A_495 = arith.constant 68 : i32
          %swap3A_496 = arith.index_cast %swap3A_495 : i32 to index
          %swap3A_497 = arith.index_cast %mul3A_110 : i32 to index
          %swap3A_498 = tpu.vector_load %arg9[%swap3A_496, %swap3A_497] {strides = array<i32>} : memref<81x512xf32, #tpu.memory_space<vmem>>, vector<16xf32>,
          tpu.vector_store %arg9[%swap3A_496, %swap3A_497], %add3A_494 {strides = array<i32>} : memref<81x512xf32, #tpu.memory_space<vmem>>, vector<16xf32>,
          %neg3A_499 = arith.constant 0.000000e+00 : f32
          %neg3A_500 = vector.broadcast %neg3A_499 : f32 to vector<16xf32>
          %neg3A_501 = arith.subf %neg3A_500, %mul3A_283 : vector<16xf32>
          %sub3A_502 = arith.subf %neg3A_501, %mul3A_289 : vector<16xf32>
          %add3A_503 = arith.addf %sub3A_502, %mul3A_295 : vector<16xf32>
          %add3A_504 = arith.addf %add3A_503, %mul3A_301 : vector<16xf32>
          %mul3A_505 = arith.constant 0.387298346 : f32
          %mul3A_506 = vector.broadcast %mul3A_505 : f32 to vector<16xf32>
          %mul3A_507 = arith.mulf %add3A_504, %mul3A_506 : vector<16xf32>
          %sub3A_508 = arith.subf %mul3A_287, %mul3A_291 : vector<16xf32>
          %mul3A_509 = arith.constant 0.44721359 : f32
          %mul3A_510 = vector.broadcast %mul3A_509 : f32 to vector<16xf32>
          %mul3A_511 = arith.mulf %sub3A_508, %mul3A_510 : vector<16xf32>
          %add3A_512 = arith.addf %mul3A_507, %mul3A_511 : vector<16xf32>
          %swap3A_513 = arith.constant 69 : i32
          %swap3A_514 = arith.index_cast %swap3A_513 : i32 to index
          %swap3A_515 = arith.index_cast %mul3A_110 : i32 to index
          %swap3A_516 = tpu.vector_load %arg9[%swap3A_514, %swap3A_515] {strides = array<i32>} : memref<81x512xf32, #tpu.memory_space<vmem>>, vector<16xf32>,
          tpu.vector_store %arg9[%swap3A_514, %swap3A_515], %add3A_512 {strides = array<i32>} : memref<81x512xf32, #tpu.memory_space<vmem>>, vector<16xf32>,
          %sub3A_517 = arith.subf %mul3A_282, %mul3A_290 : vector<16xf32>
          %mul3A_518 = arith.constant 0.707106769 : f32
          %mul3A_519 = vector.broadcast %mul3A_518 : f32 to vector<16xf32>
          %mul3A_520 = arith.mulf %sub3A_517, %mul3A_519 : vector<16xf32>
          %swap3A_521 = arith.constant 70 : i32
          %swap3A_522 = arith.index_cast %swap3A_521 : i32 to index
          %swap3A_523 = arith.index_cast %mul3A_110 : i32 to index
          %swap3A_524 = tpu.vector_load %arg9[%swap3A_522, %swap3A_523] {strides = array<i32>} : memref<81x512xf32, #tpu.memory_space<vmem>>, vector<16xf32>,
          tpu.vector_store %arg9[%swap3A_522, %swap3A_523], %mul3A_520 {strides = array<i32>} : memref<81x512xf32, #tpu.memory_space<vmem>>, vector<16xf32>,
          %sub3A_525 = arith.subf %mul3A_283, %mul3A_289 : vector<16xf32>
          %sub3A_526 = arith.subf %sub3A_525, %mul3A_295 : vector<16xf32>
          %add3A_527 = arith.addf %sub3A_526, %mul3A_301 : vector<16xf32>
          %mul3A_528 = arith.constant 5.000000e-01 : f32
          %mul3A_529 = vector.broadcast %mul3A_528 : f32 to vector<16xf32>
          %mul3A_530 = arith.mulf %add3A_527, %mul3A_529 : vector<16xf32>
          %swap3A_531 = arith.constant 71 : i32
          %swap3A_532 = arith.index_cast %swap3A_531 : i32 to index
          %swap3A_533 = arith.index_cast %mul3A_110 : i32 to index
          %swap3A_534 = tpu.vector_load %arg9[%swap3A_532, %swap3A_533] {strides = array<i32>} : memref<81x512xf32, #tpu.memory_space<vmem>>, vector<16xf32>,
          tpu.vector_store %arg9[%swap3A_532, %swap3A_533], %mul3A_530 {strides = array<i32>} : memref<81x512xf32, #tpu.memory_space<vmem>>, vector<16xf32>,
          %add3A_535 = arith.addf %mul3A_284, %mul3A_300 : vector<16xf32>
          %mul3A_536 = arith.constant 0.707106769 : f32
          %mul3A_537 = vector.broadcast %mul3A_536 : f32 to vector<16xf32>
          %mul3A_538 = arith.mulf %add3A_535, %mul3A_537 : vector<16xf32>
          %swap3A_539 = arith.constant 72 : i32
          %swap3A_540 = arith.index_cast %swap3A_539 : i32 to index
          %swap3A_541 = arith.index_cast %mul3A_110 : i32 to index
          %swap3A_542 = tpu.vector_load %arg9[%swap3A_540, %swap3A_541] {strides = array<i32>} : memref<81x512xf32, #tpu.memory_space<vmem>>, vector<16xf32>,
          tpu.vector_store %arg9[%swap3A_540, %swap3A_541], %mul3A_538 {strides = array<i32>} : memref<81x512xf32, #tpu.memory_space<vmem>>, vector<16xf32>,
          %add3A_543 = arith.addf %mul3A_283, %mul3A_289 : vector<16xf32>
          %add3A_544 = arith.addf %add3A_543, %mul3A_295 : vector<16xf32>
          %add3A_545 = arith.addf %add3A_544, %mul3A_301 : vector<16xf32>
          %mul3A_546 = arith.constant 5.000000e-01 : f32
          %mul3A_547 = vector.broadcast %mul3A_546 : f32 to vector<16xf32>
          %mul3A_548 = arith.mulf %add3A_545, %mul3A_547 : vector<16xf32>
          %swap3A_549 = arith.constant 73 : i32
          %swap3A_550 = arith.index_cast %swap3A_549 : i32 to index
          %swap3A_551 = arith.index_cast %mul3A_110 : i32 to index
          %swap3A_552 = tpu.vector_load %arg9[%swap3A_550, %swap3A_551] {strides = array<i32>} : memref<81x512xf32, #tpu.memory_space<vmem>>, vector<16xf32>,
          tpu.vector_store %arg9[%swap3A_550, %swap3A_551], %mul3A_548 {strides = array<i32>} : memref<81x512xf32, #tpu.memory_space<vmem>>, vector<16xf32>,
          %add3A_553 = arith.addf %mul3A_282, %mul3A_290 : vector<16xf32>
          %mul3A_554 = arith.constant 0.462910056 : f32
          %mul3A_555 = vector.broadcast %mul3A_554 : f32 to vector<16xf32>
          %mul3A_556 = arith.mulf %add3A_553, %mul3A_555 : vector<16xf32>
          %add3A_557 = arith.addf %mul3A_288, %mul3A_296 : vector<16xf32>
          %mul3A_558 = arith.constant 0.534522474 : f32
          %mul3A_559 = vector.broadcast %mul3A_558 : f32 to vector<16xf32>
          %mul3A_560 = arith.mulf %add3A_557, %mul3A_559 : vector<16xf32>
          %add3A_561 = arith.addf %mul3A_556, %mul3A_560 : vector<16xf32>
          %swap3A_562 = arith.constant 74 : i32
          %swap3A_563 = arith.index_cast %swap3A_562 : i32 to index
          %swap3A_564 = arith.index_cast %mul3A_110 : i32 to index
          %swap3A_565 = tpu.vector_load %arg9[%swap3A_563, %swap3A_564] {strides = array<i32>} : memref<81x512xf32, #tpu.memory_space<vmem>>, vector<16xf32>,
          tpu.vector_store %arg9[%swap3A_563, %swap3A_564], %add3A_561 {strides = array<i32>} : memref<81x512xf32, #tpu.memory_space<vmem>>, vector<16xf32>,
          %neg3A_566 = arith.constant 0.000000e+00 : f32
          %neg3A_567 = vector.broadcast %neg3A_566 : f32 to vector<16xf32>
          %neg3A_568 = arith.subf %neg3A_567, %mul3A_283 : vector<16xf32>
          %add3A_569 = arith.addf %neg3A_568, %mul3A_289 : vector<16xf32>
          %sub3A_570 = arith.subf %add3A_569, %mul3A_295 : vector<16xf32>
          %add3A_571 = arith.addf %sub3A_570, %mul3A_301 : vector<16xf32>
          %mul3A_572 = arith.constant 0.188982233 : f32
          %mul3A_573 = vector.broadcast %mul3A_572 : f32 to vector<16xf32>
          %mul3A_574 = arith.mulf %add3A_571, %mul3A_573 : vector<16xf32>
          %add3A_575 = arith.addf %mul3A_287, %mul3A_291 : vector<16xf32>
          %mul3A_576 = arith.constant 0.654653668 : f32
          %mul3A_577 = vector.broadcast %mul3A_576 : f32 to vector<16xf32>
          %mul3A_578 = arith.mulf %add3A_575, %mul3A_577 : vector<16xf32>
          %add3A_579 = arith.addf %mul3A_574, %mul3A_578 : vector<16xf32>
          %swap3A_580 = arith.constant 75 : i32
          %swap3A_581 = arith.index_cast %swap3A_580 : i32 to index
          %swap3A_582 = arith.index_cast %mul3A_110 : i32 to index
          %swap3A_583 = tpu.vector_load %arg9[%swap3A_581, %swap3A_582] {strides = array<i32>} : memref<81x512xf32, #tpu.memory_space<vmem>>, vector<16xf32>,
          tpu.vector_store %arg9[%swap3A_581, %swap3A_582], %add3A_579 {strides = array<i32>} : memref<81x512xf32, #tpu.memory_space<vmem>>, vector<16xf32>,
          %add3A_584 = arith.addf %mul3A_280, %mul3A_304 : vector<16xf32>
          %mul3A_585 = arith.constant 0.119522862 : f32
          %mul3A_586 = vector.broadcast %mul3A_585 : f32 to vector<16xf32>
          %mul3A_587 = arith.mulf %add3A_584, %mul3A_586 : vector<16xf32>
          %neg3A_588 = arith.constant 0.000000e+00 : f32
          %neg3A_589 = vector.broadcast %neg3A_588 : f32 to vector<16xf32>
          %neg3A_590 = arith.subf %neg3A_589, %mul3A_286 : vector<16xf32>
          %sub3A_591 = arith.subf %neg3A_590, %mul3A_298 : vector<16xf32>
          %mul3A_592 = arith.constant 0.478091449 : f32
          %mul3A_593 = vector.broadcast %mul3A_592 : f32 to vector<16xf32>
          %mul3A_594 = arith.mulf %sub3A_591, %mul3A_593 : vector<16xf32>
          %add3A_595 = arith.addf %mul3A_587, %mul3A_594 : vector<16xf32>
          %mul3A_596 = arith.constant 0.717137157 : f32
          %mul3A_597 = vector.broadcast %mul3A_596 : f32 to vector<16xf32>
          %mul3A_598 = arith.mulf %mul3A_292, %mul3A_597 : vector<16xf32>
          %add3A_599 = arith.addf %add3A_595, %mul3A_598 : vector<16xf32>
          %swap3A_600 = arith.constant 76 : i32
          %swap3A_601 = arith.index_cast %swap3A_600 : i32 to index
          %swap3A_602 = arith.index_cast %mul3A_110 : i32 to index
          %swap3A_603 = tpu.vector_load %arg9[%swap3A_601, %swap3A_602] {strides = array<i32>} : memref<81x512xf32, #tpu.memory_space<vmem>>, vector<16xf32>,
          tpu.vector_store %arg9[%swap3A_601, %swap3A_602], %add3A_599 {strides = array<i32>} : memref<81x512xf32, #tpu.memory_space<vmem>>, vector<16xf32>,
          %neg3A_604 = arith.constant 0.000000e+00 : f32
          %neg3A_605 = vector.broadcast %neg3A_604 : f32 to vector<16xf32>
          %neg3A_606 = arith.subf %neg3A_605, %mul3A_281 : vector<16xf32>
          %sub3A_607 = arith.subf %neg3A_606, %mul3A_285 : vector<16xf32>
          %sub3A_608 = arith.subf %sub3A_607, %mul3A_299 : vector<16xf32>
          %sub3A_609 = arith.subf %sub3A_608, %mul3A_303 : vector<16xf32>
          %mul3A_610 = arith.constant 0.188982233 : f32
          %mul3A_611 = vector.broadcast %mul3A_610 : f32 to vector<16xf32>
          %mul3A_612 = arith.mulf %sub3A_609, %mul3A_611 : vector<16xf32>
          %add3A_613 = arith.addf %mul3A_293, %mul3A_297 : vector<16xf32>
          %mul3A_614 = arith.constant 0.654653668 : f32
          %mul3A_615 = vector.broadcast %mul3A_614 : f32 to vector<16xf32>
          %mul3A_616 = arith.mulf %add3A_613, %mul3A_615 : vector<16xf32>
          %add3A_617 = arith.addf %mul3A_612, %mul3A_616 : vector<16xf32>
          %swap3A_618 = arith.constant 77 : i32
          %swap3A_619 = arith.index_cast %swap3A_618 : i32 to index
          %swap3A_620 = arith.index_cast %mul3A_110 : i32 to index
          %swap3A_621 = tpu.vector_load %arg9[%swap3A_619, %swap3A_620] {strides = array<i32>} : memref<81x512xf32, #tpu.memory_space<vmem>>, vector<16xf32>,
          tpu.vector_store %arg9[%swap3A_619, %swap3A_620], %add3A_617 {strides = array<i32>} : memref<81x512xf32, #tpu.memory_space<vmem>>, vector<16xf32>,
          %add3A_622 = arith.addf %mul3A_294, %mul3A_302 : vector<16xf32>
          %mul3A_623 = arith.constant 0.462910056 : f32
          %mul3A_624 = vector.broadcast %mul3A_623 : f32 to vector<16xf32>
          %mul3A_625 = arith.mulf %add3A_622, %mul3A_624 : vector<16xf32>
          %neg3A_626 = arith.constant 0.000000e+00 : f32
          %neg3A_627 = vector.broadcast %neg3A_626 : f32 to vector<16xf32>
          %neg3A_628 = arith.subf %neg3A_627, %mul3A_286 : vector<16xf32>
          %add3A_629 = arith.addf %neg3A_628, %mul3A_298 : vector<16xf32>
          %mul3A_630 = arith.constant 0.534522474 : f32
          %mul3A_631 = vector.broadcast %mul3A_630 : f32 to vector<16xf32>
          %mul3A_632 = arith.mulf %add3A_629, %mul3A_631 : vector<16xf32>
          %add3A_633 = arith.addf %mul3A_625, %mul3A_632 : vector<16xf32>
          %swap3A_634 = arith.constant 78 : i32
          %swap3A_635 = arith.index_cast %swap3A_634 : i32 to index
          %swap3A_636 = arith.index_cast %mul3A_110 : i32 to index
          %swap3A_637 = tpu.vector_load %arg9[%swap3A_635, %swap3A_636] {strides = array<i32>} : memref<81x512xf32, #tpu.memory_space<vmem>>, vector<16xf32>,
          tpu.vector_store %arg9[%swap3A_635, %swap3A_636], %add3A_633 {strides = array<i32>} : memref<81x512xf32, #tpu.memory_space<vmem>>, vector<16xf32>,
          %neg3A_638 = arith.constant 0.000000e+00 : f32
          %neg3A_639 = vector.broadcast %neg3A_638 : f32 to vector<16xf32>
          %neg3A_640 = arith.subf %neg3A_639, %mul3A_281 : vector<16xf32>
          %sub3A_641 = arith.subf %neg3A_640, %mul3A_285 : vector<16xf32>
          %add3A_642 = arith.addf %sub3A_641, %mul3A_299 : vector<16xf32>
          %add3A_643 = arith.addf %add3A_642, %mul3A_303 : vector<16xf32>
          %mul3A_644 = arith.constant 5.000000e-01 : f32
          %mul3A_645 = vector.broadcast %mul3A_644 : f32 to vector<16xf32>
          %mul3A_646 = arith.mulf %add3A_643, %mul3A_645 : vector<16xf32>
          %swap3A_647 = arith.constant 79 : i32
          %swap3A_648 = arith.index_cast %swap3A_647 : i32 to index
          %swap3A_649 = arith.index_cast %mul3A_110 : i32 to index
          %swap3A_650 = tpu.vector_load %arg9[%swap3A_648, %swap3A_649] {strides = array<i32>} : memref<81x512xf32, #tpu.memory_space<vmem>>, vector<16xf32>,
          tpu.vector_store %arg9[%swap3A_648, %swap3A_649], %mul3A_646 {strides = array<i32>} : memref<81x512xf32, #tpu.memory_space<vmem>>, vector<16xf32>,
          %neg3A_651 = arith.constant 0.000000e+00 : f32
          %neg3A_652 = vector.broadcast %neg3A_651 : f32 to vector<16xf32>
          %neg3A_653 = arith.subf %neg3A_652, %mul3A_280 : vector<16xf32>
          %add3A_654 = arith.addf %neg3A_653, %mul3A_304 : vector<16xf32>
          %mul3A_655 = arith.constant 0.707106769 : f32
          %mul3A_656 = vector.broadcast %mul3A_655 : f32 to vector<16xf32>
          %mul3A_657 = arith.mulf %add3A_654, %mul3A_656 : vector<16xf32>
          %swap3A_658 = arith.constant 80 : i32
          %swap3A_659 = arith.index_cast %swap3A_658 : i32 to index
          %swap3A_660 = arith.index_cast %mul3A_110 : i32 to index
          %swap3A_661 = tpu.vector_load %arg9[%swap3A_659, %swap3A_660] {strides = array<i32>} : memref<81x512xf32, #tpu.memory_space<vmem>>, vector<16xf32>,
          tpu.vector_store %arg9[%swap3A_659, %swap3A_660], %mul3A_657 {strides = array<i32>} : memref<81x512xf32, #tpu.memory_space<vmem>>, vector<16xf32>,
          %mul3A_662 = arith.mulf %get3A_113, %get3A_153 : vector<16xf32>
          %mul3A_663 = arith.mulf %get3A_113, %get3A_157 : vector<16xf32>
          %mul3A_664 = arith.mulf %get3A_113, %get3A_161 : vector<16xf32>
          %swap3A_665 = arith.constant 3 : i32
          %swap3A_666 = arith.index_cast %swap3A_665 : i32 to index
          %swap3A_667 = arith.index_cast %mul3A_110 : i32 to index
          %swap3A_668 = tpu.vector_load %arg9[%swap3A_666, %swap3A_667] {strides = array<i32>} : memref<81x512xf32, #tpu.memory_space<vmem>>, vector<16xf32>,
          tpu.vector_store %arg9[%swap3A_666, %swap3A_667], %mul3A_662 {strides = array<i32>} : memref<81x512xf32, #tpu.memory_space<vmem>>, vector<16xf32>,
          %swap3A_669 = arith.constant 4 : i32
          %swap3A_670 = arith.index_cast %swap3A_669 : i32 to index
          %swap3A_671 = arith.index_cast %mul3A_110 : i32 to index
          %swap3A_672 = tpu.vector_load %arg9[%swap3A_670, %swap3A_671] {strides = array<i32>} : memref<81x512xf32, #tpu.memory_space<vmem>>, vector<16xf32>,
          tpu.vector_store %arg9[%swap3A_670, %swap3A_671], %mul3A_663 {strides = array<i32>} : memref<81x512xf32, #tpu.memory_space<vmem>>, vector<16xf32>,
          %swap3A_673 = arith.constant 5 : i32
          %swap3A_674 = arith.index_cast %swap3A_673 : i32 to index
          %swap3A_675 = arith.index_cast %mul3A_110 : i32 to index
          %swap3A_676 = tpu.vector_load %arg9[%swap3A_674, %swap3A_675] {strides = array<i32>} : memref<81x512xf32, #tpu.memory_space<vmem>>, vector<16xf32>,
          tpu.vector_store %arg9[%swap3A_674, %swap3A_675], %mul3A_664 {strides = array<i32>} : memref<81x512xf32, #tpu.memory_space<vmem>>, vector<16xf32>,
          %mul3A_677 = arith.mulf %get3A_117, %get3A_149 : vector<16xf32>
          %mul3A_678 = arith.mulf %get3A_121, %get3A_149 : vector<16xf32>
          %mul3A_679 = arith.mulf %get3A_125, %get3A_149 : vector<16xf32>
          %swap3A_680 = arith.constant 6 : i32
          %swap3A_681 = arith.index_cast %swap3A_680 : i32 to index
          %swap3A_682 = arith.index_cast %mul3A_110 : i32 to index
          %swap3A_683 = tpu.vector_load %arg9[%swap3A_681, %swap3A_682] {strides = array<i32>} : memref<81x512xf32, #tpu.memory_space<vmem>>, vector<16xf32>,
          tpu.vector_store %arg9[%swap3A_681, %swap3A_682], %mul3A_677 {strides = array<i32>} : memref<81x512xf32, #tpu.memory_space<vmem>>, vector<16xf32>,
          %swap3A_684 = arith.constant 7 : i32
          %swap3A_685 = arith.index_cast %swap3A_684 : i32 to index
          %swap3A_686 = arith.index_cast %mul3A_110 : i32 to index
          %swap3A_687 = tpu.vector_load %arg9[%swap3A_685, %swap3A_686] {strides = array<i32>} : memref<81x512xf32, #tpu.memory_space<vmem>>, vector<16xf32>,
          tpu.vector_store %arg9[%swap3A_685, %swap3A_686], %mul3A_678 {strides = array<i32>} : memref<81x512xf32, #tpu.memory_space<vmem>>, vector<16xf32>,
          %swap3A_688 = arith.constant 8 : i32
          %swap3A_689 = arith.index_cast %swap3A_688 : i32 to index
          %swap3A_690 = arith.index_cast %mul3A_110 : i32 to index
          %swap3A_691 = tpu.vector_load %arg9[%swap3A_689, %swap3A_690] {strides = array<i32>} : memref<81x512xf32, #tpu.memory_space<vmem>>, vector<16xf32>,
          tpu.vector_store %arg9[%swap3A_689, %swap3A_690], %mul3A_679 {strides = array<i32>} : memref<81x512xf32, #tpu.memory_space<vmem>>, vector<16xf32>,
          %mul3A_692 = arith.mulf %get3A_117, %get3A_165 : vector<16xf32>
          %mul3A_693 = arith.mulf %get3A_117, %get3A_169 : vector<16xf32>
          %mul3A_694 = arith.mulf %get3A_117, %get3A_173 : vector<16xf32>
          %mul3A_695 = arith.mulf %get3A_117, %get3A_177 : vector<16xf32>
          %mul3A_696 = arith.mulf %get3A_117, %get3A_181 : vector<16xf32>
          %mul3A_697 = arith.mulf %get3A_121, %get3A_165 : vector<16xf32>
          %mul3A_698 = arith.mulf %get3A_121, %get3A_169 : vector<16xf32>
          %mul3A_699 = arith.mulf %get3A_121, %get3A_173 : vector<16xf32>
          %mul3A_700 = arith.mulf %get3A_121, %get3A_177 : vector<16xf32>
          %mul3A_701 = arith.mulf %get3A_121, %get3A_181 : vector<16xf32>
          %mul3A_702 = arith.mulf %get3A_125, %get3A_165 : vector<16xf32>
          %mul3A_703 = arith.mulf %get3A_125, %get3A_169 : vector<16xf32>
          %mul3A_704 = arith.mulf %get3A_125, %get3A_173 : vector<16xf32>
          %mul3A_705 = arith.mulf %get3A_125, %get3A_177 : vector<16xf32>
          %mul3A_706 = arith.mulf %get3A_125, %get3A_181 : vector<16xf32>
          %neg3A_707 = arith.constant 0.000000e+00 : f32
          %neg3A_708 = vector.broadcast %neg3A_707 : f32 to vector<16xf32>
          %neg3A_709 = arith.subf %neg3A_708, %mul3A_694 : vector<16xf32>
          %mul3A_710 = arith.constant 0.316227764 : f32
          %mul3A_711 = vector.broadcast %mul3A_710 : f32 to vector<16xf32>
          %mul3A_712 = arith.mulf %neg3A_709, %mul3A_711 : vector<16xf32>
          %neg3A_713 = arith.constant 0.000000e+00 : f32
          %neg3A_714 = vector.broadcast %neg3A_713 : f32 to vector<16xf32>
          %neg3A_715 = arith.subf %neg3A_714, %mul3A_696 : vector<16xf32>
          %add3A_716 = arith.addf %neg3A_715, %mul3A_698 : vector<16xf32>
          %add3A_717 = arith.addf %add3A_716, %mul3A_702 : vector<16xf32>
          %mul3A_718 = arith.constant 0.547722578 : f32
          %mul3A_719 = vector.broadcast %mul3A_718 : f32 to vector<16xf32>
          %mul3A_720 = arith.mulf %add3A_717, %mul3A_719 : vector<16xf32>
          %add3A_721 = arith.addf %mul3A_712, %mul3A_720 : vector<16xf32>
          %swap3A_722 = arith.constant 12 : i32
          %swap3A_723 = arith.index_cast %swap3A_722 : i32 to index
          %swap3A_724 = arith.index_cast %mul3A_110 : i32 to index
          %swap3A_725 = tpu.vector_load %arg9[%swap3A_723, %swap3A_724] {strides = array<i32>} : memref<81x512xf32, #tpu.memory_space<vmem>>, vector<16xf32>,
          tpu.vector_store %arg9[%swap3A_723, %swap3A_724], %add3A_721 {strides = array<i32>} : memref<81x512xf32, #tpu.memory_space<vmem>>, vector<16xf32>,
          %add3A_726 = arith.addf %mul3A_693, %mul3A_705 : vector<16xf32>
          %mul3A_727 = arith.constant 0.547722578 : f32
          %mul3A_728 = vector.broadcast %mul3A_727 : f32 to vector<16xf32>
          %mul3A_729 = arith.mulf %add3A_726, %mul3A_728 : vector<16xf32>
          %mul3A_730 = arith.constant 0.632455527 : f32
          %mul3A_731 = vector.broadcast %mul3A_730 : f32 to vector<16xf32>
          %mul3A_732 = arith.mulf %mul3A_699, %mul3A_731 : vector<16xf32>
          %add3A_733 = arith.addf %mul3A_729, %mul3A_732 : vector<16xf32>
          %swap3A_734 = arith.constant 13 : i32
          %swap3A_735 = arith.index_cast %swap3A_734 : i32 to index
          %swap3A_736 = arith.index_cast %mul3A_110 : i32 to index
          %swap3A_737 = tpu.vector_load %arg9[%swap3A_735, %swap3A_736] {strides = array<i32>} : memref<81x512xf32, #tpu.memory_space<vmem>>, vector<16xf32>,
          tpu.vector_store %arg9[%swap3A_735, %swap3A_736], %add3A_733 {strides = array<i32>} : memref<81x512xf32, #tpu.memory_space<vmem>>, vector<16xf32>,
          %neg3A_738 = arith.constant 0.000000e+00 : f32
          %neg3A_739 = vector.broadcast %neg3A_738 : f32 to vector<16xf32>
          %neg3A_740 = arith.subf %neg3A_739, %mul3A_704 : vector<16xf32>
          %mul3A_741 = arith.constant 0.316227764 : f32
          %mul3A_742 = vector.broadcast %mul3A_741 : f32 to vector<16xf32>
          %mul3A_743 = arith.mulf %neg3A_740, %mul3A_742 : vector<16xf32>
          %add3A_744 = arith.addf %mul3A_692, %mul3A_700 : vector<16xf32>
          %add3A_745 = arith.addf %add3A_744, %mul3A_706 : vector<16xf32>
          %mul3A_746 = arith.constant 0.547722578 : f32
          %mul3A_747 = vector.broadcast %mul3A_746 : f32 to vector<16xf32>
          %mul3A_748 = arith.mulf %add3A_745, %mul3A_747 : vector<16xf32>
          %add3A_749 = arith.addf %mul3A_743, %mul3A_748 : vector<16xf32>
          %swap3A_750 = arith.constant 14 : i32
          %swap3A_751 = arith.index_cast %swap3A_750 : i32 to index
          %swap3A_752 = arith.index_cast %mul3A_110 : i32 to index
          %swap3A_753 = tpu.vector_load %arg9[%swap3A_751, %swap3A_752] {strides = array<i32>} : memref<81x512xf32, #tpu.memory_space<vmem>>, vector<16xf32>,
          tpu.vector_store %arg9[%swap3A_751, %swap3A_752], %add3A_749 {strides = array<i32>} : memref<81x512xf32, #tpu.memory_space<vmem>>, vector<16xf32>,
          %sub3A_754 = arith.subf %mul3A_693, %mul3A_705 : vector<16xf32>
          %mul3A_755 = arith.constant 0.408248305 : f32
          %mul3A_756 = vector.broadcast %mul3A_755 : f32 to vector<16xf32>
          %mul3A_757 = arith.mulf %sub3A_754, %mul3A_756 : vector<16xf32>
          %mul3A_758 = arith.constant 0.816496611 : f32
          %mul3A_759 = vector.broadcast %mul3A_758 : f32 to vector<16xf32>
          %mul3A_760 = arith.mulf %mul3A_701, %mul3A_759 : vector<16xf32>
          %add3A_761 = arith.addf %mul3A_757, %mul3A_760 : vector<16xf32>
          %swap3A_762 = arith.constant 31 : i32
          %swap3A_763 = arith.index_cast %swap3A_762 : i32 to index
          %swap3A_764 = arith.index_cast %mul3A_110 : i32 to index
          %swap3A_765 = tpu.vector_load %arg9[%swap3A_763, %swap3A_764] {strides = array<i32>} : memref<81x512xf32, #tpu.memory_space<vmem>>, vector<16xf32>,
          tpu.vector_store %arg9[%swap3A_763, %swap3A_764], %add3A_761 {strides = array<i32>} : memref<81x512xf32, #tpu.memory_space<vmem>>, vector<16xf32>,
          %neg3A_766 = arith.constant 0.000000e+00 : f32
          %neg3A_767 = vector.broadcast %neg3A_766 : f32 to vector<16xf32>
          %neg3A_768 = arith.subf %neg3A_767, %mul3A_692 : vector<16xf32>
          %add3A_769 = arith.addf %neg3A_768, %mul3A_700 : vector<16xf32>
          %sub3A_770 = arith.subf %add3A_769, %mul3A_706 : vector<16xf32>
          %mul3A_771 = arith.constant 0.408248305 : f32
          %mul3A_772 = vector.broadcast %mul3A_771 : f32 to vector<16xf32>
          %mul3A_773 = arith.mulf %sub3A_770, %mul3A_772 : vector<16xf32>
          %neg3A_774 = arith.constant 0.000000e+00 : f32
          %neg3A_775 = vector.broadcast %neg3A_774 : f32 to vector<16xf32>
          %neg3A_776 = arith.subf %neg3A_775, %mul3A_704 : vector<16xf32>
          %mul3A_777 = arith.constant 0.707106769 : f32
          %mul3A_778 = vector.broadcast %mul3A_777 : f32 to vector<16xf32>
          %mul3A_779 = arith.mulf %neg3A_776, %mul3A_778 : vector<16xf32>
          %add3A_780 = arith.addf %mul3A_773, %mul3A_779 : vector<16xf32>
          %swap3A_781 = arith.constant 32 : i32
          %swap3A_782 = arith.index_cast %swap3A_781 : i32 to index
          %swap3A_783 = arith.index_cast %mul3A_110 : i32 to index
          %swap3A_784 = tpu.vector_load %arg9[%swap3A_782, %swap3A_783] {strides = array<i32>} : memref<81x512xf32, #tpu.memory_space<vmem>>, vector<16xf32>,
          tpu.vector_store %arg9[%swap3A_782, %swap3A_783], %add3A_780 {strides = array<i32>} : memref<81x512xf32, #tpu.memory_space<vmem>>, vector<16xf32>,
          %neg3A_785 = arith.constant 0.000000e+00 : f32
          %neg3A_786 = vector.broadcast %neg3A_785 : f32 to vector<16xf32>
          %neg3A_787 = arith.subf %neg3A_786, %mul3A_695 : vector<16xf32>
          %add3A_788 = arith.addf %neg3A_787, %mul3A_703 : vector<16xf32>
          %mul3A_789 = arith.constant 0.707106769 : f32
          %mul3A_790 = vector.broadcast %mul3A_789 : f32 to vector<16xf32>
          %mul3A_791 = arith.mulf %add3A_788, %mul3A_790 : vector<16xf32>
          %swap3A_792 = arith.constant 33 : i32
          %swap3A_793 = arith.index_cast %swap3A_792 : i32 to index
          %swap3A_794 = arith.index_cast %mul3A_110 : i32 to index
          %swap3A_795 = tpu.vector_load %arg9[%swap3A_793, %swap3A_794] {strides = array<i32>} : memref<81x512xf32, #tpu.memory_space<vmem>>, vector<16xf32>,
          tpu.vector_store %arg9[%swap3A_793, %swap3A_794], %mul3A_791 {strides = array<i32>} : memref<81x512xf32, #tpu.memory_space<vmem>>, vector<16xf32>,
          %neg3A_796 = arith.constant 0.000000e+00 : f32
          %neg3A_797 = vector.broadcast %neg3A_796 : f32 to vector<16xf32>
          %neg3A_798 = arith.subf %neg3A_797, %mul3A_696 : vector<16xf32>
          %sub3A_799 = arith.subf %neg3A_798, %mul3A_698 : vector<16xf32>
          %add3A_800 = arith.addf %sub3A_799, %mul3A_702 : vector<16xf32>
          %mul3A_801 = arith.constant 0.408248305 : f32
          %mul3A_802 = vector.broadcast %mul3A_801 : f32 to vector<16xf32>
          %mul3A_803 = arith.mulf %add3A_800, %mul3A_802 : vector<16xf32>
          %mul3A_804 = arith.constant 0.707106769 : f32
          %mul3A_805 = vector.broadcast %mul3A_804 : f32 to vector<16xf32>
          %mul3A_806 = arith.mulf %mul3A_694, %mul3A_805 : vector<16xf32>
          %add3A_807 = arith.addf %mul3A_803, %mul3A_806 : vector<16xf32>
          %swap3A_808 = arith.constant 34 : i32
          %swap3A_809 = arith.index_cast %swap3A_808 : i32 to index
          %swap3A_810 = arith.index_cast %mul3A_110 : i32 to index
          %swap3A_811 = tpu.vector_load %arg9[%swap3A_809, %swap3A_810] {strides = array<i32>} : memref<81x512xf32, #tpu.memory_space<vmem>>, vector<16xf32>,
          tpu.vector_store %arg9[%swap3A_809, %swap3A_810], %add3A_807 {strides = array<i32>} : memref<81x512xf32, #tpu.memory_space<vmem>>, vector<16xf32>,
          %add3A_812 = arith.addf %mul3A_695, %mul3A_703 : vector<16xf32>
          %mul3A_813 = arith.constant 0.408248305 : f32
          %mul3A_814 = vector.broadcast %mul3A_813 : f32 to vector<16xf32>
          %mul3A_815 = arith.mulf %add3A_812, %mul3A_814 : vector<16xf32>
          %neg3A_816 = arith.constant 0.000000e+00 : f32
          %neg3A_817 = vector.broadcast %neg3A_816 : f32 to vector<16xf32>
          %neg3A_818 = arith.subf %neg3A_817, %mul3A_697 : vector<16xf32>
          %mul3A_819 = arith.constant 0.816496611 : f32
          %mul3A_820 = vector.broadcast %mul3A_819 : f32 to vector<16xf32>
          %mul3A_821 = arith.mulf %neg3A_818, %mul3A_820 : vector<16xf32>
          %add3A_822 = arith.addf %mul3A_815, %mul3A_821 : vector<16xf32>
          %swap3A_823 = arith.constant 35 : i32
          %swap3A_824 = arith.index_cast %swap3A_823 : i32 to index
          %swap3A_825 = arith.index_cast %mul3A_110 : i32 to index
          %swap3A_826 = tpu.vector_load %arg9[%swap3A_824, %swap3A_825] {strides = array<i32>} : memref<81x512xf32, #tpu.memory_space<vmem>>, vector<16xf32>,
          tpu.vector_store %arg9[%swap3A_824, %swap3A_825], %add3A_822 {strides = array<i32>} : memref<81x512xf32, #tpu.memory_space<vmem>>, vector<16xf32>,
          %add3A_827 = arith.addf %mul3A_696, %mul3A_702 : vector<16xf32>
          %mul3A_828 = arith.constant 0.707106769 : f32
          %mul3A_829 = vector.broadcast %mul3A_828 : f32 to vector<16xf32>
          %mul3A_830 = arith.mulf %add3A_827, %mul3A_829 : vector<16xf32>
          %swap3A_831 = arith.constant 51 : i32
          %swap3A_832 = arith.index_cast %swap3A_831 : i32 to index
          %swap3A_833 = arith.index_cast %mul3A_110 : i32 to index
          %swap3A_834 = tpu.vector_load %arg9[%swap3A_832, %swap3A_833] {strides = array<i32>} : memref<81x512xf32, #tpu.memory_space<vmem>>, vector<16xf32>,
          tpu.vector_store %arg9[%swap3A_832, %swap3A_833], %mul3A_830 {strides = array<i32>} : memref<81x512xf32, #tpu.memory_space<vmem>>, vector<16xf32>,
          %add3A_835 = arith.addf %mul3A_695, %mul3A_697 : vector<16xf32>
          %add3A_836 = arith.addf %add3A_835, %mul3A_703 : vector<16xf32>
          %mul3A_837 = arith.constant 0.577350259 : f32
          %mul3A_838 = vector.broadcast %mul3A_837 : f32 to vector<16xf32>
          %mul3A_839 = arith.mulf %add3A_836, %mul3A_838 : vector<16xf32>
          %swap3A_840 = arith.constant 52 : i32
          %swap3A_841 = arith.index_cast %swap3A_840 : i32 to index
          %swap3A_842 = arith.index_cast %mul3A_110 : i32 to index
          %swap3A_843 = tpu.vector_load %arg9[%swap3A_841, %swap3A_842] {strides = array<i32>} : memref<81x512xf32, #tpu.memory_space<vmem>>, vector<16xf32>,
          tpu.vector_store %arg9[%swap3A_841, %swap3A_842], %mul3A_839 {strides = array<i32>} : memref<81x512xf32, #tpu.memory_space<vmem>>, vector<16xf32>,
          %sub3A_844 = arith.subf %mul3A_696, %mul3A_702 : vector<16xf32>
          %mul3A_845 = arith.constant 0.182574183 : f32
          %mul3A_846 = vector.broadcast %mul3A_845 : f32 to vector<16xf32>
          %mul3A_847 = arith.mulf %sub3A_844, %mul3A_846 : vector<16xf32>
          %mul3A_848 = arith.constant 0.632455527 : f32
          %mul3A_849 = vector.broadcast %mul3A_848 : f32 to vector<16xf32>
          %mul3A_850 = arith.mulf %mul3A_694, %mul3A_849 : vector<16xf32>
          %add3A_851 = arith.addf %mul3A_847, %mul3A_850 : vector<16xf32>
          %mul3A_852 = arith.constant 0.730296731 : f32
          %mul3A_853 = vector.broadcast %mul3A_852 : f32 to vector<16xf32>
          %mul3A_854 = arith.mulf %mul3A_698, %mul3A_853 : vector<16xf32>
          %add3A_855 = arith.addf %add3A_851, %mul3A_854 : vector<16xf32>
          %swap3A_856 = arith.constant 53 : i32
          %swap3A_857 = arith.index_cast %swap3A_856 : i32 to index
          %swap3A_858 = arith.index_cast %mul3A_110 : i32 to index
          %swap3A_859 = tpu.vector_load %arg9[%swap3A_857, %swap3A_858] {strides = array<i32>} : memref<81x512xf32, #tpu.memory_space<vmem>>, vector<16xf32>,
          tpu.vector_store %arg9[%swap3A_857, %swap3A_858], %add3A_855 {strides = array<i32>} : memref<81x512xf32, #tpu.memory_space<vmem>>, vector<16xf32>,
          %neg3A_860 = arith.constant 0.000000e+00 : f32
          %neg3A_861 = vector.broadcast %neg3A_860 : f32 to vector<16xf32>
          %neg3A_862 = arith.subf %neg3A_861, %mul3A_693 : vector<16xf32>
          %sub3A_863 = arith.subf %neg3A_862, %mul3A_705 : vector<16xf32>
          %mul3A_864 = arith.constant 0.44721359 : f32
          %mul3A_865 = vector.broadcast %mul3A_864 : f32 to vector<16xf32>
          %mul3A_866 = arith.mulf %sub3A_863, %mul3A_865 : vector<16xf32>
          %mul3A_867 = arith.constant 0.774596691 : f32
          %mul3A_868 = vector.broadcast %mul3A_867 : f32 to vector<16xf32>
          %mul3A_869 = arith.mulf %mul3A_699, %mul3A_868 : vector<16xf32>
          %add3A_870 = arith.addf %mul3A_866, %mul3A_869 : vector<16xf32>
          %swap3A_871 = arith.constant 54 : i32
          %swap3A_872 = arith.index_cast %swap3A_871 : i32 to index
          %swap3A_873 = arith.index_cast %mul3A_110 : i32 to index
          %swap3A_874 = tpu.vector_load %arg9[%swap3A_872, %swap3A_873] {strides = array<i32>} : memref<81x512xf32, #tpu.memory_space<vmem>>, vector<16xf32>,
          tpu.vector_store %arg9[%swap3A_872, %swap3A_873], %add3A_870 {strides = array<i32>} : memref<81x512xf32, #tpu.memory_space<vmem>>, vector<16xf32>,
          %neg3A_875 = arith.constant 0.000000e+00 : f32
          %neg3A_876 = vector.broadcast %neg3A_875 : f32 to vector<16xf32>
          %neg3A_877 = arith.subf %neg3A_876, %mul3A_692 : vector<16xf32>
          %sub3A_878 = arith.subf %neg3A_877, %mul3A_706 : vector<16xf32>
          %mul3A_879 = arith.constant 0.182574183 : f32
          %mul3A_880 = vector.broadcast %mul3A_879 : f32 to vector<16xf32>
          %mul3A_881 = arith.mulf %sub3A_878, %mul3A_880 : vector<16xf32>
          %mul3A_882 = arith.constant 0.632455527 : f32
          %mul3A_883 = vector.broadcast %mul3A_882 : f32 to vector<16xf32>
          %mul3A_884 = arith.mulf %mul3A_704, %mul3A_883 : vector<16xf32>
          %add3A_885 = arith.addf %mul3A_881, %mul3A_884 : vector<16xf32>
          %mul3A_886 = arith.constant 0.730296731 : f32
          %mul3A_887 = vector.broadcast %mul3A_886 : f32 to vector<16xf32>
          %mul3A_888 = arith.mulf %mul3A_700, %mul3A_887 : vector<16xf32>
          %add3A_889 = arith.addf %add3A_885, %mul3A_888 : vector<16xf32>
          %swap3A_890 = arith.constant 55 : i32
          %swap3A_891 = arith.index_cast %swap3A_890 : i32 to index
          %swap3A_892 = arith.index_cast %mul3A_110 : i32 to index
          %swap3A_893 = tpu.vector_load %arg9[%swap3A_891, %swap3A_892] {strides = array<i32>} : memref<81x512xf32, #tpu.memory_space<vmem>>, vector<16xf32>,
          tpu.vector_store %arg9[%swap3A_891, %swap3A_892], %add3A_889 {strides = array<i32>} : memref<81x512xf32, #tpu.memory_space<vmem>>, vector<16xf32>,
          %neg3A_894 = arith.constant 0.000000e+00 : f32
          %neg3A_895 = vector.broadcast %neg3A_894 : f32 to vector<16xf32>
          %neg3A_896 = arith.subf %neg3A_895, %mul3A_693 : vector<16xf32>
          %add3A_897 = arith.addf %neg3A_896, %mul3A_701 : vector<16xf32>
          %add3A_898 = arith.addf %add3A_897, %mul3A_705 : vector<16xf32>
          %mul3A_899 = arith.constant 0.577350259 : f32
          %mul3A_900 = vector.broadcast %mul3A_899 : f32 to vector<16xf32>
          %mul3A_901 = arith.mulf %add3A_898, %mul3A_900 : vector<16xf32>
          %swap3A_902 = arith.constant 56 : i32
          %swap3A_903 = arith.index_cast %swap3A_902 : i32 to index
          %swap3A_904 = arith.index_cast %mul3A_110 : i32 to index
          %swap3A_905 = tpu.vector_load %arg9[%swap3A_903, %swap3A_904] {strides = array<i32>} : memref<81x512xf32, #tpu.memory_space<vmem>>, vector<16xf32>,
          tpu.vector_store %arg9[%swap3A_903, %swap3A_904], %mul3A_901 {strides = array<i32>} : memref<81x512xf32, #tpu.memory_space<vmem>>, vector<16xf32>,
          %neg3A_906 = arith.constant 0.000000e+00 : f32
          %neg3A_907 = vector.broadcast %neg3A_906 : f32 to vector<16xf32>
          %neg3A_908 = arith.subf %neg3A_907, %mul3A_692 : vector<16xf32>
          %add3A_909 = arith.addf %neg3A_908, %mul3A_706 : vector<16xf32>
          %mul3A_910 = arith.constant 0.707106769 : f32
          %mul3A_911 = vector.broadcast %mul3A_910 : f32 to vector<16xf32>
          %mul3A_912 = arith.mulf %add3A_909, %mul3A_911 : vector<16xf32>
          %swap3A_913 = arith.constant 57 : i32
          %swap3A_914 = arith.index_cast %swap3A_913 : i32 to index
          %swap3A_915 = arith.index_cast %mul3A_110 : i32 to index
          %swap3A_916 = tpu.vector_load %arg9[%swap3A_914, %swap3A_915] {strides = array<i32>} : memref<81x512xf32, #tpu.memory_space<vmem>>, vector<16xf32>,
          tpu.vector_store %arg9[%swap3A_914, %swap3A_915], %mul3A_912 {strides = array<i32>} : memref<81x512xf32, #tpu.memory_space<vmem>>, vector<16xf32>,
          %mul3A_917 = arith.mulf %get3A_129, %get3A_153 : vector<16xf32>
          %mul3A_918 = arith.mulf %get3A_129, %get3A_157 : vector<16xf32>
          %mul3A_919 = arith.mulf %get3A_129, %get3A_161 : vector<16xf32>
          %mul3A_920 = arith.mulf %get3A_133, %get3A_153 : vector<16xf32>
          %mul3A_921 = arith.mulf %get3A_133, %get3A_157 : vector<16xf32>
          %mul3A_922 = arith.mulf %get3A_133, %get3A_161 : vector<16xf32>
          %mul3A_923 = arith.mulf %get3A_137, %get3A_153 : vector<16xf32>
          %mul3A_924 = arith.mulf %get3A_137, %get3A_157 : vector<16xf32>
          %mul3A_925 = arith.mulf %get3A_137, %get3A_161 : vector<16xf32>
          %mul3A_926 = arith.mulf %get3A_141, %get3A_153 : vector<16xf32>
          %mul3A_927 = arith.mulf %get3A_141, %get3A_157 : vector<16xf32>
          %mul3A_928 = arith.mulf %get3A_141, %get3A_161 : vector<16xf32>
          %mul3A_929 = arith.mulf %get3A_145, %get3A_153 : vector<16xf32>
          %mul3A_930 = arith.mulf %get3A_145, %get3A_157 : vector<16xf32>
          %mul3A_931 = arith.mulf %get3A_145, %get3A_161 : vector<16xf32>
          %neg3A_932 = arith.constant 0.000000e+00 : f32
          %neg3A_933 = vector.broadcast %neg3A_932 : f32 to vector<16xf32>
          %neg3A_934 = arith.subf %neg3A_933, %mul3A_923 : vector<16xf32>
          %mul3A_935 = arith.constant 0.316227764 : f32
          %mul3A_936 = vector.broadcast %mul3A_935 : f32 to vector<16xf32>
          %mul3A_937 = arith.mulf %neg3A_934, %mul3A_936 : vector<16xf32>
          %add3A_938 = arith.addf %mul3A_919, %mul3A_921 : vector<16xf32>
          %sub3A_939 = arith.subf %add3A_938, %mul3A_929 : vector<16xf32>
          %mul3A_940 = arith.constant 0.547722578 : f32
          %mul3A_941 = vector.broadcast %mul3A_940 : f32 to vector<16xf32>
          %mul3A_942 = arith.mulf %sub3A_939, %mul3A_941 : vector<16xf32>
          %add3A_943 = arith.addf %mul3A_937, %mul3A_942 : vector<16xf32>
          %swap3A_944 = arith.constant 15 : i32
          %swap3A_945 = arith.index_cast %swap3A_944 : i32 to index
          %swap3A_946 = arith.index_cast %mul3A_110 : i32 to index
          %swap3A_947 = tpu.vector_load %arg9[%swap3A_945, %swap3A_946] {strides = array<i32>} : memref<81x512xf32, #tpu.memory_space<vmem>>, vector<16xf32>,
          tpu.vector_store %arg9[%swap3A_945, %swap3A_946], %add3A_943 {strides = array<i32>} : memref<81x512xf32, #tpu.memory_space<vmem>>, vector<16xf32>,
          %add3A_948 = arith.addf %mul3A_920, %mul3A_928 : vector<16xf32>
          %mul3A_949 = arith.constant 0.547722578 : f32
          %mul3A_950 = vector.broadcast %mul3A_949 : f32 to vector<16xf32>
          %mul3A_951 = arith.mulf %add3A_948, %mul3A_950 : vector<16xf32>
          %mul3A_952 = arith.constant 0.632455527 : f32
          %mul3A_953 = vector.broadcast %mul3A_952 : f32 to vector<16xf32>
          %mul3A_954 = arith.mulf %mul3A_924, %mul3A_953 : vector<16xf32>
          %add3A_955 = arith.addf %mul3A_951, %mul3A_954 : vector<16xf32>
          %swap3A_956 = arith.constant 16 : i32
          %swap3A_957 = arith.index_cast %swap3A_956 : i32 to index
          %swap3A_958 = arith.index_cast %mul3A_110 : i32 to index
          %swap3A_959 = tpu.vector_load %arg9[%swap3A_957, %swap3A_958] {strides = array<i32>} : memref<81x512xf32, #tpu.memory_space<vmem>>, vector<16xf32>,
          tpu.vector_store %arg9[%swap3A_957, %swap3A_958], %add3A_955 {strides = array<i32>} : memref<81x512xf32, #tpu.memory_space<vmem>>, vector<16xf32>,
          %neg3A_960 = arith.constant 0.000000e+00 : f32
          %neg3A_961 = vector.broadcast %neg3A_960 : f32 to vector<16xf32>
          %neg3A_962 = arith.subf %neg3A_961, %mul3A_925 : vector<16xf32>
          %mul3A_963 = arith.constant 0.316227764 : f32
          %mul3A_964 = vector.broadcast %mul3A_963 : f32 to vector<16xf32>
          %mul3A_965 = arith.mulf %neg3A_962, %mul3A_964 : vector<16xf32>
          %add3A_966 = arith.addf %mul3A_917, %mul3A_927 : vector<16xf32>
          %add3A_967 = arith.addf %add3A_966, %mul3A_931 : vector<16xf32>
          %mul3A_968 = arith.constant 0.547722578 : f32
          %mul3A_969 = vector.broadcast %mul3A_968 : f32 to vector<16xf32>
          %mul3A_970 = arith.mulf %add3A_967, %mul3A_969 : vector<16xf32>
          %add3A_971 = arith.addf %mul3A_965, %mul3A_970 : vector<16xf32>
          %swap3A_972 = arith.constant 17 : i32
          %swap3A_973 = arith.index_cast %swap3A_972 : i32 to index
          %swap3A_974 = arith.index_cast %mul3A_110 : i32 to index
          %swap3A_975 = tpu.vector_load %arg9[%swap3A_973, %swap3A_974] {strides = array<i32>} : memref<81x512xf32, #tpu.memory_space<vmem>>, vector<16xf32>,
          tpu.vector_store %arg9[%swap3A_973, %swap3A_974], %add3A_971 {strides = array<i32>} : memref<81x512xf32, #tpu.memory_space<vmem>>, vector<16xf32>,
          %neg3A_976 = arith.constant 0.000000e+00 : f32
          %neg3A_977 = vector.broadcast %neg3A_976 : f32 to vector<16xf32>
          %neg3A_978 = arith.subf %neg3A_977, %mul3A_920 : vector<16xf32>
          %add3A_979 = arith.addf %neg3A_978, %mul3A_928 : vector<16xf32>
          %mul3A_980 = arith.constant 0.408248305 : f32
          %mul3A_981 = vector.broadcast %mul3A_980 : f32 to vector<16xf32>
          %mul3A_982 = arith.mulf %add3A_979, %mul3A_981 : vector<16xf32>
          %neg3A_983 = arith.constant 0.000000e+00 : f32
          %neg3A_984 = vector.broadcast %neg3A_983 : f32 to vector<16xf32>
          %neg3A_985 = arith.subf %neg3A_984, %mul3A_930 : vector<16xf32>
          %mul3A_986 = arith.constant 0.816496611 : f32
          %mul3A_987 = vector.broadcast %mul3A_986 : f32 to vector<16xf32>
          %mul3A_988 = arith.mulf %neg3A_985, %mul3A_987 : vector<16xf32>
          %add3A_989 = arith.addf %mul3A_982, %mul3A_988 : vector<16xf32>
          %swap3A_990 = arith.constant 41 : i32
          %swap3A_991 = arith.index_cast %swap3A_990 : i32 to index
          %swap3A_992 = arith.index_cast %mul3A_110 : i32 to index
          %swap3A_993 = tpu.vector_load %arg9[%swap3A_991, %swap3A_992] {strides = array<i32>} : memref<81x512xf32, #tpu.memory_space<vmem>>, vector<16xf32>,
          tpu.vector_store %arg9[%swap3A_991, %swap3A_992], %add3A_989 {strides = array<i32>} : memref<81x512xf32, #tpu.memory_space<vmem>>, vector<16xf32>,
          %sub3A_994 = arith.subf %mul3A_917, %mul3A_927 : vector<16xf32>
          %add3A_995 = arith.addf %sub3A_994, %mul3A_931 : vector<16xf32>
          %mul3A_996 = arith.constant 0.408248305 : f32
          %mul3A_997 = vector.broadcast %mul3A_996 : f32 to vector<16xf32>
          %mul3A_998 = arith.mulf %add3A_995, %mul3A_997 : vector<16xf32>
          %mul3A_999 = arith.constant 0.707106769 : f32
          %mul3A_1000 = vector.broadcast %mul3A_999 : f32 to vector<16xf32>
          %mul3A_1001 = arith.mulf %mul3A_925, %mul3A_1000 : vector<16xf32>
          %add3A_1002 = arith.addf %mul3A_998, %mul3A_1001 : vector<16xf32>
          %swap3A_1003 = arith.constant 42 : i32
          %swap3A_1004 = arith.index_cast %swap3A_1003 : i32 to index
          %swap3A_1005 = arith.index_cast %mul3A_110 : i32 to index
          %swap3A_1006 = tpu.vector_load %arg9[%swap3A_1004, %swap3A_1005] {strides = array<i32>} : memref<81x512xf32, #tpu.memory_space<vmem>>, vector<16xf32>,
          tpu.vector_store %arg9[%swap3A_1004, %swap3A_1005], %add3A_1002 {strides = array<i32>} : memref<81x512xf32, #tpu.memory_space<vmem>>, vector<16xf32>,
          %neg3A_1007 = arith.constant 0.000000e+00 : f32
          %neg3A_1008 = vector.broadcast %neg3A_1007 : f32 to vector<16xf32>
          %neg3A_1009 = arith.subf %neg3A_1008, %mul3A_922 : vector<16xf32>
          %add3A_1010 = arith.addf %neg3A_1009, %mul3A_926 : vector<16xf32>
          %mul3A_1011 = arith.constant 0.707106769 : f32
          %mul3A_1012 = vector.broadcast %mul3A_1011 : f32 to vector<16xf32>
          %mul3A_1013 = arith.mulf %add3A_1010, %mul3A_1012 : vector<16xf32>
          %swap3A_1014 = arith.constant 43 : i32
          %swap3A_1015 = arith.index_cast %swap3A_1014 : i32 to index
          %swap3A_1016 = arith.index_cast %mul3A_110 : i32 to index
          %swap3A_1017 = tpu.vector_load %arg9[%swap3A_1015, %swap3A_1016] {strides = array<i32>} : memref<81x512xf32, #tpu.memory_space<vmem>>, vector<16xf32>,
          tpu.vector_store %arg9[%swap3A_1015, %swap3A_1016], %mul3A_1013 {strides = array<i32>} : memref<81x512xf32, #tpu.memory_space<vmem>>, vector<16xf32>,
          %neg3A_1018 = arith.constant 0.000000e+00 : f32
          %neg3A_1019 = vector.broadcast %neg3A_1018 : f32 to vector<16xf32>
          %neg3A_1020 = arith.subf %neg3A_1019, %mul3A_919 : vector<16xf32>
          %add3A_1021 = arith.addf %neg3A_1020, %mul3A_921 : vector<16xf32>
          %add3A_1022 = arith.addf %add3A_1021, %mul3A_929 : vector<16xf32>
          %mul3A_1023 = arith.constant 0.408248305 : f32
          %mul3A_1024 = vector.broadcast %mul3A_1023 : f32 to vector<16xf32>
          %mul3A_1025 = arith.mulf %add3A_1022, %mul3A_1024 : vector<16xf32>
          %neg3A_1026 = arith.constant 0.000000e+00 : f32
          %neg3A_1027 = vector.broadcast %neg3A_1026 : f32 to vector<16xf32>
          %neg3A_1028 = arith.subf %neg3A_1027, %mul3A_923 : vector<16xf32>
          %mul3A_1029 = arith.constant 0.707106769 : f32
          %mul3A_1030 = vector.broadcast %mul3A_1029 : f32 to vector<16xf32>
          %mul3A_1031 = arith.mulf %neg3A_1028, %mul3A_1030 : vector<16xf32>
          %add3A_1032 = arith.addf %mul3A_1025, %mul3A_1031 : vector<16xf32>
          %swap3A_1033 = arith.constant 44 : i32
          %swap3A_1034 = arith.index_cast %swap3A_1033 : i32 to index
          %swap3A_1035 = arith.index_cast %mul3A_110 : i32 to index
          %swap3A_1036 = tpu.vector_load %arg9[%swap3A_1034, %swap3A_1035] {strides = array<i32>} : memref<81x512xf32, #tpu.memory_space<vmem>>, vector<16xf32>,
          tpu.vector_store %arg9[%swap3A_1034, %swap3A_1035], %add3A_1032 {strides = array<i32>} : memref<81x512xf32, #tpu.memory_space<vmem>>, vector<16xf32>,
          %neg3A_1037 = arith.constant 0.000000e+00 : f32
          %neg3A_1038 = vector.broadcast %neg3A_1037 : f32 to vector<16xf32>
          %neg3A_1039 = arith.subf %neg3A_1038, %mul3A_922 : vector<16xf32>
          %sub3A_1040 = arith.subf %neg3A_1039, %mul3A_926 : vector<16xf32>
          %mul3A_1041 = arith.constant 0.408248305 : f32
          %mul3A_1042 = vector.broadcast %mul3A_1041 : f32 to vector<16xf32>
          %mul3A_1043 = arith.mulf %sub3A_1040, %mul3A_1042 : vector<16xf32>
          %mul3A_1044 = arith.constant 0.816496611 : f32
          %mul3A_1045 = vector.broadcast %mul3A_1044 : f32 to vector<16xf32>
          %mul3A_1046 = arith.mulf %mul3A_918, %mul3A_1045 : vector<16xf32>
          %add3A_1047 = arith.addf %mul3A_1043, %mul3A_1046 : vector<16xf32>
          %swap3A_1048 = arith.constant 45 : i32
          %swap3A_1049 = arith.index_cast %swap3A_1048 : i32 to index
          %swap3A_1050 = arith.index_cast %mul3A_110 : i32 to index
          %swap3A_1051 = tpu.vector_load %arg9[%swap3A_1049, %swap3A_1050] {strides = array<i32>} : memref<81x512xf32, #tpu.memory_space<vmem>>, vector<16xf32>,
          tpu.vector_store %arg9[%swap3A_1049, %swap3A_1050], %add3A_1047 {strides = array<i32>} : memref<81x512xf32, #tpu.memory_space<vmem>>, vector<16xf32>,
          %add3A_1052 = arith.addf %mul3A_919, %mul3A_929 : vector<16xf32>
          %mul3A_1053 = arith.constant 0.707106769 : f32
          %mul3A_1054 = vector.broadcast %mul3A_1053 : f32 to vector<16xf32>
          %mul3A_1055 = arith.mulf %add3A_1052, %mul3A_1054 : vector<16xf32>
          %swap3A_1056 = arith.constant 58 : i32
          %swap3A_1057 = arith.index_cast %swap3A_1056 : i32 to index
          %swap3A_1058 = arith.index_cast %mul3A_110 : i32 to index
          %swap3A_1059 = tpu.vector_load %arg9[%swap3A_1057, %swap3A_1058] {strides = array<i32>} : memref<81x512xf32, #tpu.memory_space<vmem>>, vector<16xf32>,
          tpu.vector_store %arg9[%swap3A_1057, %swap3A_1058], %mul3A_1055 {strides = array<i32>} : memref<81x512xf32, #tpu.memory_space<vmem>>, vector<16xf32>,
          %add3A_1060 = arith.addf %mul3A_918, %mul3A_922 : vector<16xf32>
          %add3A_1061 = arith.addf %add3A_1060, %mul3A_926 : vector<16xf32>
          %mul3A_1062 = arith.constant 0.577350259 : f32
          %mul3A_1063 = vector.broadcast %mul3A_1062 : f32 to vector<16xf32>
          %mul3A_1064 = arith.mulf %add3A_1061, %mul3A_1063 : vector<16xf32>
          %swap3A_1065 = arith.constant 59 : i32
          %swap3A_1066 = arith.index_cast %swap3A_1065 : i32 to index
          %swap3A_1067 = arith.index_cast %mul3A_110 : i32 to index
          %swap3A_1068 = tpu.vector_load %arg9[%swap3A_1066, %swap3A_1067] {strides = array<i32>} : memref<81x512xf32, #tpu.memory_space<vmem>>, vector<16xf32>,
          tpu.vector_store %arg9[%swap3A_1066, %swap3A_1067], %mul3A_1064 {strides = array<i32>} : memref<81x512xf32, #tpu.memory_space<vmem>>, vector<16xf32>,
          %neg3A_1069 = arith.constant 0.000000e+00 : f32
          %neg3A_1070 = vector.broadcast %neg3A_1069 : f32 to vector<16xf32>
          %neg3A_1071 = arith.subf %neg3A_1070, %mul3A_919 : vector<16xf32>
          %add3A_1072 = arith.addf %neg3A_1071, %mul3A_929 : vector<16xf32>
          %mul3A_1073 = arith.constant 0.182574183 : f32
          %mul3A_1074 = vector.broadcast %mul3A_1073 : f32 to vector<16xf32>
          %mul3A_1075 = arith.mulf %add3A_1072, %mul3A_1074 : vector<16xf32>
          %mul3A_1076 = arith.constant 0.632455527 : f32
          %mul3A_1077 = vector.broadcast %mul3A_1076 : f32 to vector<16xf32>
          %mul3A_1078 = arith.mulf %mul3A_923, %mul3A_1077 : vector<16xf32>
          %add3A_1079 = arith.addf %mul3A_1075, %mul3A_1078 : vector<16xf32>
          %mul3A_1080 = arith.constant 0.730296731 : f32
          %mul3A_1081 = vector.broadcast %mul3A_1080 : f32 to vector<16xf32>
          %mul3A_1082 = arith.mulf %mul3A_921, %mul3A_1081 : vector<16xf32>
          %add3A_1083 = arith.addf %add3A_1079, %mul3A_1082 : vector<16xf32>
          %swap3A_1084 = arith.constant 60 : i32
          %swap3A_1085 = arith.index_cast %swap3A_1084 : i32 to index
          %swap3A_1086 = arith.index_cast %mul3A_110 : i32 to index
          %swap3A_1087 = tpu.vector_load %arg9[%swap3A_1085, %swap3A_1086] {strides = array<i32>} : memref<81x512xf32, #tpu.memory_space<vmem>>, vector<16xf32>,
          tpu.vector_store %arg9[%swap3A_1085, %swap3A_1086], %add3A_1083 {strides = array<i32>} : memref<81x512xf32, #tpu.memory_space<vmem>>, vector<16xf32>,
          %neg3A_1088 = arith.constant 0.000000e+00 : f32
          %neg3A_1089 = vector.broadcast %neg3A_1088 : f32 to vector<16xf32>
          %neg3A_1090 = arith.subf %neg3A_1089, %mul3A_920 : vector<16xf32>
          %sub3A_1091 = arith.subf %neg3A_1090, %mul3A_928 : vector<16xf32>
          %mul3A_1092 = arith.constant 0.44721359 : f32
          %mul3A_1093 = vector.broadcast %mul3A_1092 : f32 to vector<16xf32>
          %mul3A_1094 = arith.mulf %sub3A_1091, %mul3A_1093 : vector<16xf32>
          %mul3A_1095 = arith.constant 0.774596691 : f32
          %mul3A_1096 = vector.broadcast %mul3A_1095 : f32 to vector<16xf32>
          %mul3A_1097 = arith.mulf %mul3A_924, %mul3A_1096 : vector<16xf32>
          %add3A_1098 = arith.addf %mul3A_1094, %mul3A_1097 : vector<16xf32>
          %swap3A_1099 = arith.constant 61 : i32
          %swap3A_1100 = arith.index_cast %swap3A_1099 : i32 to index
          %swap3A_1101 = arith.index_cast %mul3A_110 : i32 to index
          %swap3A_1102 = tpu.vector_load %arg9[%swap3A_1100, %swap3A_1101] {strides = array<i32>} : memref<81x512xf32, #tpu.memory_space<vmem>>, vector<16xf32>,
          tpu.vector_store %arg9[%swap3A_1100, %swap3A_1101], %add3A_1098 {strides = array<i32>} : memref<81x512xf32, #tpu.memory_space<vmem>>, vector<16xf32>,
          %neg3A_1103 = arith.constant 0.000000e+00 : f32
          %neg3A_1104 = vector.broadcast %neg3A_1103 : f32 to vector<16xf32>
          %neg3A_1105 = arith.subf %neg3A_1104, %mul3A_917 : vector<16xf32>
          %sub3A_1106 = arith.subf %neg3A_1105, %mul3A_931 : vector<16xf32>
          %mul3A_1107 = arith.constant 0.182574183 : f32
          %mul3A_1108 = vector.broadcast %mul3A_1107 : f32 to vector<16xf32>
          %mul3A_1109 = arith.mulf %sub3A_1106, %mul3A_1108 : vector<16xf32>
          %mul3A_1110 = arith.constant 0.632455527 : f32
          %mul3A_1111 = vector.broadcast %mul3A_1110 : f32 to vector<16xf32>
          %mul3A_1112 = arith.mulf %mul3A_925, %mul3A_1111 : vector<16xf32>
          %add3A_1113 = arith.addf %mul3A_1109, %mul3A_1112 : vector<16xf32>
          %mul3A_1114 = arith.constant 0.730296731 : f32
          %mul3A_1115 = vector.broadcast %mul3A_1114 : f32 to vector<16xf32>
          %mul3A_1116 = arith.mulf %mul3A_927, %mul3A_1115 : vector<16xf32>
          %add3A_1117 = arith.addf %add3A_1113, %mul3A_1116 : vector<16xf32>
          %swap3A_1118 = arith.constant 62 : i32
          %swap3A_1119 = arith.index_cast %swap3A_1118 : i32 to index
          %swap3A_1120 = arith.index_cast %mul3A_110 : i32 to index
          %swap3A_1121 = tpu.vector_load %arg9[%swap3A_1119, %swap3A_1120] {strides = array<i32>} : memref<81x512xf32, #tpu.memory_space<vmem>>, vector<16xf32>,
          tpu.vector_store %arg9[%swap3A_1119, %swap3A_1120], %add3A_1117 {strides = array<i32>} : memref<81x512xf32, #tpu.memory_space<vmem>>, vector<16xf32>,
          %neg3A_1122 = arith.constant 0.000000e+00 : f32
          %neg3A_1123 = vector.broadcast %neg3A_1122 : f32 to vector<16xf32>
          %neg3A_1124 = arith.subf %neg3A_1123, %mul3A_920 : vector<16xf32>
          %add3A_1125 = arith.addf %neg3A_1124, %mul3A_928 : vector<16xf32>
          %add3A_1126 = arith.addf %add3A_1125, %mul3A_930 : vector<16xf32>
          %mul3A_1127 = arith.constant 0.577350259 : f32
          %mul3A_1128 = vector.broadcast %mul3A_1127 : f32 to vector<16xf32>
          %mul3A_1129 = arith.mulf %add3A_1126, %mul3A_1128 : vector<16xf32>
          %swap3A_1130 = arith.constant 63 : i32
          %swap3A_1131 = arith.index_cast %swap3A_1130 : i32 to index
          %swap3A_1132 = arith.index_cast %mul3A_110 : i32 to index
          %swap3A_1133 = tpu.vector_load %arg9[%swap3A_1131, %swap3A_1132] {strides = array<i32>} : memref<81x512xf32, #tpu.memory_space<vmem>>, vector<16xf32>,
          tpu.vector_store %arg9[%swap3A_1131, %swap3A_1132], %mul3A_1129 {strides = array<i32>} : memref<81x512xf32, #tpu.memory_space<vmem>>, vector<16xf32>,
          %neg3A_1134 = arith.constant 0.000000e+00 : f32
          %neg3A_1135 = vector.broadcast %neg3A_1134 : f32 to vector<16xf32>
          %neg3A_1136 = arith.subf %neg3A_1135, %mul3A_917 : vector<16xf32>
          %add3A_1137 = arith.addf %neg3A_1136, %mul3A_931 : vector<16xf32>
          %mul3A_1138 = arith.constant 0.707106769 : f32
          %mul3A_1139 = vector.broadcast %mul3A_1138 : f32 to vector<16xf32>
          %mul3A_1140 = arith.mulf %add3A_1137, %mul3A_1139 : vector<16xf32>
          %swap3A_1141 = arith.constant 64 : i32
          %swap3A_1142 = arith.index_cast %swap3A_1141 : i32 to index
          %swap3A_1143 = arith.index_cast %mul3A_110 : i32 to index
          %swap3A_1144 = tpu.vector_load %arg9[%swap3A_1142, %swap3A_1143] {strides = array<i32>} : memref<81x512xf32, #tpu.memory_space<vmem>>, vector<16xf32>,
          tpu.vector_store %arg9[%swap3A_1142, %swap3A_1143], %mul3A_1140 {strides = array<i32>} : memref<81x512xf32, #tpu.memory_space<vmem>>, vector<16xf32>,
          %mul3A_1145 = arith.mulf %get3A_113, %get3A_165 : vector<16xf32>
          %mul3A_1146 = arith.mulf %get3A_113, %get3A_169 : vector<16xf32>
          %mul3A_1147 = arith.mulf %get3A_113, %get3A_173 : vector<16xf32>
          %mul3A_1148 = arith.mulf %get3A_113, %get3A_177 : vector<16xf32>
          %mul3A_1149 = arith.mulf %get3A_113, %get3A_181 : vector<16xf32>
          %swap3A_1150 = arith.constant 21 : i32
          %swap3A_1151 = arith.index_cast %swap3A_1150 : i32 to index
          %swap3A_1152 = arith.index_cast %mul3A_110 : i32 to index
          %swap3A_1153 = tpu.vector_load %arg9[%swap3A_1151, %swap3A_1152] {strides = array<i32>} : memref<81x512xf32, #tpu.memory_space<vmem>>, vector<16xf32>,
          tpu.vector_store %arg9[%swap3A_1151, %swap3A_1152], %mul3A_1145 {strides = array<i32>} : memref<81x512xf32, #tpu.memory_space<vmem>>, vector<16xf32>,
          %swap3A_1154 = arith.constant 22 : i32
          %swap3A_1155 = arith.index_cast %swap3A_1154 : i32 to index
          %swap3A_1156 = arith.index_cast %mul3A_110 : i32 to index
          %swap3A_1157 = tpu.vector_load %arg9[%swap3A_1155, %swap3A_1156] {strides = array<i32>} : memref<81x512xf32, #tpu.memory_space<vmem>>, vector<16xf32>,
          tpu.vector_store %arg9[%swap3A_1155, %swap3A_1156], %mul3A_1146 {strides = array<i32>} : memref<81x512xf32, #tpu.memory_space<vmem>>, vector<16xf32>,
          %swap3A_1158 = arith.constant 23 : i32
          %swap3A_1159 = arith.index_cast %swap3A_1158 : i32 to index
          %swap3A_1160 = arith.index_cast %mul3A_110 : i32 to index
          %swap3A_1161 = tpu.vector_load %arg9[%swap3A_1159, %swap3A_1160] {strides = array<i32>} : memref<81x512xf32, #tpu.memory_space<vmem>>, vector<16xf32>,
          tpu.vector_store %arg9[%swap3A_1159, %swap3A_1160], %mul3A_1147 {strides = array<i32>} : memref<81x512xf32, #tpu.memory_space<vmem>>, vector<16xf32>,
          %swap3A_1162 = arith.constant 24 : i32
          %swap3A_1163 = arith.index_cast %swap3A_1162 : i32 to index
          %swap3A_1164 = arith.index_cast %mul3A_110 : i32 to index
          %swap3A_1165 = tpu.vector_load %arg9[%swap3A_1163, %swap3A_1164] {strides = array<i32>} : memref<81x512xf32, #tpu.memory_space<vmem>>, vector<16xf32>,
          tpu.vector_store %arg9[%swap3A_1163, %swap3A_1164], %mul3A_1148 {strides = array<i32>} : memref<81x512xf32, #tpu.memory_space<vmem>>, vector<16xf32>,
          %swap3A_1166 = arith.constant 25 : i32
          %swap3A_1167 = arith.index_cast %swap3A_1166 : i32 to index
          %swap3A_1168 = arith.index_cast %mul3A_110 : i32 to index
          %swap3A_1169 = tpu.vector_load %arg9[%swap3A_1167, %swap3A_1168] {strides = array<i32>} : memref<81x512xf32, #tpu.memory_space<vmem>>, vector<16xf32>,
          tpu.vector_store %arg9[%swap3A_1167, %swap3A_1168], %mul3A_1149 {strides = array<i32>} : memref<81x512xf32, #tpu.memory_space<vmem>>, vector<16xf32>,
          %mul3A_1170 = arith.mulf %get3A_129, %get3A_149 : vector<16xf32>
          %mul3A_1171 = arith.mulf %get3A_133, %get3A_149 : vector<16xf32>
          %mul3A_1172 = arith.mulf %get3A_137, %get3A_149 : vector<16xf32>
          %mul3A_1173 = arith.mulf %get3A_141, %get3A_149 : vector<16xf32>
          %mul3A_1174 = arith.mulf %get3A_145, %get3A_149 : vector<16xf32>
          %swap3A_1175 = arith.constant 36 : i32
          %swap3A_1176 = arith.index_cast %swap3A_1175 : i32 to index
          %swap3A_1177 = arith.index_cast %mul3A_110 : i32 to index
          %swap3A_1178 = tpu.vector_load %arg9[%swap3A_1176, %swap3A_1177] {strides = array<i32>} : memref<81x512xf32, #tpu.memory_space<vmem>>, vector<16xf32>,
          tpu.vector_store %arg9[%swap3A_1176, %swap3A_1177], %mul3A_1170 {strides = array<i32>} : memref<81x512xf32, #tpu.memory_space<vmem>>, vector<16xf32>,
          %swap3A_1179 = arith.constant 37 : i32
          %swap3A_1180 = arith.index_cast %swap3A_1179 : i32 to index
          %swap3A_1181 = arith.index_cast %mul3A_110 : i32 to index
          %swap3A_1182 = tpu.vector_load %arg9[%swap3A_1180, %swap3A_1181] {strides = array<i32>} : memref<81x512xf32, #tpu.memory_space<vmem>>, vector<16xf32>,
          tpu.vector_store %arg9[%swap3A_1180, %swap3A_1181], %mul3A_1171 {strides = array<i32>} : memref<81x512xf32, #tpu.memory_space<vmem>>, vector<16xf32>,
          %swap3A_1183 = arith.constant 38 : i32
          %swap3A_1184 = arith.index_cast %swap3A_1183 : i32 to index
          %swap3A_1185 = arith.index_cast %mul3A_110 : i32 to index
          %swap3A_1186 = tpu.vector_load %arg9[%swap3A_1184, %swap3A_1185] {strides = array<i32>} : memref<81x512xf32, #tpu.memory_space<vmem>>, vector<16xf32>,
          tpu.vector_store %arg9[%swap3A_1184, %swap3A_1185], %mul3A_1172 {strides = array<i32>} : memref<81x512xf32, #tpu.memory_space<vmem>>, vector<16xf32>,
          %swap3A_1187 = arith.constant 39 : i32
          %swap3A_1188 = arith.index_cast %swap3A_1187 : i32 to index
          %swap3A_1189 = arith.index_cast %mul3A_110 : i32 to index
          %swap3A_1190 = tpu.vector_load %arg9[%swap3A_1188, %swap3A_1189] {strides = array<i32>} : memref<81x512xf32, #tpu.memory_space<vmem>>, vector<16xf32>,
          tpu.vector_store %arg9[%swap3A_1188, %swap3A_1189], %mul3A_1173 {strides = array<i32>} : memref<81x512xf32, #tpu.memory_space<vmem>>, vector<16xf32>,
          %swap3A_1191 = arith.constant 40 : i32
          %swap3A_1192 = arith.index_cast %swap3A_1191 : i32 to index
          %swap3A_1193 = arith.index_cast %mul3A_110 : i32 to index
          %swap3A_1194 = tpu.vector_load %arg9[%swap3A_1192, %swap3A_1193] {strides = array<i32>} : memref<81x512xf32, #tpu.memory_space<vmem>>, vector<16xf32>,
          tpu.vector_store %arg9[%swap3A_1192, %swap3A_1193], %mul3A_1174 {strides = array<i32>} : memref<81x512xf32, #tpu.memory_space<vmem>>, vector<16xf32>,
        }
        %scan3A_104 = arith.constant 32 : i32
        %dma_start3A = arith.constant 0 : i32
        %dma_start3A_105 = tpu.memref_slice %arg4[%dma_start3A, %min3A_86] : memref<81x800000xf32, #tpu.memory_space<hbm>> -> memref<81x512xf32, #tpu.memory_space<hbm>>
        %dma_start3A_106 = arith.constant 0 : i32
        %dma_start3A_107 = tpu.memref_slice %arg4[%dma_start3A_106, %min3A_86] : memref<81x800000xf32, #tpu.memory_space<hbm>> -> memref<81x512xf32, #tpu.memory_space<hbm>>
        tpu.enqueue_dma source(%arg9 : memref<81x512xf32, #tpu.memory_space<vmem>>) target(%dma_start3A_107 : memref<81x512xf32, #tpu.memory_space<hbm>>) target_semaphore(%arg15 : memref<!tpu.dma_semaphore, #tpu.memory_space<semaphore_mem>>)
      } else {
      }
      %mul3A_62 = arith.constant 2 : i32
      %mul3A_63 = arith.muli %mul3A_62, %scan3A_41 : i32
      %add3A_64 = arith.constant 1 : i32
      %add3A_65 = arith.addi %mul3A_63, %add3A_64 : i32
      %mul3A_66 = arith.constant 32 : i32
      %mul3A_67 = arith.muli %mul3A_66, %add3A_65 : i32
      %add3A_68 = arith.addi %add3A, %mul3A_67 : i32
      %add3A_69 = arith.constant 1 : i32
      %add3A_70 = arith.addi %add3A_65, %add3A_69 : i32
      %mul3A_71 = arith.constant 32 : i32
      %mul3A_72 = arith.muli %mul3A_71, %add3A_70 : i32
      %add3A_73 = arith.addi %add3A, %mul3A_72 : i32
      %lt3A_74 = arith.constant 1563 : i32
      %lt3A_75 = arith.cmpi slt, %add3A_73, %lt3A_74 : i32
      %convert_element_type3A_76 = arith.extui %lt3A_75 : i1 to i32
      %cond3A_77 = arith.constant 0 : i32
      %cond3A_78 = arith.cmpi ne, %convert_element_type3A_76, %cond3A_77 : i32
      scf.if %cond3A_78 {
        %mul3A_84 = arith.constant 512 : i32
        %mul3A_85 = arith.muli %add3A_73, %mul3A_84 : i32
        %min3A = arith.constant 799488 : i32
        %min3A_86 = arith.minsi %mul3A_85, %min3A : i32
        %dma_start3A = arith.constant 0 : i32
        %dma_start3A_87 = tpu.memref_slice %arg2[%dma_start3A, %min3A_86] : memref<9x800000xf32, #tpu.memory_space<hbm>> -> memref<9x512xf32, #tpu.memory_space<hbm>>
        %dma_start3A_88 = arith.constant 0 : i32
        %dma_start3A_89 = tpu.memref_slice %arg2[%dma_start3A_88, %min3A_86] : memref<9x800000xf32, #tpu.memory_space<hbm>> -> memref<9x512xf32, #tpu.memory_space<hbm>>
        tpu.enqueue_dma source(%dma_start3A_89 : memref<9x512xf32, #tpu.memory_space<hbm>>) target(%arg5 : memref<9x512xf32, #tpu.memory_space<vmem>>) target_semaphore(%arg11 : memref<!tpu.dma_semaphore, #tpu.memory_space<semaphore_mem>>)
        %dma_start3A_90 = arith.constant 0 : i32
        %dma_start3A_91 = tpu.memref_slice %arg3[%dma_start3A_90, %min3A_86] : memref<9x800000xf32, #tpu.memory_space<hbm>> -> memref<9x512xf32, #tpu.memory_space<hbm>>
        %dma_start3A_92 = arith.constant 0 : i32
        %dma_start3A_93 = tpu.memref_slice %arg3[%dma_start3A_92, %min3A_86] : memref<9x800000xf32, #tpu.memory_space<hbm>> -> memref<9x512xf32, #tpu.memory_space<hbm>>
        tpu.enqueue_dma source(%dma_start3A_93 : memref<9x512xf32, #tpu.memory_space<hbm>>) target(%arg7 : memref<9x512xf32, #tpu.memory_space<vmem>>) target_semaphore(%arg13 : memref<!tpu.dma_semaphore, #tpu.memory_space<semaphore_mem>>)
      } else {
      }
      %lt3A_79 = arith.constant 1563 : i32
      %lt3A_80 = arith.cmpi slt, %add3A_68, %lt3A_79 : i32
      %convert_element_type3A_81 = arith.extui %lt3A_80 : i1 to i32
      %cond3A_82 = arith.constant 0 : i32
      %cond3A_83 = arith.cmpi ne, %convert_element_type3A_81, %cond3A_82 : i32
      scf.if %cond3A_83 {
        %mul3A_84 = arith.constant 512 : i32
        %mul3A_85 = arith.muli %add3A_68, %mul3A_84 : i32
        %min3A = arith.constant 799488 : i32
        %min3A_86 = arith.minsi %mul3A_85, %min3A : i32
        %dma_wait3A = arith.constant 0 : i32
        %dma_wait3A_87 = tpu.memref_slice %arg2[%dma_wait3A, %min3A_86] : memref<9x800000xf32, #tpu.memory_space<hbm>> -> memref<9x512xf32, #tpu.memory_space<hbm>>
        %dma_wait3A_88 = arith.constant 0 : i32
        %dma_wait3A_89 = tpu.memref_slice %arg2[%dma_wait3A_88, %min3A_86] : memref<9x800000xf32, #tpu.memory_space<hbm>> -> memref<9x512xf32, #tpu.memory_space<hbm>>
        tpu.wait_dma2 semaphore(%arg12 : memref<!tpu.dma_semaphore, #tpu.memory_space<semaphore_mem>>) src(%dma_wait3A_89 : memref<9x512xf32, #tpu.memory_space<hbm>>) dst(%arg6 : memref<9x512xf32, #tpu.memory_space<vmem>>)
        %dma_wait3A_90 = arith.constant 0 : i32
        %dma_wait3A_91 = tpu.memref_slice %arg3[%dma_wait3A_90, %min3A_86] : memref<9x800000xf32, #tpu.memory_space<hbm>> -> memref<9x512xf32, #tpu.memory_space<hbm>>
        %dma_wait3A_92 = arith.constant 0 : i32
        %dma_wait3A_93 = tpu.memref_slice %arg3[%dma_wait3A_92, %min3A_86] : memref<9x800000xf32, #tpu.memory_space<hbm>> -> memref<9x512xf32, #tpu.memory_space<hbm>>
        tpu.wait_dma2 semaphore(%arg14 : memref<!tpu.dma_semaphore, #tpu.memory_space<semaphore_mem>>) src(%dma_wait3A_93 : memref<9x512xf32, #tpu.memory_space<hbm>>) dst(%arg8 : memref<9x512xf32, #tpu.memory_space<vmem>>)
        %ge3A_94 = arith.constant 2 : i32
        %ge3A_95 = arith.cmpi sge, %add3A_65, %ge3A_94 : i32
        %convert_element_type3A_96 = arith.extui %ge3A_95 : i1 to i32
        %cond3A_97 = arith.constant 0 : i32
        %cond3A_98 = arith.cmpi ne, %convert_element_type3A_96, %cond3A_97 : i32
        scf.if %cond3A_98 {
          %dma_wait3A_108 = arith.constant 0 : i32
          %dma_wait3A_109 = tpu.memref_slice %arg4[%dma_wait3A_108, %min3A_86] : memref<81x800000xf32, #tpu.memory_space<hbm>> -> memref<81x512xf32, #tpu.memory_space<hbm>>
          %dma_wait3A_110 = arith.constant 0 : i32
          %dma_wait3A_111 = tpu.memref_slice %arg4[%dma_wait3A_110, %min3A_86] : memref<81x800000xf32, #tpu.memory_space<hbm>> -> memref<81x512xf32, #tpu.memory_space<hbm>>
          tpu.wait_dma2 semaphore(%arg16 : memref<!tpu.dma_semaphore, #tpu.memory_space<semaphore_mem>>) src(%arg10 : memref<81x512xf32, #tpu.memory_space<vmem>>) dst(%dma_wait3A_111 : memref<81x512xf32, #tpu.memory_space<hbm>>)
        } else {
        }
        %scan3A_99 = arith.constant 0 : i32
        %scan3A_100 = arith.constant 0 : i32
        %scan3A_101 = arith.constant 32 : i32
        %scan3A_102 = arith.addi %scan3A_100, %scan3A_101 : i32
        %scan3A_103 = arith.constant 1 : i32
        scf.for %scan3A_108 = %scan3A_100 to %scan3A_102 step %scan3A_103  : i32 {
          %mul3A_109 = arith.constant 16 : i32
          %mul3A_110 = arith.muli %scan3A_108, %mul3A_109 : i32
          %get3A = arith.constant 0 : i32
          %get3A_111 = arith.index_cast %get3A : i32 to index
          %get3A_112 = arith.index_cast %mul3A_110 : i32 to index
          %get3A_113 = tpu.vector_load %arg6[%get3A_111, %get3A_112] {strides = array<i32>} : memref<9x512xf32, #tpu.memory_space<vmem>>, vector<16xf32>,
          %get3A_114 = arith.constant 1 : i32
          %get3A_115 = arith.index_cast %get3A_114 : i32 to index
          %get3A_116 = arith.index_cast %mul3A_110 : i32 to index
          %get3A_117 = tpu.vector_load %arg6[%get3A_115, %get3A_116] {strides = array<i32>} : memref<9x512xf32, #tpu.memory_space<vmem>>, vector<16xf32>,
          %get3A_118 = arith.constant 2 : i32
          %get3A_119 = arith.index_cast %get3A_118 : i32 to index
          %get3A_120 = arith.index_cast %mul3A_110 : i32 to index
          %get3A_121 = tpu.vector_load %arg6[%get3A_119, %get3A_120] {strides = array<i32>} : memref<9x512xf32, #tpu.memory_space<vmem>>, vector<16xf32>,
          %get3A_122 = arith.constant 3 : i32
          %get3A_123 = arith.index_cast %get3A_122 : i32 to index
          %get3A_124 = arith.index_cast %mul3A_110 : i32 to index
          %get3A_125 = tpu.vector_load %arg6[%get3A_123, %get3A_124] {strides = array<i32>} : memref<9x512xf32, #tpu.memory_space<vmem>>, vector<16xf32>,
          %get3A_126 = arith.constant 4 : i32
          %get3A_127 = arith.index_cast %get3A_126 : i32 to index
          %get3A_128 = arith.index_cast %mul3A_110 : i32 to index
          %get3A_129 = tpu.vector_load %arg6[%get3A_127, %get3A_128] {strides = array<i32>} : memref<9x512xf32, #tpu.memory_space<vmem>>, vector<16xf32>,
          %get3A_130 = arith.constant 5 : i32
          %get3A_131 = arith.index_cast %get3A_130 : i32 to index
          %get3A_132 = arith.index_cast %mul3A_110 : i32 to index
          %get3A_133 = tpu.vector_load %arg6[%get3A_131, %get3A_132] {strides = array<i32>} : memref<9x512xf32, #tpu.memory_space<vmem>>, vector<16xf32>,
          %get3A_134 = arith.constant 6 : i32
          %get3A_135 = arith.index_cast %get3A_134 : i32 to index
          %get3A_136 = arith.index_cast %mul3A_110 : i32 to index
          %get3A_137 = tpu.vector_load %arg6[%get3A_135, %get3A_136] {strides = array<i32>} : memref<9x512xf32, #tpu.memory_space<vmem>>, vector<16xf32>,
          %get3A_138 = arith.constant 7 : i32
          %get3A_139 = arith.index_cast %get3A_138 : i32 to index
          %get3A_140 = arith.index_cast %mul3A_110 : i32 to index
          %get3A_141 = tpu.vector_load %arg6[%get3A_139, %get3A_140] {strides = array<i32>} : memref<9x512xf32, #tpu.memory_space<vmem>>, vector<16xf32>,
          %get3A_142 = arith.constant 8 : i32
          %get3A_143 = arith.index_cast %get3A_142 : i32 to index
          %get3A_144 = arith.index_cast %mul3A_110 : i32 to index
          %get3A_145 = tpu.vector_load %arg6[%get3A_143, %get3A_144] {strides = array<i32>} : memref<9x512xf32, #tpu.memory_space<vmem>>, vector<16xf32>,
          %get3A_146 = arith.constant 0 : i32
          %get3A_147 = arith.index_cast %get3A_146 : i32 to index
          %get3A_148 = arith.index_cast %mul3A_110 : i32 to index
          %get3A_149 = tpu.vector_load %arg8[%get3A_147, %get3A_148] {strides = array<i32>} : memref<9x512xf32, #tpu.memory_space<vmem>>, vector<16xf32>,
          %get3A_150 = arith.constant 1 : i32
          %get3A_151 = arith.index_cast %get3A_150 : i32 to index
          %get3A_152 = arith.index_cast %mul3A_110 : i32 to index
          %get3A_153 = tpu.vector_load %arg8[%get3A_151, %get3A_152] {strides = array<i32>} : memref<9x512xf32, #tpu.memory_space<vmem>>, vector<16xf32>,
          %get3A_154 = arith.constant 2 : i32
          %get3A_155 = arith.index_cast %get3A_154 : i32 to index
          %get3A_156 = arith.index_cast %mul3A_110 : i32 to index
          %get3A_157 = tpu.vector_load %arg8[%get3A_155, %get3A_156] {strides = array<i32>} : memref<9x512xf32, #tpu.memory_space<vmem>>, vector<16xf32>,
          %get3A_158 = arith.constant 3 : i32
          %get3A_159 = arith.index_cast %get3A_158 : i32 to index
          %get3A_160 = arith.index_cast %mul3A_110 : i32 to index
          %get3A_161 = tpu.vector_load %arg8[%get3A_159, %get3A_160] {strides = array<i32>} : memref<9x512xf32, #tpu.memory_space<vmem>>, vector<16xf32>,
          %get3A_162 = arith.constant 4 : i32
          %get3A_163 = arith.index_cast %get3A_162 : i32 to index
          %get3A_164 = arith.index_cast %mul3A_110 : i32 to index
          %get3A_165 = tpu.vector_load %arg8[%get3A_163, %get3A_164] {strides = array<i32>} : memref<9x512xf32, #tpu.memory_space<vmem>>, vector<16xf32>,
          %get3A_166 = arith.constant 5 : i32
          %get3A_167 = arith.index_cast %get3A_166 : i32 to index
          %get3A_168 = arith.index_cast %mul3A_110 : i32 to index
          %get3A_169 = tpu.vector_load %arg8[%get3A_167, %get3A_168] {strides = array<i32>} : memref<9x512xf32, #tpu.memory_space<vmem>>, vector<16xf32>,
          %get3A_170 = arith.constant 6 : i32
          %get3A_171 = arith.index_cast %get3A_170 : i32 to index
          %get3A_172 = arith.index_cast %mul3A_110 : i32 to index
          %get3A_173 = tpu.vector_load %arg8[%get3A_171, %get3A_172] {strides = array<i32>} : memref<9x512xf32, #tpu.memory_space<vmem>>, vector<16xf32>,
          %get3A_174 = arith.constant 7 : i32
          %get3A_175 = arith.index_cast %get3A_174 : i32 to index
          %get3A_176 = arith.index_cast %mul3A_110 : i32 to index
          %get3A_177 = tpu.vector_load %arg8[%get3A_175, %get3A_176] {strides = array<i32>} : memref<9x512xf32, #tpu.memory_space<vmem>>, vector<16xf32>,
          %get3A_178 = arith.constant 8 : i32
          %get3A_179 = arith.index_cast %get3A_178 : i32 to index
          %get3A_180 = arith.index_cast %mul3A_110 : i32 to index
          %get3A_181 = tpu.vector_load %arg8[%get3A_179, %get3A_180] {strides = array<i32>} : memref<9x512xf32, #tpu.memory_space<vmem>>, vector<16xf32>,
          %mul3A_182 = arith.mulf %get3A_113, %get3A_149 : vector<16xf32>
          %swap3A = arith.constant 0 : i32
          %swap3A_183 = arith.index_cast %swap3A : i32 to index
          %swap3A_184 = arith.index_cast %mul3A_110 : i32 to index
          %swap3A_185 = tpu.vector_load %arg10[%swap3A_183, %swap3A_184] {strides = array<i32>} : memref<81x512xf32, #tpu.memory_space<vmem>>, vector<16xf32>,
          tpu.vector_store %arg10[%swap3A_183, %swap3A_184], %mul3A_182 {strides = array<i32>} : memref<81x512xf32, #tpu.memory_space<vmem>>, vector<16xf32>,
          %mul3A_186 = arith.mulf %get3A_117, %get3A_153 : vector<16xf32>
          %mul3A_187 = arith.mulf %get3A_117, %get3A_157 : vector<16xf32>
          %mul3A_188 = arith.mulf %get3A_117, %get3A_161 : vector<16xf32>
          %mul3A_189 = arith.mulf %get3A_121, %get3A_153 : vector<16xf32>
          %mul3A_190 = arith.mulf %get3A_121, %get3A_157 : vector<16xf32>
          %mul3A_191 = arith.mulf %get3A_121, %get3A_161 : vector<16xf32>
          %mul3A_192 = arith.mulf %get3A_125, %get3A_153 : vector<16xf32>
          %mul3A_193 = arith.mulf %get3A_125, %get3A_157 : vector<16xf32>
          %mul3A_194 = arith.mulf %get3A_125, %get3A_161 : vector<16xf32>
          %add3A_195 = arith.addf %mul3A_186, %mul3A_190 : vector<16xf32>
          %add3A_196 = arith.addf %add3A_195, %mul3A_194 : vector<16xf32>
          %mul3A_197 = arith.constant 0.577350259 : f32
          %mul3A_198 = vector.broadcast %mul3A_197 : f32 to vector<16xf32>
          %mul3A_199 = arith.mulf %add3A_196, %mul3A_198 : vector<16xf32>
          %swap3A_200 = arith.constant 1 : i32
          %swap3A_201 = arith.index_cast %swap3A_200 : i32 to index
          %swap3A_202 = arith.index_cast %mul3A_110 : i32 to index
          %swap3A_203 = tpu.vector_load %arg10[%swap3A_201, %swap3A_202] {strides = array<i32>} : memref<81x512xf32, #tpu.memory_space<vmem>>, vector<16xf32>,
          tpu.vector_store %arg10[%swap3A_201, %swap3A_202], %mul3A_199 {strides = array<i32>} : memref<81x512xf32, #tpu.memory_space<vmem>>, vector<16xf32>,
          %sub3A_204 = arith.subf %mul3A_191, %mul3A_193 : vector<16xf32>
          %mul3A_205 = arith.constant 0.707106769 : f32
          %mul3A_206 = vector.broadcast %mul3A_205 : f32 to vector<16xf32>
          %mul3A_207 = arith.mulf %sub3A_204, %mul3A_206 : vector<16xf32>
          %swap3A_208 = arith.constant 9 : i32
          %swap3A_209 = arith.index_cast %swap3A_208 : i32 to index
          %swap3A_210 = arith.index_cast %mul3A_110 : i32 to index
          %swap3A_211 = tpu.vector_load %arg10[%swap3A_209, %swap3A_210] {strides = array<i32>} : memref<81x512xf32, #tpu.memory_space<vmem>>, vector<16xf32>,
          tpu.vector_store %arg10[%swap3A_209, %swap3A_210], %mul3A_207 {strides = array<i32>} : memref<81x512xf32, #tpu.memory_space<vmem>>, vector<16xf32>,
          %neg3A = arith.constant 0.000000e+00 : f32
          %neg3A_212 = vector.broadcast %neg3A : f32 to vector<16xf32>
          %neg3A_213 = arith.subf %neg3A_212, %mul3A_188 : vector<16xf32>
          %add3A_214 = arith.addf %neg3A_213, %mul3A_192 : vector<16xf32>
          %mul3A_215 = arith.constant 0.707106769 : f32
          %mul3A_216 = vector.broadcast %mul3A_215 : f32 to vector<16xf32>
          %mul3A_217 = arith.mulf %add3A_214, %mul3A_216 : vector<16xf32>
          %swap3A_218 = arith.constant 10 : i32
          %swap3A_219 = arith.index_cast %swap3A_218 : i32 to index
          %swap3A_220 = arith.index_cast %mul3A_110 : i32 to index
          %swap3A_221 = tpu.vector_load %arg10[%swap3A_219, %swap3A_220] {strides = array<i32>} : memref<81x512xf32, #tpu.memory_space<vmem>>, vector<16xf32>,
          tpu.vector_store %arg10[%swap3A_219, %swap3A_220], %mul3A_217 {strides = array<i32>} : memref<81x512xf32, #tpu.memory_space<vmem>>, vector<16xf32>,
          %sub3A_222 = arith.subf %mul3A_187, %mul3A_189 : vector<16xf32>
          %mul3A_223 = arith.constant 0.707106769 : f32
          %mul3A_224 = vector.broadcast %mul3A_223 : f32 to vector<16xf32>
          %mul3A_225 = arith.mulf %sub3A_222, %mul3A_224 : vector<16xf32>
          %swap3A_226 = arith.constant 11 : i32
          %swap3A_227 = arith.index_cast %swap3A_226 : i32 to index
          %swap3A_228 = arith.index_cast %mul3A_110 : i32 to index
          %swap3A_229 = tpu.vector_load %arg10[%swap3A_227, %swap3A_228] {strides = array<i32>} : memref<81x512xf32, #tpu.memory_space<vmem>>, vector<16xf32>,
          tpu.vector_store %arg10[%swap3A_227, %swap3A_228], %mul3A_225 {strides = array<i32>} : memref<81x512xf32, #tpu.memory_space<vmem>>, vector<16xf32>,
          %add3A_230 = arith.addf %mul3A_188, %mul3A_192 : vector<16xf32>
          %mul3A_231 = arith.constant 0.707106769 : f32
          %mul3A_232 = vector.broadcast %mul3A_231 : f32 to vector<16xf32>
          %mul3A_233 = arith.mulf %add3A_230, %mul3A_232 : vector<16xf32>
          %swap3A_234 = arith.constant 26 : i32
          %swap3A_235 = arith.index_cast %swap3A_234 : i32 to index
          %swap3A_236 = arith.index_cast %mul3A_110 : i32 to index
          %swap3A_237 = tpu.vector_load %arg10[%swap3A_235, %swap3A_236] {strides = array<i32>} : memref<81x512xf32, #tpu.memory_space<vmem>>, vector<16xf32>,
          tpu.vector_store %arg10[%swap3A_235, %swap3A_236], %mul3A_233 {strides = array<i32>} : memref<81x512xf32, #tpu.memory_space<vmem>>, vector<16xf32>,
          %add3A_238 = arith.addf %mul3A_187, %mul3A_189 : vector<16xf32>
          %mul3A_239 = arith.constant 0.707106769 : f32
          %mul3A_240 = vector.broadcast %mul3A_239 : f32 to vector<16xf32>
          %mul3A_241 = arith.mulf %add3A_238, %mul3A_240 : vector<16xf32>
          %swap3A_242 = arith.constant 27 : i32
          %swap3A_243 = arith.index_cast %swap3A_242 : i32 to index
          %swap3A_244 = arith.index_cast %mul3A_110 : i32 to index
          %swap3A_245 = tpu.vector_load %arg10[%swap3A_243, %swap3A_244] {strides = array<i32>} : memref<81x512xf32, #tpu.memory_space<vmem>>, vector<16xf32>,
          tpu.vector_store %arg10[%swap3A_243, %swap3A_244], %mul3A_241 {strides = array<i32>} : memref<81x512xf32, #tpu.memory_space<vmem>>, vector<16xf32>,
          %neg3A_246 = arith.constant 0.000000e+00 : f32
          %neg3A_247 = vector.broadcast %neg3A_246 : f32 to vector<16xf32>
          %neg3A_248 = arith.subf %neg3A_247, %mul3A_186 : vector<16xf32>
          %sub3A_249 = arith.subf %neg3A_248, %mul3A_194 : vector<16xf32>
          %mul3A_250 = arith.constant 0.408248305 : f32
          %mul3A_251 = vector.broadcast %mul3A_250 : f32 to vector<16xf32>
          %mul3A_252 = arith.mulf %sub3A_249, %mul3A_251 : vector<16xf32>
          %mul3A_253 = arith.constant 0.816496611 : f32
          %mul3A_254 = vector.broadcast %mul3A_253 : f32 to vector<16xf32>
          %mul3A_255 = arith.mulf %mul3A_190, %mul3A_254 : vector<16xf32>
          %add3A_256 = arith.addf %mul3A_252, %mul3A_255 : vector<16xf32>
          %swap3A_257 = arith.constant 28 : i32
          %swap3A_258 = arith.index_cast %swap3A_257 : i32 to index
          %swap3A_259 = arith.index_cast %mul3A_110 : i32 to index
          %swap3A_260 = tpu.vector_load %arg10[%swap3A_258, %swap3A_259] {strides = array<i32>} : memref<81x512xf32, #tpu.memory_space<vmem>>, vector<16xf32>,
          tpu.vector_store %arg10[%swap3A_258, %swap3A_259], %add3A_256 {strides = array<i32>} : memref<81x512xf32, #tpu.memory_space<vmem>>, vector<16xf32>,
          %add3A_261 = arith.addf %mul3A_191, %mul3A_193 : vector<16xf32>
          %mul3A_262 = arith.constant 0.707106769 : f32
          %mul3A_263 = vector.broadcast %mul3A_262 : f32 to vector<16xf32>
          %mul3A_264 = arith.mulf %add3A_261, %mul3A_263 : vector<16xf32>
          %swap3A_265 = arith.constant 29 : i32
          %swap3A_266 = arith.index_cast %swap3A_265 : i32 to index
          %swap3A_267 = arith.index_cast %mul3A_110 : i32 to index
          %swap3A_268 = tpu.vector_load %arg10[%swap3A_266, %swap3A_267] {strides = array<i32>} : memref<81x512xf32, #tpu.memory_space<vmem>>, vector<16xf32>,
          tpu.vector_store %arg10[%swap3A_266, %swap3A_267], %mul3A_264 {strides = array<i32>} : memref<81x512xf32, #tpu.memory_space<vmem>>, vector<16xf32>,
          %neg3A_269 = arith.constant 0.000000e+00 : f32
          %neg3A_270 = vector.broadcast %neg3A_269 : f32 to vector<16xf32>
          %neg3A_271 = arith.subf %neg3A_270, %mul3A_186 : vector<16xf32>
          %add3A_272 = arith.addf %neg3A_271, %mul3A_194 : vector<16xf32>
          %mul3A_273 = arith.constant 0.707106769 : f32
          %mul3A_274 = vector.broadcast %mul3A_273 : f32 to vector<16xf32>
          %mul3A_275 = arith.mulf %add3A_272, %mul3A_274 : vector<16xf32>
          %swap3A_276 = arith.constant 30 : i32
          %swap3A_277 = arith.index_cast %swap3A_276 : i32 to index
          %swap3A_278 = arith.index_cast %mul3A_110 : i32 to index
          %swap3A_279 = tpu.vector_load %arg10[%swap3A_277, %swap3A_278] {strides = array<i32>} : memref<81x512xf32, #tpu.memory_space<vmem>>, vector<16xf32>,
          tpu.vector_store %arg10[%swap3A_277, %swap3A_278], %mul3A_275 {strides = array<i32>} : memref<81x512xf32, #tpu.memory_space<vmem>>, vector<16xf32>,
          %mul3A_280 = arith.mulf %get3A_129, %get3A_165 : vector<16xf32>
          %mul3A_281 = arith.mulf %get3A_129, %get3A_169 : vector<16xf32>
          %mul3A_282 = arith.mulf %get3A_129, %get3A_173 : vector<16xf32>
          %mul3A_283 = arith.mulf %get3A_129, %get3A_177 : vector<16xf32>
          %mul3A_284 = arith.mulf %get3A_129, %get3A_181 : vector<16xf32>
          %mul3A_285 = arith.mulf %get3A_133, %get3A_165 : vector<16xf32>
          %mul3A_286 = arith.mulf %get3A_133, %get3A_169 : vector<16xf32>
          %mul3A_287 = arith.mulf %get3A_133, %get3A_173 : vector<16xf32>
          %mul3A_288 = arith.mulf %get3A_133, %get3A_177 : vector<16xf32>
          %mul3A_289 = arith.mulf %get3A_133, %get3A_181 : vector<16xf32>
          %mul3A_290 = arith.mulf %get3A_137, %get3A_165 : vector<16xf32>
          %mul3A_291 = arith.mulf %get3A_137, %get3A_169 : vector<16xf32>
          %mul3A_292 = arith.mulf %get3A_137, %get3A_173 : vector<16xf32>
          %mul3A_293 = arith.mulf %get3A_137, %get3A_177 : vector<16xf32>
          %mul3A_294 = arith.mulf %get3A_137, %get3A_181 : vector<16xf32>
          %mul3A_295 = arith.mulf %get3A_141, %get3A_165 : vector<16xf32>
          %mul3A_296 = arith.mulf %get3A_141, %get3A_169 : vector<16xf32>
          %mul3A_297 = arith.mulf %get3A_141, %get3A_173 : vector<16xf32>
          %mul3A_298 = arith.mulf %get3A_141, %get3A_177 : vector<16xf32>
          %mul3A_299 = arith.mulf %get3A_141, %get3A_181 : vector<16xf32>
          %mul3A_300 = arith.mulf %get3A_145, %get3A_165 : vector<16xf32>
          %mul3A_301 = arith.mulf %get3A_145, %get3A_169 : vector<16xf32>
          %mul3A_302 = arith.mulf %get3A_145, %get3A_173 : vector<16xf32>
          %mul3A_303 = arith.mulf %get3A_145, %get3A_177 : vector<16xf32>
          %mul3A_304 = arith.mulf %get3A_145, %get3A_181 : vector<16xf32>
          %add3A_305 = arith.addf %mul3A_280, %mul3A_286 : vector<16xf32>
          %add3A_306 = arith.addf %add3A_305, %mul3A_292 : vector<16xf32>
          %add3A_307 = arith.addf %add3A_306, %mul3A_298 : vector<16xf32>
          %add3A_308 = arith.addf %add3A_307, %mul3A_304 : vector<16xf32>
          %mul3A_309 = arith.constant 0.44721359 : f32
          %mul3A_310 = vector.broadcast %mul3A_309 : f32 to vector<16xf32>
          %mul3A_311 = arith.mulf %add3A_308, %mul3A_310 : vector<16xf32>
          %swap3A_312 = arith.constant 2 : i32
          %swap3A_313 = arith.index_cast %swap3A_312 : i32 to index
          %swap3A_314 = arith.index_cast %mul3A_110 : i32 to index
          %swap3A_315 = tpu.vector_load %arg10[%swap3A_313, %swap3A_314] {strides = array<i32>} : memref<81x512xf32, #tpu.memory_space<vmem>>, vector<16xf32>,
          tpu.vector_store %arg10[%swap3A_313, %swap3A_314], %mul3A_311 {strides = array<i32>} : memref<81x512xf32, #tpu.memory_space<vmem>>, vector<16xf32>,
          %neg3A_316 = arith.constant 0.000000e+00 : f32
          %neg3A_317 = vector.broadcast %neg3A_316 : f32 to vector<16xf32>
          %neg3A_318 = arith.subf %neg3A_317, %mul3A_281 : vector<16xf32>
          %add3A_319 = arith.addf %neg3A_318, %mul3A_285 : vector<16xf32>
          %add3A_320 = arith.addf %add3A_319, %mul3A_299 : vector<16xf32>
          %sub3A_321 = arith.subf %add3A_320, %mul3A_303 : vector<16xf32>
          %mul3A_322 = arith.constant 0.316227764 : f32
          %mul3A_323 = vector.broadcast %mul3A_322 : f32 to vector<16xf32>
          %mul3A_324 = arith.mulf %sub3A_321, %mul3A_323 : vector<16xf32>
          %sub3A_325 = arith.subf %mul3A_293, %mul3A_297 : vector<16xf32>
          %mul3A_326 = arith.constant 0.547722578 : f32
          %mul3A_327 = vector.broadcast %mul3A_326 : f32 to vector<16xf32>
          %mul3A_328 = arith.mulf %sub3A_325, %mul3A_327 : vector<16xf32>
          %add3A_329 = arith.addf %mul3A_324, %mul3A_328 : vector<16xf32>
          %swap3A_330 = arith.constant 18 : i32
          %swap3A_331 = arith.index_cast %swap3A_330 : i32 to index
          %swap3A_332 = arith.index_cast %mul3A_110 : i32 to index
          %swap3A_333 = tpu.vector_load %arg10[%swap3A_331, %swap3A_332] {strides = array<i32>} : memref<81x512xf32, #tpu.memory_space<vmem>>, vector<16xf32>,
          tpu.vector_store %arg10[%swap3A_331, %swap3A_332], %add3A_329 {strides = array<i32>} : memref<81x512xf32, #tpu.memory_space<vmem>>, vector<16xf32>,
          %neg3A_334 = arith.constant 0.000000e+00 : f32
          %neg3A_335 = vector.broadcast %neg3A_334 : f32 to vector<16xf32>
          %neg3A_336 = arith.subf %neg3A_335, %mul3A_288 : vector<16xf32>
          %add3A_337 = arith.addf %neg3A_336, %mul3A_296 : vector<16xf32>
          %mul3A_338 = arith.constant 0.316227764 : f32
          %mul3A_339 = vector.broadcast %mul3A_338 : f32 to vector<16xf32>
          %mul3A_340 = arith.mulf %add3A_337, %mul3A_339 : vector<16xf32>
          %neg3A_341 = arith.constant 0.000000e+00 : f32
          %neg3A_342 = vector.broadcast %neg3A_341 : f32 to vector<16xf32>
          %neg3A_343 = arith.subf %neg3A_342, %mul3A_284 : vector<16xf32>
          %add3A_344 = arith.addf %neg3A_343, %mul3A_300 : vector<16xf32>
          %mul3A_345 = arith.constant 0.632455527 : f32
          %mul3A_346 = vector.broadcast %mul3A_345 : f32 to vector<16xf32>
          %mul3A_347 = arith.mulf %add3A_344, %mul3A_346 : vector<16xf32>
          %add3A_348 = arith.addf %mul3A_340, %mul3A_347 : vector<16xf32>
          %swap3A_349 = arith.constant 19 : i32
          %swap3A_350 = arith.index_cast %swap3A_349 : i32 to index
          %swap3A_351 = arith.index_cast %mul3A_110 : i32 to index
          %swap3A_352 = tpu.vector_load %arg10[%swap3A_350, %swap3A_351] {strides = array<i32>} : memref<81x512xf32, #tpu.memory_space<vmem>>, vector<16xf32>,
          tpu.vector_store %arg10[%swap3A_350, %swap3A_351], %add3A_348 {strides = array<i32>} : memref<81x512xf32, #tpu.memory_space<vmem>>, vector<16xf32>,
          %add3A_353 = arith.addf %mul3A_283, %mul3A_289 : vector<16xf32>
          %sub3A_354 = arith.subf %add3A_353, %mul3A_295 : vector<16xf32>
          %sub3A_355 = arith.subf %sub3A_354, %mul3A_301 : vector<16xf32>
          %mul3A_356 = arith.constant 0.316227764 : f32
          %mul3A_357 = vector.broadcast %mul3A_356 : f32 to vector<16xf32>
          %mul3A_358 = arith.mulf %sub3A_355, %mul3A_357 : vector<16xf32>
          %sub3A_359 = arith.subf %mul3A_287, %mul3A_291 : vector<16xf32>
          %mul3A_360 = arith.constant 0.547722578 : f32
          %mul3A_361 = vector.broadcast %mul3A_360 : f32 to vector<16xf32>
          %mul3A_362 = arith.mulf %sub3A_359, %mul3A_361 : vector<16xf32>
          %add3A_363 = arith.addf %mul3A_358, %mul3A_362 : vector<16xf32>
          %swap3A_364 = arith.constant 20 : i32
          %swap3A_365 = arith.index_cast %swap3A_364 : i32 to index
          %swap3A_366 = arith.index_cast %mul3A_110 : i32 to index
          %swap3A_367 = tpu.vector_load %arg10[%swap3A_365, %swap3A_366] {strides = array<i32>} : memref<81x512xf32, #tpu.memory_space<vmem>>, vector<16xf32>,
          tpu.vector_store %arg10[%swap3A_365, %swap3A_366], %add3A_363 {strides = array<i32>} : memref<81x512xf32, #tpu.memory_space<vmem>>, vector<16xf32>,
          %add3A_368 = arith.addf %mul3A_288, %mul3A_296 : vector<16xf32>
          %mul3A_369 = arith.constant 0.462910056 : f32
          %mul3A_370 = vector.broadcast %mul3A_369 : f32 to vector<16xf32>
          %mul3A_371 = arith.mulf %add3A_368, %mul3A_370 : vector<16xf32>
          %neg3A_372 = arith.constant 0.000000e+00 : f32
          %neg3A_373 = vector.broadcast %neg3A_372 : f32 to vector<16xf32>
          %neg3A_374 = arith.subf %neg3A_373, %mul3A_282 : vector<16xf32>
          %sub3A_375 = arith.subf %neg3A_374, %mul3A_290 : vector<16xf32>
          %mul3A_376 = arith.constant 0.534522474 : f32
          %mul3A_377 = vector.broadcast %mul3A_376 : f32 to vector<16xf32>
          %mul3A_378 = arith.mulf %sub3A_375, %mul3A_377 : vector<16xf32>
          %add3A_379 = arith.addf %mul3A_371, %mul3A_378 : vector<16xf32>
          %swap3A_380 = arith.constant 46 : i32
          %swap3A_381 = arith.index_cast %swap3A_380 : i32 to index
          %swap3A_382 = arith.index_cast %mul3A_110 : i32 to index
          %swap3A_383 = tpu.vector_load %arg10[%swap3A_381, %swap3A_382] {strides = array<i32>} : memref<81x512xf32, #tpu.memory_space<vmem>>, vector<16xf32>,
          tpu.vector_store %arg10[%swap3A_381, %swap3A_382], %add3A_379 {strides = array<i32>} : memref<81x512xf32, #tpu.memory_space<vmem>>, vector<16xf32>,
          %add3A_384 = arith.addf %mul3A_287, %mul3A_291 : vector<16xf32>
          %mul3A_385 = arith.constant 0.267261237 : f32
          %mul3A_386 = vector.broadcast %mul3A_385 : f32 to vector<16xf32>
          %mul3A_387 = arith.mulf %add3A_384, %mul3A_386 : vector<16xf32>
          %sub3A_388 = arith.subf %mul3A_283, %mul3A_289 : vector<16xf32>
          %add3A_389 = arith.addf %sub3A_388, %mul3A_295 : vector<16xf32>
          %sub3A_390 = arith.subf %add3A_389, %mul3A_301 : vector<16xf32>
          %mul3A_391 = arith.constant 0.462910056 : f32
          %mul3A_392 = vector.broadcast %mul3A_391 : f32 to vector<16xf32>
          %mul3A_393 = arith.mulf %sub3A_390, %mul3A_392 : vector<16xf32>
          %add3A_394 = arith.addf %mul3A_387, %mul3A_393 : vector<16xf32>
          %swap3A_395 = arith.constant 47 : i32
          %swap3A_396 = arith.index_cast %swap3A_395 : i32 to index
          %swap3A_397 = arith.index_cast %mul3A_110 : i32 to index
          %swap3A_398 = tpu.vector_load %arg10[%swap3A_396, %swap3A_397] {strides = array<i32>} : memref<81x512xf32, #tpu.memory_space<vmem>>, vector<16xf32>,
          tpu.vector_store %arg10[%swap3A_396, %swap3A_397], %add3A_394 {strides = array<i32>} : memref<81x512xf32, #tpu.memory_space<vmem>>, vector<16xf32>,
          %add3A_399 = arith.addf %mul3A_286, %mul3A_298 : vector<16xf32>
          %mul3A_400 = arith.constant 0.267261237 : f32
          %mul3A_401 = vector.broadcast %mul3A_400 : f32 to vector<16xf32>
          %mul3A_402 = arith.mulf %add3A_399, %mul3A_401 : vector<16xf32>
          %neg3A_403 = arith.constant 0.000000e+00 : f32
          %neg3A_404 = vector.broadcast %neg3A_403 : f32 to vector<16xf32>
          %neg3A_405 = arith.subf %neg3A_404, %mul3A_280 : vector<16xf32>
          %add3A_406 = arith.addf %neg3A_405, %mul3A_292 : vector<16xf32>
          %sub3A_407 = arith.subf %add3A_406, %mul3A_304 : vector<16xf32>
          %mul3A_408 = arith.constant 0.534522474 : f32
          %mul3A_409 = vector.broadcast %mul3A_408 : f32 to vector<16xf32>
          %mul3A_410 = arith.mulf %sub3A_407, %mul3A_409 : vector<16xf32>
          %add3A_411 = arith.addf %mul3A_402, %mul3A_410 : vector<16xf32>
          %swap3A_412 = arith.constant 48 : i32
          %swap3A_413 = arith.index_cast %swap3A_412 : i32 to index
          %swap3A_414 = arith.index_cast %mul3A_110 : i32 to index
          %swap3A_415 = tpu.vector_load %arg10[%swap3A_413, %swap3A_414] {strides = array<i32>} : memref<81x512xf32, #tpu.memory_space<vmem>>, vector<16xf32>,
          tpu.vector_store %arg10[%swap3A_413, %swap3A_414], %add3A_411 {strides = array<i32>} : memref<81x512xf32, #tpu.memory_space<vmem>>, vector<16xf32>,
          %add3A_416 = arith.addf %mul3A_293, %mul3A_297 : vector<16xf32>
          %mul3A_417 = arith.constant 0.267261237 : f32
          %mul3A_418 = vector.broadcast %mul3A_417 : f32 to vector<16xf32>
          %mul3A_419 = arith.mulf %add3A_416, %mul3A_418 : vector<16xf32>
          %add3A_420 = arith.addf %mul3A_281, %mul3A_285 : vector<16xf32>
          %add3A_421 = arith.addf %add3A_420, %mul3A_299 : vector<16xf32>
          %add3A_422 = arith.addf %add3A_421, %mul3A_303 : vector<16xf32>
          %mul3A_423 = arith.constant 0.462910056 : f32
          %mul3A_424 = vector.broadcast %mul3A_423 : f32 to vector<16xf32>
          %mul3A_425 = arith.mulf %add3A_422, %mul3A_424 : vector<16xf32>
          %add3A_426 = arith.addf %mul3A_419, %mul3A_425 : vector<16xf32>
          %swap3A_427 = arith.constant 49 : i32
          %swap3A_428 = arith.index_cast %swap3A_427 : i32 to index
          %swap3A_429 = arith.index_cast %mul3A_110 : i32 to index
          %swap3A_430 = tpu.vector_load %arg10[%swap3A_428, %swap3A_429] {strides = array<i32>} : memref<81x512xf32, #tpu.memory_space<vmem>>, vector<16xf32>,
          tpu.vector_store %arg10[%swap3A_428, %swap3A_429], %add3A_426 {strides = array<i32>} : memref<81x512xf32, #tpu.memory_space<vmem>>, vector<16xf32>,
          %neg3A_431 = arith.constant 0.000000e+00 : f32
          %neg3A_432 = vector.broadcast %neg3A_431 : f32 to vector<16xf32>
          %neg3A_433 = arith.subf %neg3A_432, %mul3A_286 : vector<16xf32>
          %add3A_434 = arith.addf %neg3A_433, %mul3A_298 : vector<16xf32>
          %mul3A_435 = arith.constant 0.462910056 : f32
          %mul3A_436 = vector.broadcast %mul3A_435 : f32 to vector<16xf32>
          %mul3A_437 = arith.mulf %add3A_434, %mul3A_436 : vector<16xf32>
          %neg3A_438 = arith.constant 0.000000e+00 : f32
          %neg3A_439 = vector.broadcast %neg3A_438 : f32 to vector<16xf32>
          %neg3A_440 = arith.subf %neg3A_439, %mul3A_294 : vector<16xf32>
          %sub3A_441 = arith.subf %neg3A_440, %mul3A_302 : vector<16xf32>
          %mul3A_442 = arith.constant 0.534522474 : f32
          %mul3A_443 = vector.broadcast %mul3A_442 : f32 to vector<16xf32>
          %mul3A_444 = arith.mulf %sub3A_441, %mul3A_443 : vector<16xf32>
          %add3A_445 = arith.addf %mul3A_437, %mul3A_444 : vector<16xf32>
          %swap3A_446 = arith.constant 50 : i32
          %swap3A_447 = arith.index_cast %swap3A_446 : i32 to index
          %swap3A_448 = arith.index_cast %mul3A_110 : i32 to index
          %swap3A_449 = tpu.vector_load %arg10[%swap3A_447, %swap3A_448] {strides = array<i32>} : memref<81x512xf32, #tpu.memory_space<vmem>>, vector<16xf32>,
          tpu.vector_store %arg10[%swap3A_447, %swap3A_448], %add3A_445 {strides = array<i32>} : memref<81x512xf32, #tpu.memory_space<vmem>>, vector<16xf32>,
          %sub3A_450 = arith.subf %mul3A_281, %mul3A_285 : vector<16xf32>
          %add3A_451 = arith.addf %sub3A_450, %mul3A_299 : vector<16xf32>
          %sub3A_452 = arith.subf %add3A_451, %mul3A_303 : vector<16xf32>
          %mul3A_453 = arith.constant 5.000000e-01 : f32
          %mul3A_454 = vector.broadcast %mul3A_453 : f32 to vector<16xf32>
          %mul3A_455 = arith.mulf %sub3A_452, %mul3A_454 : vector<16xf32>
          %swap3A_456 = arith.constant 65 : i32
          %swap3A_457 = arith.index_cast %swap3A_456 : i32 to index
          %swap3A_458 = arith.index_cast %mul3A_110 : i32 to index
          %swap3A_459 = tpu.vector_load %arg10[%swap3A_457, %swap3A_458] {strides = array<i32>} : memref<81x512xf32, #tpu.memory_space<vmem>>, vector<16xf32>,
          tpu.vector_store %arg10[%swap3A_457, %swap3A_458], %mul3A_455 {strides = array<i32>} : memref<81x512xf32, #tpu.memory_space<vmem>>, vector<16xf32>,
          %sub3A_460 = arith.subf %mul3A_294, %mul3A_302 : vector<16xf32>
          %mul3A_461 = arith.constant 0.707106769 : f32
          %mul3A_462 = vector.broadcast %mul3A_461 : f32 to vector<16xf32>
          %mul3A_463 = arith.mulf %sub3A_460, %mul3A_462 : vector<16xf32>
          %swap3A_464 = arith.constant 66 : i32
          %swap3A_465 = arith.index_cast %swap3A_464 : i32 to index
          %swap3A_466 = arith.index_cast %mul3A_110 : i32 to index
          %swap3A_467 = tpu.vector_load %arg10[%swap3A_465, %swap3A_466] {strides = array<i32>} : memref<81x512xf32, #tpu.memory_space<vmem>>, vector<16xf32>,
          tpu.vector_store %arg10[%swap3A_465, %swap3A_466], %mul3A_463 {strides = array<i32>} : memref<81x512xf32, #tpu.memory_space<vmem>>, vector<16xf32>,
          %sub3A_468 = arith.subf %mul3A_281, %mul3A_285 : vector<16xf32>
          %sub3A_469 = arith.subf %sub3A_468, %mul3A_299 : vector<16xf32>
          %add3A_470 = arith.addf %sub3A_469, %mul3A_303 : vector<16xf32>
          %mul3A_471 = arith.constant 0.387298346 : f32
          %mul3A_472 = vector.broadcast %mul3A_471 : f32 to vector<16xf32>
          %mul3A_473 = arith.mulf %add3A_470, %mul3A_472 : vector<16xf32>
          %sub3A_474 = arith.subf %mul3A_293, %mul3A_297 : vector<16xf32>
          %mul3A_475 = arith.constant 0.44721359 : f32
          %mul3A_476 = vector.broadcast %mul3A_475 : f32 to vector<16xf32>
          %mul3A_477 = arith.mulf %sub3A_474, %mul3A_476 : vector<16xf32>
          %add3A_478 = arith.addf %mul3A_473, %mul3A_477 : vector<16xf32>
          %swap3A_479 = arith.constant 67 : i32
          %swap3A_480 = arith.index_cast %swap3A_479 : i32 to index
          %swap3A_481 = arith.index_cast %mul3A_110 : i32 to index
          %swap3A_482 = tpu.vector_load %arg10[%swap3A_480, %swap3A_481] {strides = array<i32>} : memref<81x512xf32, #tpu.memory_space<vmem>>, vector<16xf32>,
          tpu.vector_store %arg10[%swap3A_480, %swap3A_481], %add3A_478 {strides = array<i32>} : memref<81x512xf32, #tpu.memory_space<vmem>>, vector<16xf32>,
          %sub3A_483 = arith.subf %mul3A_284, %mul3A_300 : vector<16xf32>
          %mul3A_484 = arith.constant 0.316227764 : f32
          %mul3A_485 = vector.broadcast %mul3A_484 : f32 to vector<16xf32>
          %mul3A_486 = arith.mulf %sub3A_483, %mul3A_485 : vector<16xf32>
          %neg3A_487 = arith.constant 0.000000e+00 : f32
          %neg3A_488 = vector.broadcast %neg3A_487 : f32 to vector<16xf32>
          %neg3A_489 = arith.subf %neg3A_488, %mul3A_288 : vector<16xf32>
          %add3A_490 = arith.addf %neg3A_489, %mul3A_296 : vector<16xf32>
          %mul3A_491 = arith.constant 0.632455527 : f32
          %mul3A_492 = vector.broadcast %mul3A_491 : f32 to vector<16xf32>
          %mul3A_493 = arith.mulf %add3A_490, %mul3A_492 : vector<16xf32>
          %add3A_494 = arith.addf %mul3A_486, %mul3A_493 : vector<16xf32>
          %swap3A_495 = arith.constant 68 : i32
          %swap3A_496 = arith.index_cast %swap3A_495 : i32 to index
          %swap3A_497 = arith.index_cast %mul3A_110 : i32 to index
          %swap3A_498 = tpu.vector_load %arg10[%swap3A_496, %swap3A_497] {strides = array<i32>} : memref<81x512xf32, #tpu.memory_space<vmem>>, vector<16xf32>,
          tpu.vector_store %arg10[%swap3A_496, %swap3A_497], %add3A_494 {strides = array<i32>} : memref<81x512xf32, #tpu.memory_space<vmem>>, vector<16xf32>,
          %neg3A_499 = arith.constant 0.000000e+00 : f32
          %neg3A_500 = vector.broadcast %neg3A_499 : f32 to vector<16xf32>
          %neg3A_501 = arith.subf %neg3A_500, %mul3A_283 : vector<16xf32>
          %sub3A_502 = arith.subf %neg3A_501, %mul3A_289 : vector<16xf32>
          %add3A_503 = arith.addf %sub3A_502, %mul3A_295 : vector<16xf32>
          %add3A_504 = arith.addf %add3A_503, %mul3A_301 : vector<16xf32>
          %mul3A_505 = arith.constant 0.387298346 : f32
          %mul3A_506 = vector.broadcast %mul3A_505 : f32 to vector<16xf32>
          %mul3A_507 = arith.mulf %add3A_504, %mul3A_506 : vector<16xf32>
          %sub3A_508 = arith.subf %mul3A_287, %mul3A_291 : vector<16xf32>
          %mul3A_509 = arith.constant 0.44721359 : f32
          %mul3A_510 = vector.broadcast %mul3A_509 : f32 to vector<16xf32>
          %mul3A_511 = arith.mulf %sub3A_508, %mul3A_510 : vector<16xf32>
          %add3A_512 = arith.addf %mul3A_507, %mul3A_511 : vector<16xf32>
          %swap3A_513 = arith.constant 69 : i32
          %swap3A_514 = arith.index_cast %swap3A_513 : i32 to index
          %swap3A_515 = arith.index_cast %mul3A_110 : i32 to index
          %swap3A_516 = tpu.vector_load %arg10[%swap3A_514, %swap3A_515] {strides = array<i32>} : memref<81x512xf32, #tpu.memory_space<vmem>>, vector<16xf32>,
          tpu.vector_store %arg10[%swap3A_514, %swap3A_515], %add3A_512 {strides = array<i32>} : memref<81x512xf32, #tpu.memory_space<vmem>>, vector<16xf32>,
          %sub3A_517 = arith.subf %mul3A_282, %mul3A_290 : vector<16xf32>
          %mul3A_518 = arith.constant 0.707106769 : f32
          %mul3A_519 = vector.broadcast %mul3A_518 : f32 to vector<16xf32>
          %mul3A_520 = arith.mulf %sub3A_517, %mul3A_519 : vector<16xf32>
          %swap3A_521 = arith.constant 70 : i32
          %swap3A_522 = arith.index_cast %swap3A_521 : i32 to index
          %swap3A_523 = arith.index_cast %mul3A_110 : i32 to index
          %swap3A_524 = tpu.vector_load %arg10[%swap3A_522, %swap3A_523] {strides = array<i32>} : memref<81x512xf32, #tpu.memory_space<vmem>>, vector<16xf32>,
          tpu.vector_store %arg10[%swap3A_522, %swap3A_523], %mul3A_520 {strides = array<i32>} : memref<81x512xf32, #tpu.memory_space<vmem>>, vector<16xf32>,
          %sub3A_525 = arith.subf %mul3A_283, %mul3A_289 : vector<16xf32>
          %sub3A_526 = arith.subf %sub3A_525, %mul3A_295 : vector<16xf32>
          %add3A_527 = arith.addf %sub3A_526, %mul3A_301 : vector<16xf32>
          %mul3A_528 = arith.constant 5.000000e-01 : f32
          %mul3A_529 = vector.broadcast %mul3A_528 : f32 to vector<16xf32>
          %mul3A_530 = arith.mulf %add3A_527, %mul3A_529 : vector<16xf32>
          %swap3A_531 = arith.constant 71 : i32
          %swap3A_532 = arith.index_cast %swap3A_531 : i32 to index
          %swap3A_533 = arith.index_cast %mul3A_110 : i32 to index
          %swap3A_534 = tpu.vector_load %arg10[%swap3A_532, %swap3A_533] {strides = array<i32>} : memref<81x512xf32, #tpu.memory_space<vmem>>, vector<16xf32>,
          tpu.vector_store %arg10[%swap3A_532, %swap3A_533], %mul3A_530 {strides = array<i32>} : memref<81x512xf32, #tpu.memory_space<vmem>>, vector<16xf32>,
          %add3A_535 = arith.addf %mul3A_284, %mul3A_300 : vector<16xf32>
          %mul3A_536 = arith.constant 0.707106769 : f32
          %mul3A_537 = vector.broadcast %mul3A_536 : f32 to vector<16xf32>
          %mul3A_538 = arith.mulf %add3A_535, %mul3A_537 : vector<16xf32>
          %swap3A_539 = arith.constant 72 : i32
          %swap3A_540 = arith.index_cast %swap3A_539 : i32 to index
          %swap3A_541 = arith.index_cast %mul3A_110 : i32 to index
          %swap3A_542 = tpu.vector_load %arg10[%swap3A_540, %swap3A_541] {strides = array<i32>} : memref<81x512xf32, #tpu.memory_space<vmem>>, vector<16xf32>,
          tpu.vector_store %arg10[%swap3A_540, %swap3A_541], %mul3A_538 {strides = array<i32>} : memref<81x512xf32, #tpu.memory_space<vmem>>, vector<16xf32>,
          %add3A_543 = arith.addf %mul3A_283, %mul3A_289 : vector<16xf32>
          %add3A_544 = arith.addf %add3A_543, %mul3A_295 : vector<16xf32>
          %add3A_545 = arith.addf %add3A_544, %mul3A_301 : vector<16xf32>
          %mul3A_546 = arith.constant 5.000000e-01 : f32
          %mul3A_547 = vector.broadcast %mul3A_546 : f32 to vector<16xf32>
          %mul3A_548 = arith.mulf %add3A_545, %mul3A_547 : vector<16xf32>
          %swap3A_549 = arith.constant 73 : i32
          %swap3A_550 = arith.index_cast %swap3A_549 : i32 to index
          %swap3A_551 = arith.index_cast %mul3A_110 : i32 to index
          %swap3A_552 = tpu.vector_load %arg10[%swap3A_550, %swap3A_551] {strides = array<i32>} : memref<81x512xf32, #tpu.memory_space<vmem>>, vector<16xf32>,
          tpu.vector_store %arg10[%swap3A_550, %swap3A_551], %mul3A_548 {strides = array<i32>} : memref<81x512xf32, #tpu.memory_space<vmem>>, vector<16xf32>,
          %add3A_553 = arith.addf %mul3A_282, %mul3A_290 : vector<16xf32>
          %mul3A_554 = arith.constant 0.462910056 : f32
          %mul3A_555 = vector.broadcast %mul3A_554 : f32 to vector<16xf32>
          %mul3A_556 = arith.mulf %add3A_553, %mul3A_555 : vector<16xf32>
          %add3A_557 = arith.addf %mul3A_288, %mul3A_296 : vector<16xf32>
          %mul3A_558 = arith.constant 0.534522474 : f32
          %mul3A_559 = vector.broadcast %mul3A_558 : f32 to vector<16xf32>
          %mul3A_560 = arith.mulf %add3A_557, %mul3A_559 : vector<16xf32>
          %add3A_561 = arith.addf %mul3A_556, %mul3A_560 : vector<16xf32>
          %swap3A_562 = arith.constant 74 : i32
          %swap3A_563 = arith.index_cast %swap3A_562 : i32 to index
          %swap3A_564 = arith.index_cast %mul3A_110 : i32 to index
          %swap3A_565 = tpu.vector_load %arg10[%swap3A_563, %swap3A_564] {strides = array<i32>} : memref<81x512xf32, #tpu.memory_space<vmem>>, vector<16xf32>,
          tpu.vector_store %arg10[%swap3A_563, %swap3A_564], %add3A_561 {strides = array<i32>} : memref<81x512xf32, #tpu.memory_space<vmem>>, vector<16xf32>,
          %neg3A_566 = arith.constant 0.000000e+00 : f32
          %neg3A_567 = vector.broadcast %neg3A_566 : f32 to vector<16xf32>
          %neg3A_568 = arith.subf %neg3A_567, %mul3A_283 : vector<16xf32>
          %add3A_569 = arith.addf %neg3A_568, %mul3A_289 : vector<16xf32>
          %sub3A_570 = arith.subf %add3A_569, %mul3A_295 : vector<16xf32>
          %add3A_571 = arith.addf %sub3A_570, %mul3A_301 : vector<16xf32>
          %mul3A_572 = arith.constant 0.188982233 : f32
          %mul3A_573 = vector.broadcast %mul3A_572 : f32 to vector<16xf32>
          %mul3A_574 = arith.mulf %add3A_571, %mul3A_573 : vector<16xf32>
          %add3A_575 = arith.addf %mul3A_287, %mul3A_291 : vector<16xf32>
          %mul3A_576 = arith.constant 0.654653668 : f32
          %mul3A_577 = vector.broadcast %mul3A_576 : f32 to vector<16xf32>
          %mul3A_578 = arith.mulf %add3A_575, %mul3A_577 : vector<16xf32>
          %add3A_579 = arith.addf %mul3A_574, %mul3A_578 : vector<16xf32>
          %swap3A_580 = arith.constant 75 : i32
          %swap3A_581 = arith.index_cast %swap3A_580 : i32 to index
          %swap3A_582 = arith.index_cast %mul3A_110 : i32 to index
          %swap3A_583 = tpu.vector_load %arg10[%swap3A_581, %swap3A_582] {strides = array<i32>} : memref<81x512xf32, #tpu.memory_space<vmem>>, vector<16xf32>,
          tpu.vector_store %arg10[%swap3A_581, %swap3A_582], %add3A_579 {strides = array<i32>} : memref<81x512xf32, #tpu.memory_space<vmem>>, vector<16xf32>,
          %add3A_584 = arith.addf %mul3A_280, %mul3A_304 : vector<16xf32>
          %mul3A_585 = arith.constant 0.119522862 : f32
          %mul3A_586 = vector.broadcast %mul3A_585 : f32 to vector<16xf32>
          %mul3A_587 = arith.mulf %add3A_584, %mul3A_586 : vector<16xf32>
          %neg3A_588 = arith.constant 0.000000e+00 : f32
          %neg3A_589 = vector.broadcast %neg3A_588 : f32 to vector<16xf32>
          %neg3A_590 = arith.subf %neg3A_589, %mul3A_286 : vector<16xf32>
          %sub3A_591 = arith.subf %neg3A_590, %mul3A_298 : vector<16xf32>
          %mul3A_592 = arith.constant 0.478091449 : f32
          %mul3A_593 = vector.broadcast %mul3A_592 : f32 to vector<16xf32>
          %mul3A_594 = arith.mulf %sub3A_591, %mul3A_593 : vector<16xf32>
          %add3A_595 = arith.addf %mul3A_587, %mul3A_594 : vector<16xf32>
          %mul3A_596 = arith.constant 0.717137157 : f32
          %mul3A_597 = vector.broadcast %mul3A_596 : f32 to vector<16xf32>
          %mul3A_598 = arith.mulf %mul3A_292, %mul3A_597 : vector<16xf32>
          %add3A_599 = arith.addf %add3A_595, %mul3A_598 : vector<16xf32>
          %swap3A_600 = arith.constant 76 : i32
          %swap3A_601 = arith.index_cast %swap3A_600 : i32 to index
          %swap3A_602 = arith.index_cast %mul3A_110 : i32 to index
          %swap3A_603 = tpu.vector_load %arg10[%swap3A_601, %swap3A_602] {strides = array<i32>} : memref<81x512xf32, #tpu.memory_space<vmem>>, vector<16xf32>,
          tpu.vector_store %arg10[%swap3A_601, %swap3A_602], %add3A_599 {strides = array<i32>} : memref<81x512xf32, #tpu.memory_space<vmem>>, vector<16xf32>,
          %neg3A_604 = arith.constant 0.000000e+00 : f32
          %neg3A_605 = vector.broadcast %neg3A_604 : f32 to vector<16xf32>
          %neg3A_606 = arith.subf %neg3A_605, %mul3A_281 : vector<16xf32>
          %sub3A_607 = arith.subf %neg3A_606, %mul3A_285 : vector<16xf32>
          %sub3A_608 = arith.subf %sub3A_607, %mul3A_299 : vector<16xf32>
          %sub3A_609 = arith.subf %sub3A_608, %mul3A_303 : vector<16xf32>
          %mul3A_610 = arith.constant 0.188982233 : f32
          %mul3A_611 = vector.broadcast %mul3A_610 : f32 to vector<16xf32>
          %mul3A_612 = arith.mulf %sub3A_609, %mul3A_611 : vector<16xf32>
          %add3A_613 = arith.addf %mul3A_293, %mul3A_297 : vector<16xf32>
          %mul3A_614 = arith.constant 0.654653668 : f32
          %mul3A_615 = vector.broadcast %mul3A_614 : f32 to vector<16xf32>
          %mul3A_616 = arith.mulf %add3A_613, %mul3A_615 : vector<16xf32>
          %add3A_617 = arith.addf %mul3A_612, %mul3A_616 : vector<16xf32>
          %swap3A_618 = arith.constant 77 : i32
          %swap3A_619 = arith.index_cast %swap3A_618 : i32 to index
          %swap3A_620 = arith.index_cast %mul3A_110 : i32 to index
          %swap3A_621 = tpu.vector_load %arg10[%swap3A_619, %swap3A_620] {strides = array<i32>} : memref<81x512xf32, #tpu.memory_space<vmem>>, vector<16xf32>,
          tpu.vector_store %arg10[%swap3A_619, %swap3A_620], %add3A_617 {strides = array<i32>} : memref<81x512xf32, #tpu.memory_space<vmem>>, vector<16xf32>,
          %add3A_622 = arith.addf %mul3A_294, %mul3A_302 : vector<16xf32>
          %mul3A_623 = arith.constant 0.462910056 : f32
          %mul3A_624 = vector.broadcast %mul3A_623 : f32 to vector<16xf32>
          %mul3A_625 = arith.mulf %add3A_622, %mul3A_624 : vector<16xf32>
          %neg3A_626 = arith.constant 0.000000e+00 : f32
          %neg3A_627 = vector.broadcast %neg3A_626 : f32 to vector<16xf32>
          %neg3A_628 = arith.subf %neg3A_627, %mul3A_286 : vector<16xf32>
          %add3A_629 = arith.addf %neg3A_628, %mul3A_298 : vector<16xf32>
          %mul3A_630 = arith.constant 0.534522474 : f32
          %mul3A_631 = vector.broadcast %mul3A_630 : f32 to vector<16xf32>
          %mul3A_632 = arith.mulf %add3A_629, %mul3A_631 : vector<16xf32>
          %add3A_633 = arith.addf %mul3A_625, %mul3A_632 : vector<16xf32>
          %swap3A_634 = arith.constant 78 : i32
          %swap3A_635 = arith.index_cast %swap3A_634 : i32 to index
          %swap3A_636 = arith.index_cast %mul3A_110 : i32 to index
          %swap3A_637 = tpu.vector_load %arg10[%swap3A_635, %swap3A_636] {strides = array<i32>} : memref<81x512xf32, #tpu.memory_space<vmem>>, vector<16xf32>,
          tpu.vector_store %arg10[%swap3A_635, %swap3A_636], %add3A_633 {strides = array<i32>} : memref<81x512xf32, #tpu.memory_space<vmem>>, vector<16xf32>,
          %neg3A_638 = arith.constant 0.000000e+00 : f32
          %neg3A_639 = vector.broadcast %neg3A_638 : f32 to vector<16xf32>
          %neg3A_640 = arith.subf %neg3A_639, %mul3A_281 : vector<16xf32>
          %sub3A_641 = arith.subf %neg3A_640, %mul3A_285 : vector<16xf32>
          %add3A_642 = arith.addf %sub3A_641, %mul3A_299 : vector<16xf32>
          %add3A_643 = arith.addf %add3A_642, %mul3A_303 : vector<16xf32>
          %mul3A_644 = arith.constant 5.000000e-01 : f32
          %mul3A_645 = vector.broadcast %mul3A_644 : f32 to vector<16xf32>
          %mul3A_646 = arith.mulf %add3A_643, %mul3A_645 : vector<16xf32>
          %swap3A_647 = arith.constant 79 : i32
          %swap3A_648 = arith.index_cast %swap3A_647 : i32 to index
          %swap3A_649 = arith.index_cast %mul3A_110 : i32 to index
          %swap3A_650 = tpu.vector_load %arg10[%swap3A_648, %swap3A_649] {strides = array<i32>} : memref<81x512xf32, #tpu.memory_space<vmem>>, vector<16xf32>,
          tpu.vector_store %arg10[%swap3A_648, %swap3A_649], %mul3A_646 {strides = array<i32>} : memref<81x512xf32, #tpu.memory_space<vmem>>, vector<16xf32>,
          %neg3A_651 = arith.constant 0.000000e+00 : f32
          %neg3A_652 = vector.broadcast %neg3A_651 : f32 to vector<16xf32>
          %neg3A_653 = arith.subf %neg3A_652, %mul3A_280 : vector<16xf32>
          %add3A_654 = arith.addf %neg3A_653, %mul3A_304 : vector<16xf32>
          %mul3A_655 = arith.constant 0.707106769 : f32
          %mul3A_656 = vector.broadcast %mul3A_655 : f32 to vector<16xf32>
          %mul3A_657 = arith.mulf %add3A_654, %mul3A_656 : vector<16xf32>
          %swap3A_658 = arith.constant 80 : i32
          %swap3A_659 = arith.index_cast %swap3A_658 : i32 to index
          %swap3A_660 = arith.index_cast %mul3A_110 : i32 to index
          %swap3A_661 = tpu.vector_load %arg10[%swap3A_659, %swap3A_660] {strides = array<i32>} : memref<81x512xf32, #tpu.memory_space<vmem>>, vector<16xf32>,
          tpu.vector_store %arg10[%swap3A_659, %swap3A_660], %mul3A_657 {strides = array<i32>} : memref<81x512xf32, #tpu.memory_space<vmem>>, vector<16xf32>,
          %mul3A_662 = arith.mulf %get3A_113, %get3A_153 : vector<16xf32>
          %mul3A_663 = arith.mulf %get3A_113, %get3A_157 : vector<16xf32>
          %mul3A_664 = arith.mulf %get3A_113, %get3A_161 : vector<16xf32>
          %swap3A_665 = arith.constant 3 : i32
          %swap3A_666 = arith.index_cast %swap3A_665 : i32 to index
          %swap3A_667 = arith.index_cast %mul3A_110 : i32 to index
          %swap3A_668 = tpu.vector_load %arg10[%swap3A_666, %swap3A_667] {strides = array<i32>} : memref<81x512xf32, #tpu.memory_space<vmem>>, vector<16xf32>,
          tpu.vector_store %arg10[%swap3A_666, %swap3A_667], %mul3A_662 {strides = array<i32>} : memref<81x512xf32, #tpu.memory_space<vmem>>, vector<16xf32>,
          %swap3A_669 = arith.constant 4 : i32
          %swap3A_670 = arith.index_cast %swap3A_669 : i32 to index
          %swap3A_671 = arith.index_cast %mul3A_110 : i32 to index
          %swap3A_672 = tpu.vector_load %arg10[%swap3A_670, %swap3A_671] {strides = array<i32>} : memref<81x512xf32, #tpu.memory_space<vmem>>, vector<16xf32>,
          tpu.vector_store %arg10[%swap3A_670, %swap3A_671], %mul3A_663 {strides = array<i32>} : memref<81x512xf32, #tpu.memory_space<vmem>>, vector<16xf32>,
          %swap3A_673 = arith.constant 5 : i32
          %swap3A_674 = arith.index_cast %swap3A_673 : i32 to index
          %swap3A_675 = arith.index_cast %mul3A_110 : i32 to index
          %swap3A_676 = tpu.vector_load %arg10[%swap3A_674, %swap3A_675] {strides = array<i32>} : memref<81x512xf32, #tpu.memory_space<vmem>>, vector<16xf32>,
          tpu.vector_store %arg10[%swap3A_674, %swap3A_675], %mul3A_664 {strides = array<i32>} : memref<81x512xf32, #tpu.memory_space<vmem>>, vector<16xf32>,
          %mul3A_677 = arith.mulf %get3A_117, %get3A_149 : vector<16xf32>
          %mul3A_678 = arith.mulf %get3A_121, %get3A_149 : vector<16xf32>
          %mul3A_679 = arith.mulf %get3A_125, %get3A_149 : vector<16xf32>
          %swap3A_680 = arith.constant 6 : i32
          %swap3A_681 = arith.index_cast %swap3A_680 : i32 to index
          %swap3A_682 = arith.index_cast %mul3A_110 : i32 to index
          %swap3A_683 = tpu.vector_load %arg10[%swap3A_681, %swap3A_682] {strides = array<i32>} : memref<81x512xf32, #tpu.memory_space<vmem>>, vector<16xf32>,
          tpu.vector_store %arg10[%swap3A_681, %swap3A_682], %mul3A_677 {strides = array<i32>} : memref<81x512xf32, #tpu.memory_space<vmem>>, vector<16xf32>,
          %swap3A_684 = arith.constant 7 : i32
          %swap3A_685 = arith.index_cast %swap3A_684 : i32 to index
          %swap3A_686 = arith.index_cast %mul3A_110 : i32 to index
          %swap3A_687 = tpu.vector_load %arg10[%swap3A_685, %swap3A_686] {strides = array<i32>} : memref<81x512xf32, #tpu.memory_space<vmem>>, vector<16xf32>,
          tpu.vector_store %arg10[%swap3A_685, %swap3A_686], %mul3A_678 {strides = array<i32>} : memref<81x512xf32, #tpu.memory_space<vmem>>, vector<16xf32>,
          %swap3A_688 = arith.constant 8 : i32
          %swap3A_689 = arith.index_cast %swap3A_688 : i32 to index
          %swap3A_690 = arith.index_cast %mul3A_110 : i32 to index
          %swap3A_691 = tpu.vector_load %arg10[%swap3A_689, %swap3A_690] {strides = array<i32>} : memref<81x512xf32, #tpu.memory_space<vmem>>, vector<16xf32>,
          tpu.vector_store %arg10[%swap3A_689, %swap3A_690], %mul3A_679 {strides = array<i32>} : memref<81x512xf32, #tpu.memory_space<vmem>>, vector<16xf32>,
          %mul3A_692 = arith.mulf %get3A_117, %get3A_165 : vector<16xf32>
          %mul3A_693 = arith.mulf %get3A_117, %get3A_169 : vector<16xf32>
          %mul3A_694 = arith.mulf %get3A_117, %get3A_173 : vector<16xf32>
          %mul3A_695 = arith.mulf %get3A_117, %get3A_177 : vector<16xf32>
          %mul3A_696 = arith.mulf %get3A_117, %get3A_181 : vector<16xf32>
          %mul3A_697 = arith.mulf %get3A_121, %get3A_165 : vector<16xf32>
          %mul3A_698 = arith.mulf %get3A_121, %get3A_169 : vector<16xf32>
          %mul3A_699 = arith.mulf %get3A_121, %get3A_173 : vector<16xf32>
          %mul3A_700 = arith.mulf %get3A_121, %get3A_177 : vector<16xf32>
          %mul3A_701 = arith.mulf %get3A_121, %get3A_181 : vector<16xf32>
          %mul3A_702 = arith.mulf %get3A_125, %get3A_165 : vector<16xf32>
          %mul3A_703 = arith.mulf %get3A_125, %get3A_169 : vector<16xf32>
          %mul3A_704 = arith.mulf %get3A_125, %get3A_173 : vector<16xf32>
          %mul3A_705 = arith.mulf %get3A_125, %get3A_177 : vector<16xf32>
          %mul3A_706 = arith.mulf %get3A_125, %get3A_181 : vector<16xf32>
          %neg3A_707 = arith.constant 0.000000e+00 : f32
          %neg3A_708 = vector.broadcast %neg3A_707 : f32 to vector<16xf32>
          %neg3A_709 = arith.subf %neg3A_708, %mul3A_694 : vector<16xf32>
          %mul3A_710 = arith.constant 0.316227764 : f32
          %mul3A_711 = vector.broadcast %mul3A_710 : f32 to vector<16xf32>
          %mul3A_712 = arith.mulf %neg3A_709, %mul3A_711 : vector<16xf32>
          %neg3A_713 = arith.constant 0.000000e+00 : f32
          %neg3A_714 = vector.broadcast %neg3A_713 : f32 to vector<16xf32>
          %neg3A_715 = arith.subf %neg3A_714, %mul3A_696 : vector<16xf32>
          %add3A_716 = arith.addf %neg3A_715, %mul3A_698 : vector<16xf32>
          %add3A_717 = arith.addf %add3A_716, %mul3A_702 : vector<16xf32>
          %mul3A_718 = arith.constant 0.547722578 : f32
          %mul3A_719 = vector.broadcast %mul3A_718 : f32 to vector<16xf32>
          %mul3A_720 = arith.mulf %add3A_717, %mul3A_719 : vector<16xf32>
          %add3A_721 = arith.addf %mul3A_712, %mul3A_720 : vector<16xf32>
          %swap3A_722 = arith.constant 12 : i32
          %swap3A_723 = arith.index_cast %swap3A_722 : i32 to index
          %swap3A_724 = arith.index_cast %mul3A_110 : i32 to index
          %swap3A_725 = tpu.vector_load %arg10[%swap3A_723, %swap3A_724] {strides = array<i32>} : memref<81x512xf32, #tpu.memory_space<vmem>>, vector<16xf32>,
          tpu.vector_store %arg10[%swap3A_723, %swap3A_724], %add3A_721 {strides = array<i32>} : memref<81x512xf32, #tpu.memory_space<vmem>>, vector<16xf32>,
          %add3A_726 = arith.addf %mul3A_693, %mul3A_705 : vector<16xf32>
          %mul3A_727 = arith.constant 0.547722578 : f32
          %mul3A_728 = vector.broadcast %mul3A_727 : f32 to vector<16xf32>
          %mul3A_729 = arith.mulf %add3A_726, %mul3A_728 : vector<16xf32>
          %mul3A_730 = arith.constant 0.632455527 : f32
          %mul3A_731 = vector.broadcast %mul3A_730 : f32 to vector<16xf32>
          %mul3A_732 = arith.mulf %mul3A_699, %mul3A_731 : vector<16xf32>
          %add3A_733 = arith.addf %mul3A_729, %mul3A_732 : vector<16xf32>
          %swap3A_734 = arith.constant 13 : i32
          %swap3A_735 = arith.index_cast %swap3A_734 : i32 to index
          %swap3A_736 = arith.index_cast %mul3A_110 : i32 to index
          %swap3A_737 = tpu.vector_load %arg10[%swap3A_735, %swap3A_736] {strides = array<i32>} : memref<81x512xf32, #tpu.memory_space<vmem>>, vector<16xf32>,
          tpu.vector_store %arg10[%swap3A_735, %swap3A_736], %add3A_733 {strides = array<i32>} : memref<81x512xf32, #tpu.memory_space<vmem>>, vector<16xf32>,
          %neg3A_738 = arith.constant 0.000000e+00 : f32
          %neg3A_739 = vector.broadcast %neg3A_738 : f32 to vector<16xf32>
          %neg3A_740 = arith.subf %neg3A_739, %mul3A_704 : vector<16xf32>
          %mul3A_741 = arith.constant 0.316227764 : f32
          %mul3A_742 = vector.broadcast %mul3A_741 : f32 to vector<16xf32>
          %mul3A_743 = arith.mulf %neg3A_740, %mul3A_742 : vector<16xf32>
          %add3A_744 = arith.addf %mul3A_692, %mul3A_700 : vector<16xf32>
          %add3A_745 = arith.addf %add3A_744, %mul3A_706 : vector<16xf32>
          %mul3A_746 = arith.constant 0.547722578 : f32
          %mul3A_747 = vector.broadcast %mul3A_746 : f32 to vector<16xf32>
          %mul3A_748 = arith.mulf %add3A_745, %mul3A_747 : vector<16xf32>
          %add3A_749 = arith.addf %mul3A_743, %mul3A_748 : vector<16xf32>
          %swap3A_750 = arith.constant 14 : i32
          %swap3A_751 = arith.index_cast %swap3A_750 : i32 to index
          %swap3A_752 = arith.index_cast %mul3A_110 : i32 to index
          %swap3A_753 = tpu.vector_load %arg10[%swap3A_751, %swap3A_752] {strides = array<i32>} : memref<81x512xf32, #tpu.memory_space<vmem>>, vector<16xf32>,
          tpu.vector_store %arg10[%swap3A_751, %swap3A_752], %add3A_749 {strides = array<i32>} : memref<81x512xf32, #tpu.memory_space<vmem>>, vector<16xf32>,
          %sub3A_754 = arith.subf %mul3A_693, %mul3A_705 : vector<16xf32>
          %mul3A_755 = arith.constant 0.408248305 : f32
          %mul3A_756 = vector.broadcast %mul3A_755 : f32 to vector<16xf32>
          %mul3A_757 = arith.mulf %sub3A_754, %mul3A_756 : vector<16xf32>
          %mul3A_758 = arith.constant 0.816496611 : f32
          %mul3A_759 = vector.broadcast %mul3A_758 : f32 to vector<16xf32>
          %mul3A_760 = arith.mulf %mul3A_701, %mul3A_759 : vector<16xf32>
          %add3A_761 = arith.addf %mul3A_757, %mul3A_760 : vector<16xf32>
          %swap3A_762 = arith.constant 31 : i32
          %swap3A_763 = arith.index_cast %swap3A_762 : i32 to index
          %swap3A_764 = arith.index_cast %mul3A_110 : i32 to index
          %swap3A_765 = tpu.vector_load %arg10[%swap3A_763, %swap3A_764] {strides = array<i32>} : memref<81x512xf32, #tpu.memory_space<vmem>>, vector<16xf32>,
          tpu.vector_store %arg10[%swap3A_763, %swap3A_764], %add3A_761 {strides = array<i32>} : memref<81x512xf32, #tpu.memory_space<vmem>>, vector<16xf32>,
          %neg3A_766 = arith.constant 0.000000e+00 : f32
          %neg3A_767 = vector.broadcast %neg3A_766 : f32 to vector<16xf32>
          %neg3A_768 = arith.subf %neg3A_767, %mul3A_692 : vector<16xf32>
          %add3A_769 = arith.addf %neg3A_768, %mul3A_700 : vector<16xf32>
          %sub3A_770 = arith.subf %add3A_769, %mul3A_706 : vector<16xf32>
          %mul3A_771 = arith.constant 0.408248305 : f32
          %mul3A_772 = vector.broadcast %mul3A_771 : f32 to vector<16xf32>
          %mul3A_773 = arith.mulf %sub3A_770, %mul3A_772 : vector<16xf32>
          %neg3A_774 = arith.constant 0.000000e+00 : f32
          %neg3A_775 = vector.broadcast %neg3A_774 : f32 to vector<16xf32>
          %neg3A_776 = arith.subf %neg3A_775, %mul3A_704 : vector<16xf32>
          %mul3A_777 = arith.constant 0.707106769 : f32
          %mul3A_778 = vector.broadcast %mul3A_777 : f32 to vector<16xf32>
          %mul3A_779 = arith.mulf %neg3A_776, %mul3A_778 : vector<16xf32>
          %add3A_780 = arith.addf %mul3A_773, %mul3A_779 : vector<16xf32>
          %swap3A_781 = arith.constant 32 : i32
          %swap3A_782 = arith.index_cast %swap3A_781 : i32 to index
          %swap3A_783 = arith.index_cast %mul3A_110 : i32 to index
          %swap3A_784 = tpu.vector_load %arg10[%swap3A_782, %swap3A_783] {strides = array<i32>} : memref<81x512xf32, #tpu.memory_space<vmem>>, vector<16xf32>,
          tpu.vector_store %arg10[%swap3A_782, %swap3A_783], %add3A_780 {strides = array<i32>} : memref<81x512xf32, #tpu.memory_space<vmem>>, vector<16xf32>,
          %neg3A_785 = arith.constant 0.000000e+00 : f32
          %neg3A_786 = vector.broadcast %neg3A_785 : f32 to vector<16xf32>
          %neg3A_787 = arith.subf %neg3A_786, %mul3A_695 : vector<16xf32>
          %add3A_788 = arith.addf %neg3A_787, %mul3A_703 : vector<16xf32>
          %mul3A_789 = arith.constant 0.707106769 : f32
          %mul3A_790 = vector.broadcast %mul3A_789 : f32 to vector<16xf32>
          %mul3A_791 = arith.mulf %add3A_788, %mul3A_790 : vector<16xf32>
          %swap3A_792 = arith.constant 33 : i32
          %swap3A_793 = arith.index_cast %swap3A_792 : i32 to index
          %swap3A_794 = arith.index_cast %mul3A_110 : i32 to index
          %swap3A_795 = tpu.vector_load %arg10[%swap3A_793, %swap3A_794] {strides = array<i32>} : memref<81x512xf32, #tpu.memory_space<vmem>>, vector<16xf32>,
          tpu.vector_store %arg10[%swap3A_793, %swap3A_794], %mul3A_791 {strides = array<i32>} : memref<81x512xf32, #tpu.memory_space<vmem>>, vector<16xf32>,
          %neg3A_796 = arith.constant 0.000000e+00 : f32
          %neg3A_797 = vector.broadcast %neg3A_796 : f32 to vector<16xf32>
          %neg3A_798 = arith.subf %neg3A_797, %mul3A_696 : vector<16xf32>
          %sub3A_799 = arith.subf %neg3A_798, %mul3A_698 : vector<16xf32>
          %add3A_800 = arith.addf %sub3A_799, %mul3A_702 : vector<16xf32>
          %mul3A_801 = arith.constant 0.408248305 : f32
          %mul3A_802 = vector.broadcast %mul3A_801 : f32 to vector<16xf32>
          %mul3A_803 = arith.mulf %add3A_800, %mul3A_802 : vector<16xf32>
          %mul3A_804 = arith.constant 0.707106769 : f32
          %mul3A_805 = vector.broadcast %mul3A_804 : f32 to vector<16xf32>
          %mul3A_806 = arith.mulf %mul3A_694, %mul3A_805 : vector<16xf32>
          %add3A_807 = arith.addf %mul3A_803, %mul3A_806 : vector<16xf32>
          %swap3A_808 = arith.constant 34 : i32
          %swap3A_809 = arith.index_cast %swap3A_808 : i32 to index
          %swap3A_810 = arith.index_cast %mul3A_110 : i32 to index
          %swap3A_811 = tpu.vector_load %arg10[%swap3A_809, %swap3A_810] {strides = array<i32>} : memref<81x512xf32, #tpu.memory_space<vmem>>, vector<16xf32>,
          tpu.vector_store %arg10[%swap3A_809, %swap3A_810], %add3A_807 {strides = array<i32>} : memref<81x512xf32, #tpu.memory_space<vmem>>, vector<16xf32>,
          %add3A_812 = arith.addf %mul3A_695, %mul3A_703 : vector<16xf32>
          %mul3A_813 = arith.constant 0.408248305 : f32
          %mul3A_814 = vector.broadcast %mul3A_813 : f32 to vector<16xf32>
          %mul3A_815 = arith.mulf %add3A_812, %mul3A_814 : vector<16xf32>
          %neg3A_816 = arith.constant 0.000000e+00 : f32
          %neg3A_817 = vector.broadcast %neg3A_816 : f32 to vector<16xf32>
          %neg3A_818 = arith.subf %neg3A_817, %mul3A_697 : vector<16xf32>
          %mul3A_819 = arith.constant 0.816496611 : f32
          %mul3A_820 = vector.broadcast %mul3A_819 : f32 to vector<16xf32>
          %mul3A_821 = arith.mulf %neg3A_818, %mul3A_820 : vector<16xf32>
          %add3A_822 = arith.addf %mul3A_815, %mul3A_821 : vector<16xf32>
          %swap3A_823 = arith.constant 35 : i32
          %swap3A_824 = arith.index_cast %swap3A_823 : i32 to index
          %swap3A_825 = arith.index_cast %mul3A_110 : i32 to index
          %swap3A_826 = tpu.vector_load %arg10[%swap3A_824, %swap3A_825] {strides = array<i32>} : memref<81x512xf32, #tpu.memory_space<vmem>>, vector<16xf32>,
          tpu.vector_store %arg10[%swap3A_824, %swap3A_825], %add3A_822 {strides = array<i32>} : memref<81x512xf32, #tpu.memory_space<vmem>>, vector<16xf32>,
          %add3A_827 = arith.addf %mul3A_696, %mul3A_702 : vector<16xf32>
          %mul3A_828 = arith.constant 0.707106769 : f32
          %mul3A_829 = vector.broadcast %mul3A_828 : f32 to vector<16xf32>
          %mul3A_830 = arith.mulf %add3A_827, %mul3A_829 : vector<16xf32>
          %swap3A_831 = arith.constant 51 : i32
          %swap3A_832 = arith.index_cast %swap3A_831 : i32 to index
          %swap3A_833 = arith.index_cast %mul3A_110 : i32 to index
          %swap3A_834 = tpu.vector_load %arg10[%swap3A_832, %swap3A_833] {strides = array<i32>} : memref<81x512xf32, #tpu.memory_space<vmem>>, vector<16xf32>,
          tpu.vector_store %arg10[%swap3A_832, %swap3A_833], %mul3A_830 {strides = array<i32>} : memref<81x512xf32, #tpu.memory_space<vmem>>, vector<16xf32>,
          %add3A_835 = arith.addf %mul3A_695, %mul3A_697 : vector<16xf32>
          %add3A_836 = arith.addf %add3A_835, %mul3A_703 : vector<16xf32>
          %mul3A_837 = arith.constant 0.577350259 : f32
          %mul3A_838 = vector.broadcast %mul3A_837 : f32 to vector<16xf32>
          %mul3A_839 = arith.mulf %add3A_836, %mul3A_838 : vector<16xf32>
          %swap3A_840 = arith.constant 52 : i32
          %swap3A_841 = arith.index_cast %swap3A_840 : i32 to index
          %swap3A_842 = arith.index_cast %mul3A_110 : i32 to index
          %swap3A_843 = tpu.vector_load %arg10[%swap3A_841, %swap3A_842] {strides = array<i32>} : memref<81x512xf32, #tpu.memory_space<vmem>>, vector<16xf32>,
          tpu.vector_store %arg10[%swap3A_841, %swap3A_842], %mul3A_839 {strides = array<i32>} : memref<81x512xf32, #tpu.memory_space<vmem>>, vector<16xf32>,
          %sub3A_844 = arith.subf %mul3A_696, %mul3A_702 : vector<16xf32>
          %mul3A_845 = arith.constant 0.182574183 : f32
          %mul3A_846 = vector.broadcast %mul3A_845 : f32 to vector<16xf32>
          %mul3A_847 = arith.mulf %sub3A_844, %mul3A_846 : vector<16xf32>
          %mul3A_848 = arith.constant 0.632455527 : f32
          %mul3A_849 = vector.broadcast %mul3A_848 : f32 to vector<16xf32>
          %mul3A_850 = arith.mulf %mul3A_694, %mul3A_849 : vector<16xf32>
          %add3A_851 = arith.addf %mul3A_847, %mul3A_850 : vector<16xf32>
          %mul3A_852 = arith.constant 0.730296731 : f32
          %mul3A_853 = vector.broadcast %mul3A_852 : f32 to vector<16xf32>
          %mul3A_854 = arith.mulf %mul3A_698, %mul3A_853 : vector<16xf32>
          %add3A_855 = arith.addf %add3A_851, %mul3A_854 : vector<16xf32>
          %swap3A_856 = arith.constant 53 : i32
          %swap3A_857 = arith.index_cast %swap3A_856 : i32 to index
          %swap3A_858 = arith.index_cast %mul3A_110 : i32 to index
          %swap3A_859 = tpu.vector_load %arg10[%swap3A_857, %swap3A_858] {strides = array<i32>} : memref<81x512xf32, #tpu.memory_space<vmem>>, vector<16xf32>,
          tpu.vector_store %arg10[%swap3A_857, %swap3A_858], %add3A_855 {strides = array<i32>} : memref<81x512xf32, #tpu.memory_space<vmem>>, vector<16xf32>,
          %neg3A_860 = arith.constant 0.000000e+00 : f32
          %neg3A_861 = vector.broadcast %neg3A_860 : f32 to vector<16xf32>
          %neg3A_862 = arith.subf %neg3A_861, %mul3A_693 : vector<16xf32>
          %sub3A_863 = arith.subf %neg3A_862, %mul3A_705 : vector<16xf32>
          %mul3A_864 = arith.constant 0.44721359 : f32
          %mul3A_865 = vector.broadcast %mul3A_864 : f32 to vector<16xf32>
          %mul3A_866 = arith.mulf %sub3A_863, %mul3A_865 : vector<16xf32>
          %mul3A_867 = arith.constant 0.774596691 : f32
          %mul3A_868 = vector.broadcast %mul3A_867 : f32 to vector<16xf32>
          %mul3A_869 = arith.mulf %mul3A_699, %mul3A_868 : vector<16xf32>
          %add3A_870 = arith.addf %mul3A_866, %mul3A_869 : vector<16xf32>
          %swap3A_871 = arith.constant 54 : i32
          %swap3A_872 = arith.index_cast %swap3A_871 : i32 to index
          %swap3A_873 = arith.index_cast %mul3A_110 : i32 to index
          %swap3A_874 = tpu.vector_load %arg10[%swap3A_872, %swap3A_873] {strides = array<i32>} : memref<81x512xf32, #tpu.memory_space<vmem>>, vector<16xf32>,
          tpu.vector_store %arg10[%swap3A_872, %swap3A_873], %add3A_870 {strides = array<i32>} : memref<81x512xf32, #tpu.memory_space<vmem>>, vector<16xf32>,
          %neg3A_875 = arith.constant 0.000000e+00 : f32
          %neg3A_876 = vector.broadcast %neg3A_875 : f32 to vector<16xf32>
          %neg3A_877 = arith.subf %neg3A_876, %mul3A_692 : vector<16xf32>
          %sub3A_878 = arith.subf %neg3A_877, %mul3A_706 : vector<16xf32>
          %mul3A_879 = arith.constant 0.182574183 : f32
          %mul3A_880 = vector.broadcast %mul3A_879 : f32 to vector<16xf32>
          %mul3A_881 = arith.mulf %sub3A_878, %mul3A_880 : vector<16xf32>
          %mul3A_882 = arith.constant 0.632455527 : f32
          %mul3A_883 = vector.broadcast %mul3A_882 : f32 to vector<16xf32>
          %mul3A_884 = arith.mulf %mul3A_704, %mul3A_883 : vector<16xf32>
          %add3A_885 = arith.addf %mul3A_881, %mul3A_884 : vector<16xf32>
          %mul3A_886 = arith.constant 0.730296731 : f32
          %mul3A_887 = vector.broadcast %mul3A_886 : f32 to vector<16xf32>
          %mul3A_888 = arith.mulf %mul3A_700, %mul3A_887 : vector<16xf32>
          %add3A_889 = arith.addf %add3A_885, %mul3A_888 : vector<16xf32>
          %swap3A_890 = arith.constant 55 : i32
          %swap3A_891 = arith.index_cast %swap3A_890 : i32 to index
          %swap3A_892 = arith.index_cast %mul3A_110 : i32 to index
          %swap3A_893 = tpu.vector_load %arg10[%swap3A_891, %swap3A_892] {strides = array<i32>} : memref<81x512xf32, #tpu.memory_space<vmem>>, vector<16xf32>,
          tpu.vector_store %arg10[%swap3A_891, %swap3A_892], %add3A_889 {strides = array<i32>} : memref<81x512xf32, #tpu.memory_space<vmem>>, vector<16xf32>,
          %neg3A_894 = arith.constant 0.000000e+00 : f32
          %neg3A_895 = vector.broadcast %neg3A_894 : f32 to vector<16xf32>
          %neg3A_896 = arith.subf %neg3A_895, %mul3A_693 : vector<16xf32>
          %add3A_897 = arith.addf %neg3A_896, %mul3A_701 : vector<16xf32>
          %add3A_898 = arith.addf %add3A_897, %mul3A_705 : vector<16xf32>
          %mul3A_899 = arith.constant 0.577350259 : f32
          %mul3A_900 = vector.broadcast %mul3A_899 : f32 to vector<16xf32>
          %mul3A_901 = arith.mulf %add3A_898, %mul3A_900 : vector<16xf32>
          %swap3A_902 = arith.constant 56 : i32
          %swap3A_903 = arith.index_cast %swap3A_902 : i32 to index
          %swap3A_904 = arith.index_cast %mul3A_110 : i32 to index
          %swap3A_905 = tpu.vector_load %arg10[%swap3A_903, %swap3A_904] {strides = array<i32>} : memref<81x512xf32, #tpu.memory_space<vmem>>, vector<16xf32>,
          tpu.vector_store %arg10[%swap3A_903, %swap3A_904], %mul3A_901 {strides = array<i32>} : memref<81x512xf32, #tpu.memory_space<vmem>>, vector<16xf32>,
          %neg3A_906 = arith.constant 0.000000e+00 : f32
          %neg3A_907 = vector.broadcast %neg3A_906 : f32 to vector<16xf32>
          %neg3A_908 = arith.subf %neg3A_907, %mul3A_692 : vector<16xf32>
          %add3A_909 = arith.addf %neg3A_908, %mul3A_706 : vector<16xf32>
          %mul3A_910 = arith.constant 0.707106769 : f32
          %mul3A_911 = vector.broadcast %mul3A_910 : f32 to vector<16xf32>
          %mul3A_912 = arith.mulf %add3A_909, %mul3A_911 : vector<16xf32>
          %swap3A_913 = arith.constant 57 : i32
          %swap3A_914 = arith.index_cast %swap3A_913 : i32 to index
          %swap3A_915 = arith.index_cast %mul3A_110 : i32 to index
          %swap3A_916 = tpu.vector_load %arg10[%swap3A_914, %swap3A_915] {strides = array<i32>} : memref<81x512xf32, #tpu.memory_space<vmem>>, vector<16xf32>,
          tpu.vector_store %arg10[%swap3A_914, %swap3A_915], %mul3A_912 {strides = array<i32>} : memref<81x512xf32, #tpu.memory_space<vmem>>, vector<16xf32>,
          %mul3A_917 = arith.mulf %get3A_129, %get3A_153 : vector<16xf32>
          %mul3A_918 = arith.mulf %get3A_129, %get3A_157 : vector<16xf32>
          %mul3A_919 = arith.mulf %get3A_129, %get3A_161 : vector<16xf32>
          %mul3A_920 = arith.mulf %get3A_133, %get3A_153 : vector<16xf32>
          %mul3A_921 = arith.mulf %get3A_133, %get3A_157 : vector<16xf32>
          %mul3A_922 = arith.mulf %get3A_133, %get3A_161 : vector<16xf32>
          %mul3A_923 = arith.mulf %get3A_137, %get3A_153 : vector<16xf32>
          %mul3A_924 = arith.mulf %get3A_137, %get3A_157 : vector<16xf32>
          %mul3A_925 = arith.mulf %get3A_137, %get3A_161 : vector<16xf32>
          %mul3A_926 = arith.mulf %get3A_141, %get3A_153 : vector<16xf32>
          %mul3A_927 = arith.mulf %get3A_141, %get3A_157 : vector<16xf32>
          %mul3A_928 = arith.mulf %get3A_141, %get3A_161 : vector<16xf32>
          %mul3A_929 = arith.mulf %get3A_145, %get3A_153 : vector<16xf32>
          %mul3A_930 = arith.mulf %get3A_145, %get3A_157 : vector<16xf32>
          %mul3A_931 = arith.mulf %get3A_145, %get3A_161 : vector<16xf32>
          %neg3A_932 = arith.constant 0.000000e+00 : f32
          %neg3A_933 = vector.broadcast %neg3A_932 : f32 to vector<16xf32>
          %neg3A_934 = arith.subf %neg3A_933, %mul3A_923 : vector<16xf32>
          %mul3A_935 = arith.constant 0.316227764 : f32
          %mul3A_936 = vector.broadcast %mul3A_935 : f32 to vector<16xf32>
          %mul3A_937 = arith.mulf %neg3A_934, %mul3A_936 : vector<16xf32>
          %add3A_938 = arith.addf %mul3A_919, %mul3A_921 : vector<16xf32>
          %sub3A_939 = arith.subf %add3A_938, %mul3A_929 : vector<16xf32>
          %mul3A_940 = arith.constant 0.547722578 : f32
          %mul3A_941 = vector.broadcast %mul3A_940 : f32 to vector<16xf32>
          %mul3A_942 = arith.mulf %sub3A_939, %mul3A_941 : vector<16xf32>
          %add3A_943 = arith.addf %mul3A_937, %mul3A_942 : vector<16xf32>
          %swap3A_944 = arith.constant 15 : i32
          %swap3A_945 = arith.index_cast %swap3A_944 : i32 to index
          %swap3A_946 = arith.index_cast %mul3A_110 : i32 to index
          %swap3A_947 = tpu.vector_load %arg10[%swap3A_945, %swap3A_946] {strides = array<i32>} : memref<81x512xf32, #tpu.memory_space<vmem>>, vector<16xf32>,
          tpu.vector_store %arg10[%swap3A_945, %swap3A_946], %add3A_943 {strides = array<i32>} : memref<81x512xf32, #tpu.memory_space<vmem>>, vector<16xf32>,
          %add3A_948 = arith.addf %mul3A_920, %mul3A_928 : vector<16xf32>
          %mul3A_949 = arith.constant 0.547722578 : f32
          %mul3A_950 = vector.broadcast %mul3A_949 : f32 to vector<16xf32>
          %mul3A_951 = arith.mulf %add3A_948, %mul3A_950 : vector<16xf32>
          %mul3A_952 = arith.constant 0.632455527 : f32
          %mul3A_953 = vector.broadcast %mul3A_952 : f32 to vector<16xf32>
          %mul3A_954 = arith.mulf %mul3A_924, %mul3A_953 : vector<16xf32>
          %add3A_955 = arith.addf %mul3A_951, %mul3A_954 : vector<16xf32>
          %swap3A_956 = arith.constant 16 : i32
          %swap3A_957 = arith.index_cast %swap3A_956 : i32 to index
          %swap3A_958 = arith.index_cast %mul3A_110 : i32 to index
          %swap3A_959 = tpu.vector_load %arg10[%swap3A_957, %swap3A_958] {strides = array<i32>} : memref<81x512xf32, #tpu.memory_space<vmem>>, vector<16xf32>,
          tpu.vector_store %arg10[%swap3A_957, %swap3A_958], %add3A_955 {strides = array<i32>} : memref<81x512xf32, #tpu.memory_space<vmem>>, vector<16xf32>,
          %neg3A_960 = arith.constant 0.000000e+00 : f32
          %neg3A_961 = vector.broadcast %neg3A_960 : f32 to vector<16xf32>
          %neg3A_962 = arith.subf %neg3A_961, %mul3A_925 : vector<16xf32>
          %mul3A_963 = arith.constant 0.316227764 : f32
          %mul3A_964 = vector.broadcast %mul3A_963 : f32 to vector<16xf32>
          %mul3A_965 = arith.mulf %neg3A_962, %mul3A_964 : vector<16xf32>
          %add3A_966 = arith.addf %mul3A_917, %mul3A_927 : vector<16xf32>
          %add3A_967 = arith.addf %add3A_966, %mul3A_931 : vector<16xf32>
          %mul3A_968 = arith.constant 0.547722578 : f32
          %mul3A_969 = vector.broadcast %mul3A_968 : f32 to vector<16xf32>
          %mul3A_970 = arith.mulf %add3A_967, %mul3A_969 : vector<16xf32>
          %add3A_971 = arith.addf %mul3A_965, %mul3A_970 : vector<16xf32>
          %swap3A_972 = arith.constant 17 : i32
          %swap3A_973 = arith.index_cast %swap3A_972 : i32 to index
          %swap3A_974 = arith.index_cast %mul3A_110 : i32 to index
          %swap3A_975 = tpu.vector_load %arg10[%swap3A_973, %swap3A_974] {strides = array<i32>} : memref<81x512xf32, #tpu.memory_space<vmem>>, vector<16xf32>,
          tpu.vector_store %arg10[%swap3A_973, %swap3A_974], %add3A_971 {strides = array<i32>} : memref<81x512xf32, #tpu.memory_space<vmem>>, vector<16xf32>,
          %neg3A_976 = arith.constant 0.000000e+00 : f32
          %neg3A_977 = vector.broadcast %neg3A_976 : f32 to vector<16xf32>
          %neg3A_978 = arith.subf %neg3A_977, %mul3A_920 : vector<16xf32>
          %add3A_979 = arith.addf %neg3A_978, %mul3A_928 : vector<16xf32>
          %mul3A_980 = arith.constant 0.408248305 : f32
          %mul3A_981 = vector.broadcast %mul3A_980 : f32 to vector<16xf32>
          %mul3A_982 = arith.mulf %add3A_979, %mul3A_981 : vector<16xf32>
          %neg3A_983 = arith.constant 0.000000e+00 : f32
          %neg3A_984 = vector.broadcast %neg3A_983 : f32 to vector<16xf32>
          %neg3A_985 = arith.subf %neg3A_984, %mul3A_930 : vector<16xf32>
          %mul3A_986 = arith.constant 0.816496611 : f32
          %mul3A_987 = vector.broadcast %mul3A_986 : f32 to vector<16xf32>
          %mul3A_988 = arith.mulf %neg3A_985, %mul3A_987 : vector<16xf32>
          %add3A_989 = arith.addf %mul3A_982, %mul3A_988 : vector<16xf32>
          %swap3A_990 = arith.constant 41 : i32
          %swap3A_991 = arith.index_cast %swap3A_990 : i32 to index
          %swap3A_992 = arith.index_cast %mul3A_110 : i32 to index
          %swap3A_993 = tpu.vector_load %arg10[%swap3A_991, %swap3A_992] {strides = array<i32>} : memref<81x512xf32, #tpu.memory_space<vmem>>, vector<16xf32>,
          tpu.vector_store %arg10[%swap3A_991, %swap3A_992], %add3A_989 {strides = array<i32>} : memref<81x512xf32, #tpu.memory_space<vmem>>, vector<16xf32>,
          %sub3A_994 = arith.subf %mul3A_917, %mul3A_927 : vector<16xf32>
          %add3A_995 = arith.addf %sub3A_994, %mul3A_931 : vector<16xf32>
          %mul3A_996 = arith.constant 0.408248305 : f32
          %mul3A_997 = vector.broadcast %mul3A_996 : f32 to vector<16xf32>
          %mul3A_998 = arith.mulf %add3A_995, %mul3A_997 : vector<16xf32>
          %mul3A_999 = arith.constant 0.707106769 : f32
          %mul3A_1000 = vector.broadcast %mul3A_999 : f32 to vector<16xf32>
          %mul3A_1001 = arith.mulf %mul3A_925, %mul3A_1000 : vector<16xf32>
          %add3A_1002 = arith.addf %mul3A_998, %mul3A_1001 : vector<16xf32>
          %swap3A_1003 = arith.constant 42 : i32
          %swap3A_1004 = arith.index_cast %swap3A_1003 : i32 to index
          %swap3A_1005 = arith.index_cast %mul3A_110 : i32 to index
          %swap3A_1006 = tpu.vector_load %arg10[%swap3A_1004, %swap3A_1005] {strides = array<i32>} : memref<81x512xf32, #tpu.memory_space<vmem>>, vector<16xf32>,
          tpu.vector_store %arg10[%swap3A_1004, %swap3A_1005], %add3A_1002 {strides = array<i32>} : memref<81x512xf32, #tpu.memory_space<vmem>>, vector<16xf32>,
          %neg3A_1007 = arith.constant 0.000000e+00 : f32
          %neg3A_1008 = vector.broadcast %neg3A_1007 : f32 to vector<16xf32>
          %neg3A_1009 = arith.subf %neg3A_1008, %mul3A_922 : vector<16xf32>
          %add3A_1010 = arith.addf %neg3A_1009, %mul3A_926 : vector<16xf32>
          %mul3A_1011 = arith.constant 0.707106769 : f32
          %mul3A_1012 = vector.broadcast %mul3A_1011 : f32 to vector<16xf32>
          %mul3A_1013 = arith.mulf %add3A_1010, %mul3A_1012 : vector<16xf32>
          %swap3A_1014 = arith.constant 43 : i32
          %swap3A_1015 = arith.index_cast %swap3A_1014 : i32 to index
          %swap3A_1016 = arith.index_cast %mul3A_110 : i32 to index
          %swap3A_1017 = tpu.vector_load %arg10[%swap3A_1015, %swap3A_1016] {strides = array<i32>} : memref<81x512xf32, #tpu.memory_space<vmem>>, vector<16xf32>,
          tpu.vector_store %arg10[%swap3A_1015, %swap3A_1016], %mul3A_1013 {strides = array<i32>} : memref<81x512xf32, #tpu.memory_space<vmem>>, vector<16xf32>,
          %neg3A_1018 = arith.constant 0.000000e+00 : f32
          %neg3A_1019 = vector.broadcast %neg3A_1018 : f32 to vector<16xf32>
          %neg3A_1020 = arith.subf %neg3A_1019, %mul3A_919 : vector<16xf32>
          %add3A_1021 = arith.addf %neg3A_1020, %mul3A_921 : vector<16xf32>
          %add3A_1022 = arith.addf %add3A_1021, %mul3A_929 : vector<16xf32>
          %mul3A_1023 = arith.constant 0.408248305 : f32
          %mul3A_1024 = vector.broadcast %mul3A_1023 : f32 to vector<16xf32>
          %mul3A_1025 = arith.mulf %add3A_1022, %mul3A_1024 : vector<16xf32>
          %neg3A_1026 = arith.constant 0.000000e+00 : f32
          %neg3A_1027 = vector.broadcast %neg3A_1026 : f32 to vector<16xf32>
          %neg3A_1028 = arith.subf %neg3A_1027, %mul3A_923 : vector<16xf32>
          %mul3A_1029 = arith.constant 0.707106769 : f32
          %mul3A_1030 = vector.broadcast %mul3A_1029 : f32 to vector<16xf32>
          %mul3A_1031 = arith.mulf %neg3A_1028, %mul3A_1030 : vector<16xf32>
          %add3A_1032 = arith.addf %mul3A_1025, %mul3A_1031 : vector<16xf32>
          %swap3A_1033 = arith.constant 44 : i32
          %swap3A_1034 = arith.index_cast %swap3A_1033 : i32 to index
          %swap3A_1035 = arith.index_cast %mul3A_110 : i32 to index
          %swap3A_1036 = tpu.vector_load %arg10[%swap3A_1034, %swap3A_1035] {strides = array<i32>} : memref<81x512xf32, #tpu.memory_space<vmem>>, vector<16xf32>,
          tpu.vector_store %arg10[%swap3A_1034, %swap3A_1035], %add3A_1032 {strides = array<i32>} : memref<81x512xf32, #tpu.memory_space<vmem>>, vector<16xf32>,
          %neg3A_1037 = arith.constant 0.000000e+00 : f32
          %neg3A_1038 = vector.broadcast %neg3A_1037 : f32 to vector<16xf32>
          %neg3A_1039 = arith.subf %neg3A_1038, %mul3A_922 : vector<16xf32>
          %sub3A_1040 = arith.subf %neg3A_1039, %mul3A_926 : vector<16xf32>
          %mul3A_1041 = arith.constant 0.408248305 : f32
          %mul3A_1042 = vector.broadcast %mul3A_1041 : f32 to vector<16xf32>
          %mul3A_1043 = arith.mulf %sub3A_1040, %mul3A_1042 : vector<16xf32>
          %mul3A_1044 = arith.constant 0.816496611 : f32
          %mul3A_1045 = vector.broadcast %mul3A_1044 : f32 to vector<16xf32>
          %mul3A_1046 = arith.mulf %mul3A_918, %mul3A_1045 : vector<16xf32>
          %add3A_1047 = arith.addf %mul3A_1043, %mul3A_1046 : vector<16xf32>
          %swap3A_1048 = arith.constant 45 : i32
          %swap3A_1049 = arith.index_cast %swap3A_1048 : i32 to index
          %swap3A_1050 = arith.index_cast %mul3A_110 : i32 to index
          %swap3A_1051 = tpu.vector_load %arg10[%swap3A_1049, %swap3A_1050] {strides = array<i32>} : memref<81x512xf32, #tpu.memory_space<vmem>>, vector<16xf32>,
          tpu.vector_store %arg10[%swap3A_1049, %swap3A_1050], %add3A_1047 {strides = array<i32>} : memref<81x512xf32, #tpu.memory_space<vmem>>, vector<16xf32>,
          %add3A_1052 = arith.addf %mul3A_919, %mul3A_929 : vector<16xf32>
          %mul3A_1053 = arith.constant 0.707106769 : f32
          %mul3A_1054 = vector.broadcast %mul3A_1053 : f32 to vector<16xf32>
          %mul3A_1055 = arith.mulf %add3A_1052, %mul3A_1054 : vector<16xf32>
          %swap3A_1056 = arith.constant 58 : i32
          %swap3A_1057 = arith.index_cast %swap3A_1056 : i32 to index
          %swap3A_1058 = arith.index_cast %mul3A_110 : i32 to index
          %swap3A_1059 = tpu.vector_load %arg10[%swap3A_1057, %swap3A_1058] {strides = array<i32>} : memref<81x512xf32, #tpu.memory_space<vmem>>, vector<16xf32>,
          tpu.vector_store %arg10[%swap3A_1057, %swap3A_1058], %mul3A_1055 {strides = array<i32>} : memref<81x512xf32, #tpu.memory_space<vmem>>, vector<16xf32>,
          %add3A_1060 = arith.addf %mul3A_918, %mul3A_922 : vector<16xf32>
          %add3A_1061 = arith.addf %add3A_1060, %mul3A_926 : vector<16xf32>
          %mul3A_1062 = arith.constant 0.577350259 : f32
          %mul3A_1063 = vector.broadcast %mul3A_1062 : f32 to vector<16xf32>
          %mul3A_1064 = arith.mulf %add3A_1061, %mul3A_1063 : vector<16xf32>
          %swap3A_1065 = arith.constant 59 : i32
          %swap3A_1066 = arith.index_cast %swap3A_1065 : i32 to index
          %swap3A_1067 = arith.index_cast %mul3A_110 : i32 to index
          %swap3A_1068 = tpu.vector_load %arg10[%swap3A_1066, %swap3A_1067] {strides = array<i32>} : memref<81x512xf32, #tpu.memory_space<vmem>>, vector<16xf32>,
          tpu.vector_store %arg10[%swap3A_1066, %swap3A_1067], %mul3A_1064 {strides = array<i32>} : memref<81x512xf32, #tpu.memory_space<vmem>>, vector<16xf32>,
          %neg3A_1069 = arith.constant 0.000000e+00 : f32
          %neg3A_1070 = vector.broadcast %neg3A_1069 : f32 to vector<16xf32>
          %neg3A_1071 = arith.subf %neg3A_1070, %mul3A_919 : vector<16xf32>
          %add3A_1072 = arith.addf %neg3A_1071, %mul3A_929 : vector<16xf32>
          %mul3A_1073 = arith.constant 0.182574183 : f32
          %mul3A_1074 = vector.broadcast %mul3A_1073 : f32 to vector<16xf32>
          %mul3A_1075 = arith.mulf %add3A_1072, %mul3A_1074 : vector<16xf32>
          %mul3A_1076 = arith.constant 0.632455527 : f32
          %mul3A_1077 = vector.broadcast %mul3A_1076 : f32 to vector<16xf32>
          %mul3A_1078 = arith.mulf %mul3A_923, %mul3A_1077 : vector<16xf32>
          %add3A_1079 = arith.addf %mul3A_1075, %mul3A_1078 : vector<16xf32>
          %mul3A_1080 = arith.constant 0.730296731 : f32
          %mul3A_1081 = vector.broadcast %mul3A_1080 : f32 to vector<16xf32>
          %mul3A_1082 = arith.mulf %mul3A_921, %mul3A_1081 : vector<16xf32>
          %add3A_1083 = arith.addf %add3A_1079, %mul3A_1082 : vector<16xf32>
          %swap3A_1084 = arith.constant 60 : i32
          %swap3A_1085 = arith.index_cast %swap3A_1084 : i32 to index
          %swap3A_1086 = arith.index_cast %mul3A_110 : i32 to index
          %swap3A_1087 = tpu.vector_load %arg10[%swap3A_1085, %swap3A_1086] {strides = array<i32>} : memref<81x512xf32, #tpu.memory_space<vmem>>, vector<16xf32>,
          tpu.vector_store %arg10[%swap3A_1085, %swap3A_1086], %add3A_1083 {strides = array<i32>} : memref<81x512xf32, #tpu.memory_space<vmem>>, vector<16xf32>,
          %neg3A_1088 = arith.constant 0.000000e+00 : f32
          %neg3A_1089 = vector.broadcast %neg3A_1088 : f32 to vector<16xf32>
          %neg3A_1090 = arith.subf %neg3A_1089, %mul3A_920 : vector<16xf32>
          %sub3A_1091 = arith.subf %neg3A_1090, %mul3A_928 : vector<16xf32>
          %mul3A_1092 = arith.constant 0.44721359 : f32
          %mul3A_1093 = vector.broadcast %mul3A_1092 : f32 to vector<16xf32>
          %mul3A_1094 = arith.mulf %sub3A_1091, %mul3A_1093 : vector<16xf32>
          %mul3A_1095 = arith.constant 0.774596691 : f32
          %mul3A_1096 = vector.broadcast %mul3A_1095 : f32 to vector<16xf32>
          %mul3A_1097 = arith.mulf %mul3A_924, %mul3A_1096 : vector<16xf32>
          %add3A_1098 = arith.addf %mul3A_1094, %mul3A_1097 : vector<16xf32>
          %swap3A_1099 = arith.constant 61 : i32
          %swap3A_1100 = arith.index_cast %swap3A_1099 : i32 to index
          %swap3A_1101 = arith.index_cast %mul3A_110 : i32 to index
          %swap3A_1102 = tpu.vector_load %arg10[%swap3A_1100, %swap3A_1101] {strides = array<i32>} : memref<81x512xf32, #tpu.memory_space<vmem>>, vector<16xf32>,
          tpu.vector_store %arg10[%swap3A_1100, %swap3A_1101], %add3A_1098 {strides = array<i32>} : memref<81x512xf32, #tpu.memory_space<vmem>>, vector<16xf32>,
          %neg3A_1103 = arith.constant 0.000000e+00 : f32
          %neg3A_1104 = vector.broadcast %neg3A_1103 : f32 to vector<16xf32>
          %neg3A_1105 = arith.subf %neg3A_1104, %mul3A_917 : vector<16xf32>
          %sub3A_1106 = arith.subf %neg3A_1105, %mul3A_931 : vector<16xf32>
          %mul3A_1107 = arith.constant 0.182574183 : f32
          %mul3A_1108 = vector.broadcast %mul3A_1107 : f32 to vector<16xf32>
          %mul3A_1109 = arith.mulf %sub3A_1106, %mul3A_1108 : vector<16xf32>
          %mul3A_1110 = arith.constant 0.632455527 : f32
          %mul3A_1111 = vector.broadcast %mul3A_1110 : f32 to vector<16xf32>
          %mul3A_1112 = arith.mulf %mul3A_925, %mul3A_1111 : vector<16xf32>
          %add3A_1113 = arith.addf %mul3A_1109, %mul3A_1112 : vector<16xf32>
          %mul3A_1114 = arith.constant 0.730296731 : f32
          %mul3A_1115 = vector.broadcast %mul3A_1114 : f32 to vector<16xf32>
          %mul3A_1116 = arith.mulf %mul3A_927, %mul3A_1115 : vector<16xf32>
          %add3A_1117 = arith.addf %add3A_1113, %mul3A_1116 : vector<16xf32>
          %swap3A_1118 = arith.constant 62 : i32
          %swap3A_1119 = arith.index_cast %swap3A_1118 : i32 to index
          %swap3A_1120 = arith.index_cast %mul3A_110 : i32 to index
          %swap3A_1121 = tpu.vector_load %arg10[%swap3A_1119, %swap3A_1120] {strides = array<i32>} : memref<81x512xf32, #tpu.memory_space<vmem>>, vector<16xf32>,
          tpu.vector_store %arg10[%swap3A_1119, %swap3A_1120], %add3A_1117 {strides = array<i32>} : memref<81x512xf32, #tpu.memory_space<vmem>>, vector<16xf32>,
          %neg3A_1122 = arith.constant 0.000000e+00 : f32
          %neg3A_1123 = vector.broadcast %neg3A_1122 : f32 to vector<16xf32>
          %neg3A_1124 = arith.subf %neg3A_1123, %mul3A_920 : vector<16xf32>
          %add3A_1125 = arith.addf %neg3A_1124, %mul3A_928 : vector<16xf32>
          %add3A_1126 = arith.addf %add3A_1125, %mul3A_930 : vector<16xf32>
          %mul3A_1127 = arith.constant 0.577350259 : f32
          %mul3A_1128 = vector.broadcast %mul3A_1127 : f32 to vector<16xf32>
          %mul3A_1129 = arith.mulf %add3A_1126, %mul3A_1128 : vector<16xf32>
          %swap3A_1130 = arith.constant 63 : i32
          %swap3A_1131 = arith.index_cast %swap3A_1130 : i32 to index
          %swap3A_1132 = arith.index_cast %mul3A_110 : i32 to index
          %swap3A_1133 = tpu.vector_load %arg10[%swap3A_1131, %swap3A_1132] {strides = array<i32>} : memref<81x512xf32, #tpu.memory_space<vmem>>, vector<16xf32>,
          tpu.vector_store %arg10[%swap3A_1131, %swap3A_1132], %mul3A_1129 {strides = array<i32>} : memref<81x512xf32, #tpu.memory_space<vmem>>, vector<16xf32>,
          %neg3A_1134 = arith.constant 0.000000e+00 : f32
          %neg3A_1135 = vector.broadcast %neg3A_1134 : f32 to vector<16xf32>
          %neg3A_1136 = arith.subf %neg3A_1135, %mul3A_917 : vector<16xf32>
          %add3A_1137 = arith.addf %neg3A_1136, %mul3A_931 : vector<16xf32>
          %mul3A_1138 = arith.constant 0.707106769 : f32
          %mul3A_1139 = vector.broadcast %mul3A_1138 : f32 to vector<16xf32>
          %mul3A_1140 = arith.mulf %add3A_1137, %mul3A_1139 : vector<16xf32>
          %swap3A_1141 = arith.constant 64 : i32
          %swap3A_1142 = arith.index_cast %swap3A_1141 : i32 to index
          %swap3A_1143 = arith.index_cast %mul3A_110 : i32 to index
          %swap3A_1144 = tpu.vector_load %arg10[%swap3A_1142, %swap3A_1143] {strides = array<i32>} : memref<81x512xf32, #tpu.memory_space<vmem>>, vector<16xf32>,
          tpu.vector_store %arg10[%swap3A_1142, %swap3A_1143], %mul3A_1140 {strides = array<i32>} : memref<81x512xf32, #tpu.memory_space<vmem>>, vector<16xf32>,
          %mul3A_1145 = arith.mulf %get3A_113, %get3A_165 : vector<16xf32>
          %mul3A_1146 = arith.mulf %get3A_113, %get3A_169 : vector<16xf32>
          %mul3A_1147 = arith.mulf %get3A_113, %get3A_173 : vector<16xf32>
          %mul3A_1148 = arith.mulf %get3A_113, %get3A_177 : vector<16xf32>
          %mul3A_1149 = arith.mulf %get3A_113, %get3A_181 : vector<16xf32>
          %swap3A_1150 = arith.constant 21 : i32
          %swap3A_1151 = arith.index_cast %swap3A_1150 : i32 to index
          %swap3A_1152 = arith.index_cast %mul3A_110 : i32 to index
          %swap3A_1153 = tpu.vector_load %arg10[%swap3A_1151, %swap3A_1152] {strides = array<i32>} : memref<81x512xf32, #tpu.memory_space<vmem>>, vector<16xf32>,
          tpu.vector_store %arg10[%swap3A_1151, %swap3A_1152], %mul3A_1145 {strides = array<i32>} : memref<81x512xf32, #tpu.memory_space<vmem>>, vector<16xf32>,
          %swap3A_1154 = arith.constant 22 : i32
          %swap3A_1155 = arith.index_cast %swap3A_1154 : i32 to index
          %swap3A_1156 = arith.index_cast %mul3A_110 : i32 to index
          %swap3A_1157 = tpu.vector_load %arg10[%swap3A_1155, %swap3A_1156] {strides = array<i32>} : memref<81x512xf32, #tpu.memory_space<vmem>>, vector<16xf32>,
          tpu.vector_store %arg10[%swap3A_1155, %swap3A_1156], %mul3A_1146 {strides = array<i32>} : memref<81x512xf32, #tpu.memory_space<vmem>>, vector<16xf32>,
          %swap3A_1158 = arith.constant 23 : i32
          %swap3A_1159 = arith.index_cast %swap3A_1158 : i32 to index
          %swap3A_1160 = arith.index_cast %mul3A_110 : i32 to index
          %swap3A_1161 = tpu.vector_load %arg10[%swap3A_1159, %swap3A_1160] {strides = array<i32>} : memref<81x512xf32, #tpu.memory_space<vmem>>, vector<16xf32>,
          tpu.vector_store %arg10[%swap3A_1159, %swap3A_1160], %mul3A_1147 {strides = array<i32>} : memref<81x512xf32, #tpu.memory_space<vmem>>, vector<16xf32>,
          %swap3A_1162 = arith.constant 24 : i32
          %swap3A_1163 = arith.index_cast %swap3A_1162 : i32 to index
          %swap3A_1164 = arith.index_cast %mul3A_110 : i32 to index
          %swap3A_1165 = tpu.vector_load %arg10[%swap3A_1163, %swap3A_1164] {strides = array<i32>} : memref<81x512xf32, #tpu.memory_space<vmem>>, vector<16xf32>,
          tpu.vector_store %arg10[%swap3A_1163, %swap3A_1164], %mul3A_1148 {strides = array<i32>} : memref<81x512xf32, #tpu.memory_space<vmem>>, vector<16xf32>,
          %swap3A_1166 = arith.constant 25 : i32
          %swap3A_1167 = arith.index_cast %swap3A_1166 : i32 to index
          %swap3A_1168 = arith.index_cast %mul3A_110 : i32 to index
          %swap3A_1169 = tpu.vector_load %arg10[%swap3A_1167, %swap3A_1168] {strides = array<i32>} : memref<81x512xf32, #tpu.memory_space<vmem>>, vector<16xf32>,
          tpu.vector_store %arg10[%swap3A_1167, %swap3A_1168], %mul3A_1149 {strides = array<i32>} : memref<81x512xf32, #tpu.memory_space<vmem>>, vector<16xf32>,
          %mul3A_1170 = arith.mulf %get3A_129, %get3A_149 : vector<16xf32>
          %mul3A_1171 = arith.mulf %get3A_133, %get3A_149 : vector<16xf32>
          %mul3A_1172 = arith.mulf %get3A_137, %get3A_149 : vector<16xf32>
          %mul3A_1173 = arith.mulf %get3A_141, %get3A_149 : vector<16xf32>
          %mul3A_1174 = arith.mulf %get3A_145, %get3A_149 : vector<16xf32>
          %swap3A_1175 = arith.constant 36 : i32
          %swap3A_1176 = arith.index_cast %swap3A_1175 : i32 to index
          %swap3A_1177 = arith.index_cast %mul3A_110 : i32 to index
          %swap3A_1178 = tpu.vector_load %arg10[%swap3A_1176, %swap3A_1177] {strides = array<i32>} : memref<81x512xf32, #tpu.memory_space<vmem>>, vector<16xf32>,
          tpu.vector_store %arg10[%swap3A_1176, %swap3A_1177], %mul3A_1170 {strides = array<i32>} : memref<81x512xf32, #tpu.memory_space<vmem>>, vector<16xf32>,
          %swap3A_1179 = arith.constant 37 : i32
          %swap3A_1180 = arith.index_cast %swap3A_1179 : i32 to index
          %swap3A_1181 = arith.index_cast %mul3A_110 : i32 to index
          %swap3A_1182 = tpu.vector_load %arg10[%swap3A_1180, %swap3A_1181] {strides = array<i32>} : memref<81x512xf32, #tpu.memory_space<vmem>>, vector<16xf32>,
          tpu.vector_store %arg10[%swap3A_1180, %swap3A_1181], %mul3A_1171 {strides = array<i32>} : memref<81x512xf32, #tpu.memory_space<vmem>>, vector<16xf32>,
          %swap3A_1183 = arith.constant 38 : i32
          %swap3A_1184 = arith.index_cast %swap3A_1183 : i32 to index
          %swap3A_1185 = arith.index_cast %mul3A_110 : i32 to index
          %swap3A_1186 = tpu.vector_load %arg10[%swap3A_1184, %swap3A_1185] {strides = array<i32>} : memref<81x512xf32, #tpu.memory_space<vmem>>, vector<16xf32>,
          tpu.vector_store %arg10[%swap3A_1184, %swap3A_1185], %mul3A_1172 {strides = array<i32>} : memref<81x512xf32, #tpu.memory_space<vmem>>, vector<16xf32>,
          %swap3A_1187 = arith.constant 39 : i32
          %swap3A_1188 = arith.index_cast %swap3A_1187 : i32 to index
          %swap3A_1189 = arith.index_cast %mul3A_110 : i32 to index
          %swap3A_1190 = tpu.vector_load %arg10[%swap3A_1188, %swap3A_1189] {strides = array<i32>} : memref<81x512xf32, #tpu.memory_space<vmem>>, vector<16xf32>,
          tpu.vector_store %arg10[%swap3A_1188, %swap3A_1189], %mul3A_1173 {strides = array<i32>} : memref<81x512xf32, #tpu.memory_space<vmem>>, vector<16xf32>,
          %swap3A_1191 = arith.constant 40 : i32
          %swap3A_1192 = arith.index_cast %swap3A_1191 : i32 to index
          %swap3A_1193 = arith.index_cast %mul3A_110 : i32 to index
          %swap3A_1194 = tpu.vector_load %arg10[%swap3A_1192, %swap3A_1193] {strides = array<i32>} : memref<81x512xf32, #tpu.memory_space<vmem>>, vector<16xf32>,
          tpu.vector_store %arg10[%swap3A_1192, %swap3A_1193], %mul3A_1174 {strides = array<i32>} : memref<81x512xf32, #tpu.memory_space<vmem>>, vector<16xf32>,
        }
        %scan3A_104 = arith.constant 32 : i32
        %dma_start3A = arith.constant 0 : i32
        %dma_start3A_105 = tpu.memref_slice %arg4[%dma_start3A, %min3A_86] : memref<81x800000xf32, #tpu.memory_space<hbm>> -> memref<81x512xf32, #tpu.memory_space<hbm>>
        %dma_start3A_106 = arith.constant 0 : i32
        %dma_start3A_107 = tpu.memref_slice %arg4[%dma_start3A_106, %min3A_86] : memref<81x800000xf32, #tpu.memory_space<hbm>> -> memref<81x512xf32, #tpu.memory_space<hbm>>
        tpu.enqueue_dma source(%arg10 : memref<81x512xf32, #tpu.memory_space<vmem>>) target(%dma_start3A_107 : memref<81x512xf32, #tpu.memory_space<hbm>>) target_semaphore(%arg16 : memref<!tpu.dma_semaphore, #tpu.memory_space<semaphore_mem>>)
      } else {
      }
    }
    %scan3A_9 = arith.constant 25 : i32
    %sub3A = arith.constant 1563 : i32
    %sub3A_10 = arith.subi %sub3A, %add3A : i32
    %add3A_11 = arith.constant 32 : i32
    %add3A_12 = arith.addi %sub3A_10, %add3A_11 : i32
    %sub3A_13 = arith.constant 1 : i32
    %sub3A_14 = arith.subi %add3A_12, %sub3A_13 : i32
    %jit3A = arith.constant 32 : i32
    %div3A = arith.divsi %sub3A_14, %jit3A : i32
    %sign3A = arith.constant 0 : i32
    %sign3A_15 = arith.cmpi sgt, %sub3A_14, %sign3A : i32
    %sign3A_16 = arith.extui %sign3A_15 : i1 to i32
    %sign3A_17 = arith.constant 0 : i32
    %sign3A_18 = arith.cmpi slt, %sub3A_14, %sign3A_17 : i32
    %sign3A_19 = arith.extui %sign3A_18 : i1 to i32
    %sign3A_20 = arith.subi %sign3A_16, %sign3A_19 : i32
    %sign3A_21 = arith.constant 0 : i32
    %sign3A_22 = arith.cmpi sgt, %jit3A, %sign3A_21 : i32
    %sign3A_23 = arith.extui %sign3A_22 : i1 to i32
    %sign3A_24 = arith.constant 0 : i32
    %sign3A_25 = arith.cmpi slt, %jit3A, %sign3A_24 : i32
    %sign3A_26 = arith.extui %sign3A_25 : i1 to i32
    %sign3A_27 = arith.subi %sign3A_23, %sign3A_26 : i32
    %ne3A = arith.cmpi ne, %sign3A_20, %sign3A_27 : i32
    %rem3A = arith.remsi %sub3A_14, %jit3A : i32
    %ne3A_28 = arith.constant 0 : i32
    %ne3A_29 = arith.cmpi ne, %rem3A, %ne3A_28 : i32
    %and3A = arith.andi %ne3A, %ne3A_29 : i1
    %sub3A_30 = arith.constant 1 : i32
    %sub3A_31 = arith.subi %div3A, %sub3A_30 : i32
    %select_n3A = arith.select %and3A, %sub3A_31, %div3A : i32
    %ge3A = arith.constant 1 : i32
    %ge3A_32 = arith.cmpi sge, %select_n3A, %ge3A : i32
    %convert_element_type3A_33 = arith.extui %ge3A_32 : i1 to i32
    %cond3A_34 = arith.constant 0 : i32
    %cond3A_35 = arith.cmpi ne, %convert_element_type3A_33, %cond3A_34 : i32
    scf.if %cond3A_35 {
      %sub3A_41 = arith.constant 1 : i32
      %sub3A_42 = arith.subi %select_n3A, %sub3A_41 : i32
      %mul3A_43 = arith.constant 32 : i32
      %mul3A_44 = arith.muli %mul3A_43, %sub3A_42 : i32
      %add3A_45 = arith.addi %add3A, %mul3A_44 : i32
      %mul3A_46 = arith.constant 512 : i32
      %mul3A_47 = arith.muli %add3A_45, %mul3A_46 : i32
      %min3A = arith.constant 799488 : i32
      %min3A_48 = arith.minsi %mul3A_47, %min3A : i32
      %jit3A_49 = arith.constant 2 : i32
      %eq3A = arith.constant 0 : i32
      %eq3A_50 = arith.cmpi eq, %jit3A_49, %eq3A : i32
      %jit3A_51 = arith.constant 1 : i32
      %select_n3A_52 = arith.select %eq3A_50, %jit3A_51, %jit3A_49 : i32
      %rem3A_53 = arith.remsi %sub3A_42, %select_n3A_52 : i32
      %ne3A_54 = arith.constant 0 : i32
      %ne3A_55 = arith.cmpi ne, %rem3A_53, %ne3A_54 : i32
      %lt3A_56 = arith.constant 0 : i32
      %lt3A_57 = arith.cmpi slt, %rem3A_53, %lt3A_56 : i32
      %lt3A_58 = arith.constant 0 : i32
      %lt3A_59 = arith.cmpi slt, %select_n3A_52, %lt3A_58 : i32
      %ne3A_60 = arith.xori %lt3A_57, %lt3A_59 : i1
      %and3A_61 = arith.andi %ne3A_60, %ne3A_55 : i1
      %add3A_62 = arith.addi %rem3A_53, %select_n3A_52 : i32
      %select_n3A_63 = arith.select %and3A_61, %add3A_62, %rem3A_53 : i32
      %eq3A_64 = arith.constant 0 : i32
      %eq3A_65 = arith.cmpi eq, %select_n3A_63, %eq3A_64 : i32
      %convert_element_type3A_66 = arith.extui %eq3A_65 : i1 to i32
      %cond3A_67 = arith.constant 0 : i32
      %cond3A_68 = arith.cmpi ne, %convert_element_type3A_66, %cond3A_67 : i32
      scf.if %cond3A_68 {
        %dma_wait3A = arith.constant 0 : i32
        %dma_wait3A_90 = tpu.memref_slice %arg4[%dma_wait3A, %min3A_48] : memref<81x800000xf32, #tpu.memory_space<hbm>> -> memref<81x512xf32, #tpu.memory_space<hbm>>
        %dma_wait3A_91 = arith.constant 0 : i32
        %dma_wait3A_92 = tpu.memref_slice %arg4[%dma_wait3A_91, %min3A_48] : memref<81x800000xf32, #tpu.memory_space<hbm>> -> memref<81x512xf32, #tpu.memory_space<hbm>>
        tpu.wait_dma2 semaphore(%arg15 : memref<!tpu.dma_semaphore, #tpu.memory_space<semaphore_mem>>) src(%arg9 : memref<81x512xf32, #tpu.memory_space<vmem>>) dst(%dma_wait3A_92 : memref<81x512xf32, #tpu.memory_space<hbm>>)
      } else {
      }
      %jit3A_69 = arith.constant 2 : i32
      %eq3A_70 = arith.constant 0 : i32
      %eq3A_71 = arith.cmpi eq, %jit3A_69, %eq3A_70 : i32
      %jit3A_72 = arith.constant 1 : i32
      %select_n3A_73 = arith.select %eq3A_71, %jit3A_72, %jit3A_69 : i32
      %rem3A_74 = arith.remsi %sub3A_42, %select_n3A_73 : i32
      %ne3A_75 = arith.constant 0 : i32
      %ne3A_76 = arith.cmpi ne, %rem3A_74, %ne3A_75 : i32
      %lt3A_77 = arith.constant 0 : i32
      %lt3A_78 = arith.cmpi slt, %rem3A_74, %lt3A_77 : i32
      %lt3A_79 = arith.constant 0 : i32
      %lt3A_80 = arith.cmpi slt, %select_n3A_73, %lt3A_79 : i32
      %ne3A_81 = arith.xori %lt3A_78, %lt3A_80 : i1
      %and3A_82 = arith.andi %ne3A_81, %ne3A_76 : i1
      %add3A_83 = arith.addi %rem3A_74, %select_n3A_73 : i32
      %select_n3A_84 = arith.select %and3A_82, %add3A_83, %rem3A_74 : i32
      %eq3A_85 = arith.constant 1 : i32
      %eq3A_86 = arith.cmpi eq, %select_n3A_84, %eq3A_85 : i32
      %convert_element_type3A_87 = arith.extui %eq3A_86 : i1 to i32
      %cond3A_88 = arith.constant 0 : i32
      %cond3A_89 = arith.cmpi ne, %convert_element_type3A_87, %cond3A_88 : i32
      scf.if %cond3A_89 {
        %dma_wait3A = arith.constant 0 : i32
        %dma_wait3A_90 = tpu.memref_slice %arg4[%dma_wait3A, %min3A_48] : memref<81x800000xf32, #tpu.memory_space<hbm>> -> memref<81x512xf32, #tpu.memory_space<hbm>>
        %dma_wait3A_91 = arith.constant 0 : i32
        %dma_wait3A_92 = tpu.memref_slice %arg4[%dma_wait3A_91, %min3A_48] : memref<81x800000xf32, #tpu.memory_space<hbm>> -> memref<81x512xf32, #tpu.memory_space<hbm>>
        tpu.wait_dma2 semaphore(%arg16 : memref<!tpu.dma_semaphore, #tpu.memory_space<semaphore_mem>>) src(%arg10 : memref<81x512xf32, #tpu.memory_space<vmem>>) dst(%dma_wait3A_92 : memref<81x512xf32, #tpu.memory_space<hbm>>)
      } else {
      }
    } else {
    }
    %ge3A_36 = arith.constant 2 : i32
    %ge3A_37 = arith.cmpi sge, %select_n3A, %ge3A_36 : i32
    %convert_element_type3A_38 = arith.extui %ge3A_37 : i1 to i32
    %cond3A_39 = arith.constant 0 : i32
    %cond3A_40 = arith.cmpi ne, %convert_element_type3A_38, %cond3A_39 : i32
    scf.if %cond3A_40 {
      %sub3A_41 = arith.constant 2 : i32
      %sub3A_42 = arith.subi %select_n3A, %sub3A_41 : i32
      %mul3A_43 = arith.constant 32 : i32
      %mul3A_44 = arith.muli %mul3A_43, %sub3A_42 : i32
      %add3A_45 = arith.addi %add3A, %mul3A_44 : i32
      %mul3A_46 = arith.constant 512 : i32
      %mul3A_47 = arith.muli %add3A_45, %mul3A_46 : i32
      %min3A = arith.constant 799488 : i32
      %min3A_48 = arith.minsi %mul3A_47, %min3A : i32
      %jit3A_49 = arith.constant 2 : i32
      %eq3A = arith.constant 0 : i32
      %eq3A_50 = arith.cmpi eq, %jit3A_49, %eq3A : i32
      %jit3A_51 = arith.constant 1 : i32
      %select_n3A_52 = arith.select %eq3A_50, %jit3A_51, %jit3A_49 : i32
      %rem3A_53 = arith.remsi %sub3A_42, %select_n3A_52 : i32
      %ne3A_54 = arith.constant 0 : i32
      %ne3A_55 = arith.cmpi ne, %rem3A_53, %ne3A_54 : i32
      %lt3A_56 = arith.constant 0 : i32
      %lt3A_57 = arith.cmpi slt, %rem3A_53, %lt3A_56 : i32
      %lt3A_58 = arith.constant 0 : i32
      %lt3A_59 = arith.cmpi slt, %select_n3A_52, %lt3A_58 : i32
      %ne3A_60 = arith.xori %lt3A_57, %lt3A_59 : i1
      %and3A_61 = arith.andi %ne3A_60, %ne3A_55 : i1
      %add3A_62 = arith.addi %rem3A_53, %select_n3A_52 : i32
      %select_n3A_63 = arith.select %and3A_61, %add3A_62, %rem3A_53 : i32
      %eq3A_64 = arith.constant 0 : i32
      %eq3A_65 = arith.cmpi eq, %select_n3A_63, %eq3A_64 : i32
      %convert_element_type3A_66 = arith.extui %eq3A_65 : i1 to i32
      %cond3A_67 = arith.constant 0 : i32
      %cond3A_68 = arith.cmpi ne, %convert_element_type3A_66, %cond3A_67 : i32
      scf.if %cond3A_68 {
        %dma_wait3A = arith.constant 0 : i32
        %dma_wait3A_90 = tpu.memref_slice %arg4[%dma_wait3A, %min3A_48] : memref<81x800000xf32, #tpu.memory_space<hbm>> -> memref<81x512xf32, #tpu.memory_space<hbm>>
        %dma_wait3A_91 = arith.constant 0 : i32
        %dma_wait3A_92 = tpu.memref_slice %arg4[%dma_wait3A_91, %min3A_48] : memref<81x800000xf32, #tpu.memory_space<hbm>> -> memref<81x512xf32, #tpu.memory_space<hbm>>
        tpu.wait_dma2 semaphore(%arg15 : memref<!tpu.dma_semaphore, #tpu.memory_space<semaphore_mem>>) src(%arg9 : memref<81x512xf32, #tpu.memory_space<vmem>>) dst(%dma_wait3A_92 : memref<81x512xf32, #tpu.memory_space<hbm>>)
      } else {
      }
      %jit3A_69 = arith.constant 2 : i32
      %eq3A_70 = arith.constant 0 : i32
      %eq3A_71 = arith.cmpi eq, %jit3A_69, %eq3A_70 : i32
      %jit3A_72 = arith.constant 1 : i32
      %select_n3A_73 = arith.select %eq3A_71, %jit3A_72, %jit3A_69 : i32
      %rem3A_74 = arith.remsi %sub3A_42, %select_n3A_73 : i32
      %ne3A_75 = arith.constant 0 : i32
      %ne3A_76 = arith.cmpi ne, %rem3A_74, %ne3A_75 : i32
      %lt3A_77 = arith.constant 0 : i32
      %lt3A_78 = arith.cmpi slt, %rem3A_74, %lt3A_77 : i32
      %lt3A_79 = arith.constant 0 : i32
      %lt3A_80 = arith.cmpi slt, %select_n3A_73, %lt3A_79 : i32
      %ne3A_81 = arith.xori %lt3A_78, %lt3A_80 : i1
      %and3A_82 = arith.andi %ne3A_81, %ne3A_76 : i1
      %add3A_83 = arith.addi %rem3A_74, %select_n3A_73 : i32
      %select_n3A_84 = arith.select %and3A_82, %add3A_83, %rem3A_74 : i32
      %eq3A_85 = arith.constant 1 : i32
      %eq3A_86 = arith.cmpi eq, %select_n3A_84, %eq3A_85 : i32
      %convert_element_type3A_87 = arith.extui %eq3A_86 : i1 to i32
      %cond3A_88 = arith.constant 0 : i32
      %cond3A_89 = arith.cmpi ne, %convert_element_type3A_87, %cond3A_88 : i32
      scf.if %cond3A_89 {
        %dma_wait3A = arith.constant 0 : i32
        %dma_wait3A_90 = tpu.memref_slice %arg4[%dma_wait3A, %min3A_48] : memref<81x800000xf32, #tpu.memory_space<hbm>> -> memref<81x512xf32, #tpu.memory_space<hbm>>
        %dma_wait3A_91 = arith.constant 0 : i32
        %dma_wait3A_92 = tpu.memref_slice %arg4[%dma_wait3A_91, %min3A_48] : memref<81x800000xf32, #tpu.memory_space<hbm>> -> memref<81x512xf32, #tpu.memory_space<hbm>>
        tpu.wait_dma2 semaphore(%arg16 : memref<!tpu.dma_semaphore, #tpu.memory_space<semaphore_mem>>) src(%arg10 : memref<81x512xf32, #tpu.memory_space<vmem>>) dst(%dma_wait3A_92 : memref<81x512xf32, #tpu.memory_space<hbm>>)
      } else {
      }
    } else {
    }
    return
  }
}

</mosaic_0001>

<sc_bundles>
// kernel: kernel.3.cloned.1.call-start
scs
__scs_entry_jumppad:
0x0: {  	(pc) =	sbr.rel $0x88, $3  }
0x1: {  	(tag) =	ssettag $0x0;
	lr =	simm.s32 $0x1  }
0x2: {  	[smem:$0x3F9F] =	sst lr;
	_ =	strace $0xD0000000  }
0x3: {  	_ = 	snop  }
0x4: {  	_ = 	snop  }
0x5: {  	_ = 	snop  }
0x6: {  	_ = 	snop  }
0x7: {  	_ = 	snop  }
__scs_overlays_trampoline_lowered:
0x8: {  	[smem:$0x3FAE] =	sst s0  }
0x9: {  	[smem:$0x3FAF] =	sst s1  }
0xa: {  	[smem:$0x3FB0] =	sst s2  }
0xb: {  	[smem:$0x3FB1] =	sst s3  }
0xc: {  	[smem:$0x3FB2] =	sst s4  }
0xd: {  	[smem:$0x3FB3] =	sst s5  }
0xe: {  	[smem:$0x3FB4] =	sst s6  }
0xf: {  	[smem:$0x3FB5] =	sst s7  }
0x10: {  	[smem:$0x3FB6] =	sst s8  }
0x11: {  	[smem:$0x3FB7] =	sst s9;
	s0 =	simm.s32 @!p0 $0x0  }
0x12: {  	s1 =	sld [smem:$0x3F9D];
	s0 =	simm.s32 @p0 $0x1  }
0x13: {  	[smem:$0x3FB8] =	sst s0;
	s0 =	simm.s32 @!p1 $0x0  }
0x14: {  	s2 =	sld [smem:$0x3F9C];
	s0 =	simm.s32 @p1 $0x1  }
0x15: {  	[smem:$0x3FB9] =	sst s0;
	s0 =	simm.s32 @!p2 $0x0  }
0x16: {  	s3 =	sld [smem:$0x3FDB];
	s0 =	simm.s32 @p2 $0x1  }
0x17: {  	s4 =	simm.s32 $0x1BF5;
	[smem:$0x3FBB] =	sst s0  }
0x18: {  	s0 =	sld [smem:$0x3F9E];
	_ =	swait.ge [sflag:s4], $0x0  }
0x19: {  	s7 =	sld [smem:$0x3F9F]  }
0x1a: {  	s8 =	sadd.s32 $0xFFFFE003, lr  }
0x1b: {  	s9 =	sadd.s32 $0xFFFFFEF7, lr;
	s5 =	simm.s32 $0xFFFFFFFF;
	p2 =	slt.u32 s8, $0xFFFFF086  }
0x1c: {  	p1 =	slt.u32 s9, $0xF7A;
	s5 =	simm.s32 @!p2 $0x0  }
0x1d: {  	s5 =	simm.s32 @p1 $0x1;
	p0 =	seq.s32 s7, s2  }
0x1e: {  	s7 =	smul.u32 @!p0 $0xF7A, s2;
	p2 =	seq.s32 @!p0 s5, $0x0  }
0x1f: {  	s9 =	smul.u32 $0xF7A, s1;
	s8 =	simm.s32 @!p0 $0x1BF5;
	p2 =	por !p2, p0  }
0x20: {  	[sflag:s8] =	ssyncset.s32 @!p0 $0xFFFFF086;
	s6 =	sadd.s32 @!p0 s3, s7;
	s7 =	simm.s32 @!p0 $0x108  }
0x21: {  	s3 =	sadd.s32 s3, s9;
	s6 =	sadd.s32 @!p0 $0x88, s6;
	s7 =	simm.s32 @p2 $0x1082  }
0x22: {  	[simem:s7], [sflag:s8] =	dma.local @!p0 [hbm:s6], $0xF7A  }
0x23: {  	s9 =	sor.u32 $0xD0000000, s2;
	s6 =	simm.s32 $0x108;
	_ =	swait.ge @!p0 [sflag:s8], $0x0  }
0x24: {  	s3 =	sadd.s32 $0x88, s3;
	s6 =	simm.s32 @!p1 $0x1082;
	[sflag:s4] =	ssyncset.s32 $0xFFFFF086  }
0x25: {  	[simem:s6], [sflag:s4] =	dma.local [hbm:s3], $0xF7A  }
0x26: {  	[smem:$0x3F9F] =	sst s1;
	(tag) =	ssettag s2;
	_ =	strace s9  }
0x27: {  	s1 =	sld [smem:$0x3FAF]  }
0x28: {  	s2 =	sld [smem:$0x3FB0]  }
0x29: {  	s4 =	sld [smem:$0x3FB2]  }
0x2a: {  	p0 =	seq.s32 s5, $0x0;
	s5 =	sld [smem:$0x3FB3]  }
0x2b: {  	s6 =	sld [smem:$0x3FB4]  }
0x2c: {  	s7 =	sld [smem:$0x3FB5]  }
0x2d: {  	s3 =	simm.s32 $0x108;
	s8 =	sld [smem:$0x3FB6]  }
0x2e: {  	s3 =	simm.s32 @!p0 $0x1082;
	s9 =	sld [smem:$0x3FB7]  }
0x2f: {  	lr =	sadd.s32 s0, s3;
	s0 =	sld [smem:$0x3FAE]  }
0x30: {  	s3 =	sld [smem:$0x3FB1]  }
0x31: {  	[smem:$0x3FBA] =	sst s10  }
0x32: {  	s10 =	sld [smem:$0x3FB8];
	_ =	sdelay $0x3  }
0x33: {  	p0 =	seq.s32 s10, $0x1;
	s10 =	sld [smem:$0x3FBA];
	_ =	sdelay $0x3  }
0x34: {  	[smem:$0x3FBA] =	sst s10  }
0x35: {  	s10 =	sld [smem:$0x3FB9];
	_ =	sdelay $0x3  }
0x36: {  	p1 =	seq.s32 s10, $0x1;
	s10 =	sld [smem:$0x3FBA];
	_ =	sdelay $0x3  }
0x37: {  	[smem:$0x3FBA] =	sst s10  }
0x38: {  	s10 =	sld [smem:$0x3FBB]  }
0x39: {  	_ = 	snop;
	(pc) =	sbr.ind lr, $3  }
0x3a: {  	_ = 	snop  }
0x3b: {  	_ = 	snop  }
0x3c: {  	p2 =	seq.s32 s10, $0x1;
	s10 =	sld [smem:$0x3FBA]  }
0x3d: {  	_ =	shalt  }
0x3e: {  	_ =	shalt  }
0x3f: {  	_ =	shalt  }
0x40: {  	_ =	shalt  }
0x41: {  	_ =	shalt  }
0x42: {  	_ =	shalt  }
0x43: {  	_ =	shalt  }
0x44: {  	_ =	shalt  }
0x45: {  	_ =	shalt  }
0x46: {  	_ =	shalt  }
0x47: {  	_ =	shalt  }
0x48: {  	_ =	shalt  }
0x49: {  	_ =	shalt  }
0x4a: {  	_ =	shalt  }
0x4b: {  	_ =	shalt  }
0x4c: {  	_ =	shalt  }
0x4d: {  	_ =	shalt  }
0x4e: {  	_ =	shalt  }
0x4f: {  	_ =	shalt  }
0x50: {  	_ =	shalt  }
0x51: {  	_ =	shalt  }
0x52: {  	_ =	shalt  }
0x53: {  	_ =	shalt  }
0x54: {  	_ =	shalt  }
0x55: {  	_ =	shalt  }
0x56: {  	_ =	shalt  }
0x57: {  	_ =	shalt  }
0x58: {  	_ =	shalt  }
0x59: {  	_ =	shalt  }
0x5a: {  	_ =	shalt  }
0x5b: {  	_ =	shalt  }
0x5c: {  	_ =	shalt  }
0x5d: {  	_ =	shalt  }
0x5e: {  	_ =	shalt  }
0x5f: {  	_ =	shalt  }
0x60: {  	_ =	shalt  }
0x61: {  	_ =	shalt  }
0x62: {  	_ =	shalt  }
0x63: {  	_ =	shalt  }
0x64: {  	_ =	shalt  }
0x65: {  	_ =	shalt  }
0x66: {  	_ =	shalt  }
0x67: {  	_ =	shalt  }
0x68: {  	_ =	shalt  }
0x69: {  	_ =	shalt  }
0x6a: {  	_ =	shalt  }
0x6b: {  	_ =	shalt  }
0x6c: {  	_ =	shalt  }
0x6d: {  	_ =	shalt  }
0x6e: {  	_ =	shalt  }
0x6f: {  	_ =	shalt  }
0x70: {  	_ =	shalt  }
0x71: {  	_ =	shalt  }
0x72: {  	_ =	shalt  }
0x73: {  	_ =	shalt  }
0x74: {  	_ =	shalt  }
0x75: {  	_ =	shalt  }
0x76: {  	_ =	shalt  }
0x77: {  	_ =	shalt  }
0x78: {  	_ =	shalt  }
0x79: {  	_ =	shalt  }
0x7a: {  	_ =	shalt  }
0x7b: {  	_ =	shalt  }
0x7c: {  	_ =	shalt  }
0x7d: {  	_ =	shalt  }
0x7e: {  	_ =	shalt  }
0x7f: {  	_ =	shalt  }
0x80: {  	_ =	shalt  }
0x81: {  	_ =	shalt  }
0x82: {  	_ =	shalt  }
0x83: {  	_ =	shalt  }
0x84: {  	_ =	shalt  }
0x85: {  	_ =	shalt  }
0x86: {  	_ =	shalt  }
0x87: {  	_ =	shalt  }
.Lfunc_end0:
.L_simem_size_0:
called_computation_lowered:
.L_overlay_start_0:
0x88: {  	s2 =	sld [smem:$0x3FD9]  }
0x89: {  	s3 =	sld [smem:$0x3FFE];
	_ =	sdelay $0x1  }
0x8a: {  	s1 =	srdreg.scid  }
0x8b: {  	s0 =	sand.u32 $0x1, s1  }
0x8c: {  	s18 =	sshll.u32 s0, $0xA;
	s2 =	sadd.s32 s3, s2  }
0x8d: {  	s2 =	sadd.s32 s2, s18  }
0x8e: {  	[smem:$0x3FC6] =	sst s2  }
0x8f: {  	_ = 	snop  }
0x90: {  	s2 =	sld [smem:$0x3FC9]  }
0x91: {  	s19 =	sld [smem:$0x3FC8]  }
0x92: {  	s4 =	sld [smem:$0x3FD0];
	(tm) =	ssettm $0x1  }
0x93: {  	s5 =	sld [smem:$0x3FFB];
	_ =	sdelay $0x3  }
0x94: {  	_ =	strace s5  }
0x95: {  	s5 =	sld [smem:$0x3FFC];
	_ =	sdelay $0x3  }
0x96: {  	_ =	strace s5  }
0x97: {  	s5 =	sld [smem:$0x3FFD];
	_ =	sdelay $0x3  }
0x98: {  	_ =	strace s5  }
0x99: {  	_ =	strace $0x8FFFFFFF  }
0x9a: {  	s20 =	sld [smem:$0x3FDB];
	_ =	sdelay $0x1  }
0x9b: {  	s6 =	simm.s32 $_scs_section_size  }
0x9c: {  	s7 =	simm.s32 $_size__tile_overlayer_lowered;
	s8 =	simm.s32 $_tile_overlayer_lowered  }
0x9d: {  	s23 =	simm.s32 $0x1BFF;
	s22 =	sshll.u32 s8, $0x1;
	s5 =	sadd.s32 s6, s20  }
0x9e: {  	s9 =	simm.s32 $0x0;
	s21 =	sshll.u32 s7, $0x1;
	s7 =	sadd.s32 s22, s5  }
0x9f: {  	[timem:s9], [sflag:s23] =	dma.local [hbm:s7], s21  }
0xa0: {  	_ =	swait.ge [sflag:s23], s21  }
0xa1: {  	s6 =	ssub.s32 $0x0, s21;
	[sflag:s23] =	ssyncset.done $0x0  }
0xa2: {  	[sflag:s23] =	ssyncadd.s32 s6;
	_ =	sdelay $0x1  }
0xa3: {  	s24 =	simm.s32 $0x1B8B  }
0xa4: {  	_ =	swait.ge [sflag:s24], $0x1  }
0xa5: {  	[sflag:s24] =	ssyncset.done $0x0  }
0xa6: {  	s25 =	simm.s32 $0x1B8E;
	[sflag:s24] =	ssyncadd.s32 $0xFFFFFFFF  }
0xa7: {  	s26 =	simm.s32 $execute0_lowered;
	[smem:$0x3FD2] =	sst s25  }
0xa8: {  	s6 =	sshll.u32 s26, $0x1;
	_ =	strace $0x80000046;
	[dreg:$0x1] =	wrdreg $0xFFFFFFFF  }
0xa9: {  	s28 =	simm.s32 $_size_execute0_lowered;
	s5 =	sadd.s32 s5, s6;
	[dreg:$0x0] =	wrdreg $0x0  }
0xaa: {  	s6 =	sshll.u32 s28, $0x1;
	[dreg:$0x2] =	wrdreg s5  }
0xab: {  	[dreg:$0x3] =	wrdreg s6  }
0xac: {  	[dreg:$0x4] =	wrdreg $0xC0  }
0xad: {  	_ =	task [dreg:s9], $0x5FFFF  }
0xae: {  	[dreg:$0x1] =	wrdreg $0xFFFFFFFF  }
0xaf: {  	[dreg:$0x0] =	wrdreg $0x60  }
0xb0: {  	[dreg:$0x2] =	wrdreg s2  }
0xb1: {  	[dreg:$0x3] =	wrdreg s19  }
0xb2: {  	[dreg:$0x4] =	wrdreg s4  }
0xb3: {  	[dreg:$0x5] =	wrdreg $0x9  }
0xb4: {  	_ =	task.clear_ibuf [dreg:s9], $0x6FFFF;
	_ =	strace $0x90000046  }
0xb5: {  	s29 =	simm.s32 $0x9;
	_ =	strace $0x80000048  }
0xb6: {  	_ =	swait.ge [sflag:s29], $0x1  }
0xb7: {  	[sflag:s29] =	ssyncadd.s32 $0xFFFFFFFF  }
0xb8: {  	_ =	strace $0x90000048  }
0xb9: {  	_ =	sfence  }
0xba: {  	s30 =	sld [smem:$0x0];
	_ =	sdelay $0x2  }
0xbb: {  	s31 =	sshll.u32 s1, $0xD;
	s1 =	sshrl.u32 s1, $0x2  }
0xbc: {  	s3 =	sand.u32 $0x4000, s31;
	s1 =	sadd.s32 s1, s30  }
0xbd: {  	s0 =	sor.u32 s3, s0;
	s1 =	sshll.u32 s1, $0x11  }
0xbe: {  	s0 =	sor.u32 s1, s0  }
0xbf: {  	s0 =	sadd.s32 $0x8F2B, s0  }
0xc0: {  	[sflag:s0] =	ssyncadd.remote.s32 $0x1  }
0xc1: {  	_ =	sfence.sel $0xFFFF  }
0xc2: {  	[dreg:$0x0] =	wrdreg $0xFFFFFFFF;
	(pc) =	sbr.abs _section_cstart, $3  }
0xc3: {  	[dreg:$0x1] =	wrdreg $0xFFFFFFFF  }
0xc4: {  	_ =	task.clear_ibuf [dreg:s9], $0x2FFFF;
	_ =	strace $0x9FFFFFFF  }
0xc5: {  	(tm) =	ssettm $0x7FFFFFFF  }
tec
execute0_lowered:
.L_overlay_start_1:
0x0: {  	(tag) =	ssettag $0x1  }
0x1: {  	s2 =	rddreg [dreg:$0x0]  }
0x2: {  	s3 =	rddreg [dreg:$0x1]  }
0x3: {  	s4 =	rddreg [dreg:$0x2]  }
0x4: {  	s0 =	srdreg.scid;
	s1 =	stileid.u32  }
0x5: {  	s5 =	simm.s32 $0x0;
	s11 =	simm.s32 $0x6;
	s12 =	simm.s32 $0x5  }
0x6: {  	s13 =	simm.s32 $0x1000;
	s14 =	simm.s32 $0x61A800;
	s15 =	simm.s32 $0x4000  }
0x7: {  	s16 =	simm.s32 $0x1;
	s17 =	simm.s32 $0x3;
	s18 =	simm.s32 $0x8000  }
0x8: {  	s19 =	simm.s32 $0x2;
	s20 =	simm.s32 $0x4;
	s21 =	simm.s32 $0x13000  }
0x9: {  	s22 =	simm.s32 $0x0;
	s0 =	sand.u32 $0x1, s0;
	s6 =	sshll.u32 s1, $0x1  }
.Ltmp0:
0xa: {  	[smem:$0x7FF] =	sst s5;
	s7 =	ssub.s32 $0x2, s0;
	(pc) =	sbr.rel .LBB2_1-.Ltmp0, $4  }
0xb: {  	s6 =	sor.u32 s0, s6;
	_ =	strace $0x80000047;
	s31 =	sshrl.u32 s7, $0x1  }
0xc: {  	s8 =	sshll.u32 s6, $0x9;
	s9 =	sor.u32 $0x40, s6;
	p0 =	sgt.u32 s6, $0x1A  }
0xd: {  	s0 =	ssub.s32 s7, s31;
	s7 =	sadd.s32 s2, s8;
	s8 =	sadd.s32 s3, s8  }
0xe: {  	s11 =	simm.s32 @!p0 $0x5;
	s12 =	simm.s32 @!p0 $0x6;
	s10 =	smax.u32 s0, $0x1  }
.LBB2_11:
0xf: {  	s22 =	sadd.s32 $0x1, s22  }
0x10: {  	_ =	swait.ge [sflag:s11], $0xB000;
	p0 =	sne.s32 s22, s10  }
.Ltmp1:
0x11: {  	[sflag:s11] =	ssyncset.done $0x0;
	(pc) =	sbr.rel @!p0 .LBB2_12-.Ltmp1, $4  }
0x12: {  	[sflag:s11] =	ssyncadd.s32 $0xFFFF5000  }
0x13: {  	_ =	swait.ge [sflag:s12], $0xB000  }
0x14: {  	[sflag:s12] =	ssyncset.done $0x0  }
0x15: {  	[sflag:s12] =	ssyncadd.s32 $0xFFFF5000  }
.LBB2_1:
.Ltmp2:
0x16: {  	(pc) =	sbr.rel .LBB2_2-.Ltmp2, $4  }
0x17: {  	_ = 	snop  }
0x18: {  	[tilespmem:s5], [sflag:$0x1] =	stream.strided.gather [hbm4b:s7+s13], $0x2000, s14, s13, $0x38;
	[tilespmem:$0x1E000] =	vst v63  }
0x19: {  	s23 =	simm.s32 $0x0  }
0x1a: {  	[tilespmem:s15], [sflag:$0x3] =	stream.strided.gather [hbm4b:s8+s13], $0x2000, s14, s13, $0x38;
	[tilespmem:$0x1E000] =	vst v63  }
.LBB2_10:
0x1b: {  	s23 =	sadd.s32 $0x1, s23  }
0x1c: {  	p0 =	sne.s32 s23, $0x19  }
.Ltmp3:
0x1d: {  	_ = 	snop;
	(pc) =	sbr.rel @!p0 .LBB2_11-.Ltmp3, $1  }
0x1e: {  	_ =	sdelay $0x3  }
.LBB2_2:
0x1f: {  	s25 =	sshll.u32 s23, $0x6  }
0x20: {  	s0 =	sor.u32 s6, s25  }
0x21: {  	s24 =	sor.u32 $0x20, s0  }
0x22: {  	p0 =	sgt.u32 s24, $0x61A  }
0x23: {  	p1 =	sgt.u32 s0, $0x61A;
	s26 =	sshll.u32 @!p0 s24, $0x9  }
.Ltmp4:
0x24: {  	s29 =	simm.s32 @!p0 $0x1000;
	s26 =	smin.u32 @!p0 s26, $0xC3300;
	(pc) =	sbr.rel @p1 .LBB2_6-.Ltmp4, $4  }
0x25: {  	s30 =	simm.s32 @!p0 $0x61A800;
	s31 =	simm.s32 @!p0 $0x2000;
	s28 =	sadd.s32 @!p0 s2, s26  }
0x26: {  	[tilespmem:s31], [sflag:$0x2] =	stream.strided.gather @!p0 [hbm4b:s28+s29], $0x2000, s30, s29, $0x38;
	[tilespmem:$0x1E000] =	vst v63  }
0x27: {  	s26 =	sadd.s32 @!p0 s3, s26;
	s28 =	simm.s32 @!p0 $0x6000  }
0x28: {  	[tilespmem:s28], [sflag:$0x4] =	stream.strided.gather @!p0 [hbm4b:s26+s29], $0x2000, s30, s29, $0x38;
	[tilespmem:$0x1E000] =	vst v63  }
0x29: {  	_ =	swait.ge [sflag:s16], $0x2000  }
0x2a: {  	[sflag:s16] =	ssyncset.done $0x0  }
0x2b: {  	[sflag:s16] =	ssyncadd.s32 $0xFFFFE000  }
0x2c: {  	_ =	swait.ge [sflag:s17], $0x2000  }
0x2d: {  	p1 =	seq.s32 s23, $0x0;
	[sflag:s17] =	ssyncset.done $0x0  }
0x2e: {  	s28 =	simm.s32 @!p1 $0x5;
	[sflag:s17] =	ssyncadd.s32 $0xFFFFE000  }
0x2f: {  	_ =	swait.ge @!p1 [sflag:s28], $0xB000  }
0x30: {  	s0 =	sshll.u32 s0, $0x9;
	s29 =	simm.s32 $0x0;
	[sflag:s28] =	ssyncset.done @!p1 $0x0  }
0x31: {  	s26 =	smin.u32 s0, $0xC3300;
	[sflag:s28] =	ssyncadd.s32 @!p1 $0xFFFF5000;
	s28 =	simm.s32 $0x0  }
.LBB2_4:
0x32: {  	s0 =	sand.u32 $0x70, s29;
	s31 =	sand.u32 $0xC00, s28  }
0x33: {  	s30 =	sor.u32 s0, s31  }
0x34: {  	v17 =	vld [tilespmem:s30+$0x80]  }
0x35: {  	v16 =	vld [tilespmem:s30+$0x100]  }
0x36: {  	v11 =	vld [tilespmem:s30+$0x4080]  }
0x37: {  	v10 =	vld [tilespmem:s30+$0x4100]  }
0x38: {  	v30 =	vld [tilespmem:s30+$0x200]  }
0x39: {  	v32 =	vld [tilespmem:s30+$0x280]  }
0x3a: {  	v29 =	vld [tilespmem:s30+$0x4200]  }
0x3b: {  	v28 =	vld [tilespmem:s30+$0x4280]  }
0x3c: {  	s31 =	sor.u32 s31, s29;
	v7 =	vld [tilespmem:s30+$0x5000]  }
0x3d: {  	s0 =	sor.u32 $0x180, s31;
	v5 =	vld [tilespmem:s30+$0x4300]  }
0x3e: {  	v12 =	vld [tilespmem:s0+$0x4000];
	v4 =	vmul.f32 v11, v17  }
0x3f: {  	v15 =	vld [tilespmem:s0+$0x0];
	v13 =	vmul.f32 v10, v17;
	v14 =	vmul.f32 v10, v16  }
0x40: {  	s31 =	sor.u32 s28, s29;
	v27 =	vmul.f32 v11, v16;
	v31 =	vmul.f32 v28, v30  }
0x41: {  	s31 =	sor.u32 $0x380, s31;
	v24 =	vmul.f32 v29, v32;
	v36 =	vmul.f32 v7, v30  }
0x42: {  	v6 =	vld [tilespmem:s31+$0x4000];
	v37 =	vmul.f32 v5, v32;
	v54 =	vmul.f32 v29, v30  }
0x43: {  	v55 =	vmul.f32 v5, v30;
	v18 =	vmul.f32 v12, v17  }
0x44: {  	v21 =	vmul.f32 v12, v16;
	v22 =	vmul.f32 v12, v15;
	v8 =	vadd.f32 v14, v4  }
0x45: {  	v25 =	vld [tilespmem:s31+$0x0];
	v19 =	vmul.f32 v11, v15;
	v23 =	vsub.f32 $0.0e+00, v4;
	v57 =	vsub.f32 v13, v27  }
0x46: {  	v26 =	vmul.f32 v10, v15;
	v58 =	vsub.f32 $0.0e+00, v31;
	v13 =	vadd.f32 v13, v27  }
0x47: {  	v34 =	vmul.f32 v6, v30;
	v46 =	vsub.f32 $0.0e+00, v36;
	v9 =	vsub.f32 $0.0e+00, v18  }
0x48: {  	v38 =	vmul.f32 v6, v32;
	v0 =	vsub.f32 v21, v26;
	v35 =	vadd.f32 v18, v19  }
0x49: {  	v27 =	vmul.f32 v7, v32;
	v26 =	vadd.f32 v21, v26;
	v4 =	vadd.f32 v22, v8  }
0x4a: {  	v61 =	vmul.f32 v28, v25;
	v20 =	vsub.f32 v23, v22;
	v59 =	vadd.f32 v58, v24  }
0x4b: {  	v14 =	vmul.f32 $8.164966110e-01, v14;
	v43 =	vadd.f32 v27, v34;
	v45 =	vsub.f32 $0.0e+00, v38  }
0x4c: {  	v42 =	vmul.f32 v5, v25;
	v52 =	vadd.f32 v22, v23;
	v38 =	vadd.f32 v38, v61  }
0x4d: {  	v8 =	vld [tilespmem:s30+$0x300];
	[tilespmem:$0x1FFC0] =	vst v57;
	v57 =	vmul.f32 v6, v25;
	v56 =	vadd.f32 v9, v19;
	v35 =	vmul.f32 $7.071067690e-01, v35  }
0x4e: {  	[tilespmem:$0x1FFA0] =	vst v0;
	v0 =	vsub.f32 $0.0e+00, v55;
	v26 =	vmul.f32 $7.071067690e-01, v26;
	v33 =	vmul.f32 $4.082483050e-01, v20  }
0x4f: {  	v9 =	vld [tilespmem:s30+$0x1000];
	v20 =	vmul.f32 v7, v25;
	v45 =	vadd.f32 v45, v61;
	v21 =	vmul.f32 $4.629100560e-01, v38  }
0x50: {  	v52 =	vmul.f32 $7.071067690e-01, v52;
	v38 =	vmul.f32 $5.345224740e-01, v38;
	[tilespmem:$0x1FFB0] =	vst v56;
	v56 =	vsub.f32 $0.0e+00, v54  }
0x51: {  	v60 =	vadd.f32 v33, v14;
	v33 =	vmul.f32 v29, v25;
	v62 =	vmul.f32 $3.162277640e-01, v45  }
0x52: {  	v41 =	vadd.f32 v20, v59;
	v39 =	vmul.f32 v28, v8;
	v40 =	vmul.f32 v6, v8  }
0x53: {  	v59 =	vmul.f32 v7, v8;
	[tilespmem:$0x1FFE0] =	vst v60;
	v49 =	vsub.f32 v43, v33;
	v60 =	vadd.f32 v31, v24  }
0x54: {  	v19 =	vmul.f32 v6, v9;
	v31 =	vsub.f32 v31, v24;
	v43 =	vadd.f32 v43, v33  }
0x55: {  	v44 =	vmul.f32 v29, v9;
	v48 =	vsub.f32 v40, v42;
	v51 =	vsub.f32 v37, v39  }
0x56: {  	v47 =	vmul.f32 v28, v9;
	v40 =	vadd.f32 v40, v42;
	v18 =	vsub.f32 $0.0e+00, v59  }
0x57: {  	[tilespmem:$0x1FFD0] =	vst v58;
	v58 =	vmul.f32 v7, v9;
	v41 =	vsub.f32 v41, v19;
	v46 =	vadd.f32 v46, v44  }
0x58: {  	v61 =	vmul.f32 v5, v9;
	v49 =	vsub.f32 v49, v47;
	v60 =	vadd.f32 v20, v60  }
0x59: {  	v43 =	vadd.f32 v43, v47;
	v50 =	vmul.f32 $5.477225780e-01, v48;
	v53 =	vmul.f32 $5.477225780e-01, v51  }
0x5a: {  	v42 =	vsub.f32 v18, v61;
	v48 =	vmul.f32 $4.472135900e-01, v48;
	v41 =	vmul.f32 $3.162277640e-01, v41  }
0x5b: {  	v37 =	vadd.f32 v37, v39;
	v46 =	vmul.f32 $6.324555270e-01, v46;
	v49 =	vmul.f32 $3.162277640e-01, v49  }
0x5c: {  	v60 =	vadd.f32 v60, v19;
	v43 =	vmul.f32 $5.000000000e-01, v43;
	v42 =	vmul.f32 $5.345224740e-01, v42  }
0x5d: {  	v23 =	vadd.f32 v41, v50;
	v22 =	vadd.f32 v46, v62;
	v46 =	vmul.f32 v29, v8  }
0x5e: {  	v63 =	vadd.f32 v49, v53;
	v50 =	vsub.f32 v34, v27;
	v53 =	vmul.f32 v5, v8  }
0x5f: {  	v41 =	vmul.f32 v28, v32;
	v34 =	vsub.f32 $0.0e+00, v34;
	v1 =	vsub.f32 v0, v46  }
0x60: {  	v60 =	vmul.f32 $4.629100560e-01, v60;
	v2 =	vadd.f32 v50, v33;
	v3 =	vadd.f32 v53, v56  }
0x61: {  	[tilespmem:$0x1FFF0] =	vst v63;
	v62 =	vadd.f32 v57, v41;
	v63 =	vsub.f32 v31, v20;
	v0 =	vmul.f32 $2.672612370e-01, v40  }
0x62: {  	v31 =	vadd.f32 v20, v31;
	v50 =	vsub.f32 v50, v33;
	v40 =	vmul.f32 $6.546536680e-01, v40  }
0x63: {  	[tilespmem:s30+$0xA100] =	vst v23;
	v23 =	vmul.f32 v5, v17;
	v49 =	vsub.f32 v2, v47;
	v39 =	vsub.f32 v3, v58  }
0x64: {  	v14 =	vmul.f32 $5.345224740e-01, v1;
	v62 =	vmul.f32 $2.672612370e-01, v62;
	v2 =	vsub.f32 $0.0e+00, v41  }
0x65: {  	v63 =	vadd.f32 v63, v19;
	v1 =	vmul.f32 $2.672612370e-01, v37;
	v60 =	vadd.f32 v60, v0  }
0x66: {  	v31 =	vsub.f32 v31, v19;
	v0 =	vsub.f32 v59, v61;
	v37 =	vmul.f32 $6.546536680e-01, v37  }
0x67: {  	v49 =	vmul.f32 $4.629100560e-01, v49;
	v39 =	vmul.f32 $5.345224740e-01, v39;
	v3 =	vadd.f32 v57, v2  }
0x68: {  	[tilespmem:s30+$0xB100] =	vst v35;
	v18 =	vadd.f32 v14, v21;
	v14 =	vmul.f32 $3.872983460e-01, v63;
	v2 =	vsub.f32 v2, v57  }
0x69: {  	[tilespmem:s30+$0xB280] =	vst v26;
	v31 =	vmul.f32 $5.000000000e-01, v31;
	v21 =	vadd.f32 v49, v1;
	v39 =	vadd.f32 v39, v62  }
0x6a: {  	[tilespmem:s30+$0xB300] =	vst v52;
	v0 =	vmul.f32 $7.071067690e-01, v0;
	v48 =	vadd.f32 v14, v48;
	v49 =	vadd.f32 v41, v54  }
0x6b: {  	[tilespmem:s30+$0x11080] =	vst v43;
	v1 =	vmul.f32 $4.629100560e-01, v3;
	v41 =	vsub.f32 v36, v44;
	v36 =	vadd.f32 v36, v44  }
0x6c: {  	v44 =	vsub.f32 v55, v46;
	v2 =	vmul.f32 $4.780914490e-01, v2;
	v3 =	vmul.f32 $5.345224740e-01, v3;
	[tilespmem:s30+$0xD300] =	vst v18  }
0x6d: {  	v18 =	vmul.f32 v28, v17;
	[tilespmem:s30+$0x10100] =	vst v0;
	v0 =	vmul.f32 v6, v17;
	v14 =	vadd.f32 v53, v49  }
0x6e: {  	[tilespmem:s30+$0xA180] =	vst v22;
	v49 =	vsub.f32 v34, v27;
	v27 =	vadd.f32 v27, v34;
	v34 =	vmul.f32 $5.773502590e-01, v4  }
0x6f: {  	v46 =	vadd.f32 v55, v46;
	v62 =	vld [tilespmem:$0x1FFA0];
	v44 =	vmul.f32 $7.071067690e-01, v44;
	v36 =	vmul.f32 $7.071067690e-01, v36;
	[tilespmem:s30+$0xE000] =	vst v39  }
0x70: {  	v63 =	vld [tilespmem:$0x1FFB0];
	v42 =	vadd.f32 v42, v1;
	v39 =	vmul.f32 v6, v16;
	[tilespmem:s30+$0x10180] =	vst v48;
	v48 =	vmul.f32 v7, v16  }
0x71: {  	[tilespmem:s30+$0xE080] =	vst v60;
	v4 =	vld [tilespmem:$0x1FFC0];
	v49 =	vadd.f32 v49, v33;
	v27 =	vsub.f32 v27, v33;
	v33 =	vmul.f32 $3.162277640e-01, v41  }
0x72: {  	v14 =	vadd.f32 v57, v14;
	v41 =	vmul.f32 $6.324555270e-01, v45;
	[tilespmem:s30+$0x8080] =	vst v34;
	v34 =	vmul.f32 $4.629100560e-01, v46  }
0x73: {  	[tilespmem:s30+$0x10080] =	vst v31;
	v57 =	vadd.f32 v59, v61;
	v59 =	vadd.f32 v58, v56;
	v56 =	vmul.f32 v29, v17  }
0x74: {  	[tilespmem:s30+$0xE100] =	vst v42;
	v42 =	vmul.f32 v7, v15;
	v55 =	vmul.f32 $7.071067690e-01, v62;
	v1 =	vadd.f32 v58, v14  }
0x75: {  	[tilespmem:s30+$0xD380] =	vst v21;
	v62 =	vmul.f32 $7.071067690e-01, v63;
	v49 =	vadd.f32 v49, v47;
	v27 =	vadd.f32 v27, v47  }
0x76: {  	[tilespmem:s30+$0x10300] =	vst v44;
	v26 =	vadd.f32 v38, v34;
	v38 =	vmul.f32 v28, v16;
	v63 =	vmul.f32 $7.071067690e-01, v4  }
0x77: {  	v14 =	vld [tilespmem:s30+$0x0];
	v52 =	vsub.f32 $0.0e+00, v56;
	v4 =	vmul.f32 $7.071067690e-01, v13;
	[tilespmem:s30+$0x9080] =	vst v55;
	v55 =	vmul.f32 v28, v15  }
0x78: {  	[tilespmem:s30+$0x11000] =	vst v36;
	v13 =	vld [tilespmem:s30+$0x4000];
	v1 =	vmul.f32 $4.472135900e-01, v1;
	v45 =	vmul.f32 $3.872983460e-01, v49;
	v49 =	vadd.f32 v50, v47  }
0x79: {  	v33 =	vadd.f32 v41, v33;
	[tilespmem:s30+$0x9100] =	vst v62;
	v47 =	vmul.f32 $4.472135900e-01, v51;
	v51 =	vld [tilespmem:$0x1FFD0];
	v27 =	vmul.f32 $1.889822330e-01, v27  }
0x7a: {  	v60 =	vadd.f32 v39, v52;
	[tilespmem:s30+$0xB180] =	vst v4;
	v4 =	vmul.f32 $4.629100560e-01, v57;
	v49 =	vmul.f32 $5.000000000e-01, v49  }
0x7b: {  	v61 =	vld [tilespmem:$0x1FFE0];
	[tilespmem:s30+$0x10200] =	vst v33;
	v41 =	vadd.f32 v45, v47;
	v45 =	vmul.f32 v7, v17;
	v47 =	vmul.f32 v29, v15  }
0x7c: {  	[tilespmem:s30+$0x8100] =	vst v1;
	v1 =	vadd.f32 v27, v37;
	v34 =	vmul.f32 v11, v14;
	v27 =	vmul.f32 v10, v14  }
0x7d: {  	[tilespmem:s30+$0x11100] =	vst v26;
	v57 =	vsub.f32 $0.0e+00, v23;
	v37 =	vmul.f32 v12, v14;
	v50 =	vmul.f32 v13, v14  }
0x7e: {  	[tilespmem:s30+$0x9180] =	vst v63;
	v3 =	vadd.f32 v4, v3;
	v4 =	vmul.f32 v5, v16;
	v24 =	vsub.f32 v51, v24  }
0x7f: {  	v22 =	vmul.f32 v13, v17;
	v43 =	vsub.f32 v45, v47;
	[tilespmem:s30+$0x8000] =	vst v50;
	v50 =	vadd.f32 v58, v54  }
0x80: {  	[tilespmem:s30+$0xB200] =	vst v61;
	v63 =	vld [tilespmem:$0x1FFF0];
	v58 =	vmul.f32 $3.162277640e-01, v57;
	v57 =	vmul.f32 $6.324555270e-01, v4;
	v54 =	vsub.f32 v24, v20  }
0x81: {  	[tilespmem:s30+$0x10280] =	vst v41;
	v44 =	vmul.f32 $1.825741830e-01, v43;
	v20 =	vadd.f32 v20, v24;
	v50 =	vmul.f32 $1.195228620e-01, v50  }
0x82: {  	[tilespmem:s30+$0x10380] =	vst v49;
	v24 =	vmul.f32 $7.171371570e-01, v53;
	v53 =	vsub.f32 v60, v42;
	v46 =	vsub.f32 v54, v19  }
0x83: {  	[tilespmem:s30+$0x11180] =	vst v1;
	v4 =	vmul.f32 $7.745966910e-01, v4;
	v19 =	vadd.f32 v20, v19;
	v2 =	vadd.f32 v50, v2  }
0x84: {  	[tilespmem:s30+$0x11300] =	vst v3;
	v20 =	vmul.f32 $7.071067690e-01, v59;
	v35 =	vmul.f32 $1.889822330e-01, v46;
	v46 =	vsub.f32 $0.0e+00, v45  }
0x85: {  	[tilespmem:s30+$0xA200] =	vst v63;
	v19 =	vmul.f32 $5.000000000e-01, v19;
	v2 =	vadd.f32 v2, v24;
	v24 =	vmul.f32 v6, v15  }
0x86: {  	v53 =	vmul.f32 $4.082483050e-01, v53;
	[tilespmem:s30+$0x12000] =	vst v20;
	v62 =	vadd.f32 v46, v38;
	v21 =	vadd.f32 v35, v40  }
0x87: {  	v50 =	vmul.f32 v13, v16;
	v46 =	vsub.f32 v46, v38;
	[tilespmem:s30+$0x11380] =	vst v19;
	v61 =	vadd.f32 v24, v18  }
0x88: {  	v16 =	vmul.f32 v29, v16;
	[tilespmem:s30+$0x11200] =	vst v2;
	v51 =	vadd.f32 v62, v47;
	v62 =	vadd.f32 v39, v56  }
0x89: {  	v20 =	vmul.f32 v12, v30;
	v46 =	vadd.f32 v46, v47;
	v56 =	vsub.f32 $0.0e+00, v0;
	[tilespmem:s30+$0x11280] =	vst v21  }
0x8a: {  	v63 =	vmul.f32 $5.477225780e-01, v61;
	v61 =	vsub.f32 v18, v24;
	[tilespmem:s0+$0x8000] =	vst v34;
	v59 =	vmul.f32 $5.477225780e-01, v51  }
0x8b: {  	v18 =	vsub.f32 $0.0e+00, v18;
	v51 =	vmul.f32 v5, v15;
	v15 =	vmul.f32 v13, v15;
	[tilespmem:s30+$0x8200] =	vst v27  }
0x8c: {  	v60 =	vadd.f32 v56, v55;
	[tilespmem:s30+$0x8300] =	vst v22;
	v56 =	vmul.f32 $7.302967310e-01, v39;
	v22 =	vmul.f32 v11, v8  }
0x8d: {  	[tilespmem:s30+$0x8280] =	vst v37;
	v27 =	vmul.f32 v11, v9;
	v37 =	vmul.f32 v10, v25;
	v31 =	vadd.f32 v63, v57  }
0x8e: {  	v40 =	vmul.f32 $4.082483050e-01, v61;
	v57 =	vmul.f32 $4.082483050e-01, v46;
	v46 =	vsub.f32 v18, v24  }
0x8f: {  	v63 =	vmul.f32 $8.164966110e-01, v48;
	v18 =	vadd.f32 v48, v18;
	v35 =	vadd.f32 v59, v58  }
0x90: {  	v58 =	vsub.f32 $0.0e+00, v51;
	v59 =	vadd.f32 v42, v62;
	v1 =	vmul.f32 $7.071067690e-01, v60  }
0x91: {  	v40 =	vadd.f32 v63, v40;
	v63 =	vadd.f32 v45, v47;
	v45 =	vmul.f32 $6.324555270e-01, v23  }
0x92: {  	[tilespmem:s31+$0x8000] =	vst v50;
	v47 =	vmul.f32 $7.302967310e-01, v38;
	v18 =	vadd.f32 v18, v24;
	v24 =	vmul.f32 v10, v32  }
0x93: {  	v49 =	vsub.f32 v52, v42;
	[tilespmem:s30+$0x9280] =	vst v31;
	v31 =	vmul.f32 v10, v8;
	v62 =	vmul.f32 $3.162277640e-01, v58  }
0x94: {  	v60 =	vsub.f32 $0.0e+00, v22;
	v17 =	vmul.f32 $5.477225780e-01, v59;
	v54 =	vmul.f32 $7.071067690e-01, v58  }
0x95: {  	v58 =	vmul.f32 $7.071067690e-01, v23;
	v59 =	vadd.f32 v0, v55;
	v23 =	vmul.f32 v12, v25;
	[tilespmem:s30+$0x9200] =	vst v35  }
0x96: {  	v0 =	vadd.f32 v0, v16;
	v35 =	vmul.f32 v11, v30;
	[tilespmem:s30+$0xC080] =	vst v1;
	v1 =	vmul.f32 v12, v9  }
0x97: {  	v16 =	vsub.f32 $0.0e+00, v16;
	v3 =	vmul.f32 $7.071067690e-01, v63;
	v18 =	vmul.f32 $5.773502590e-01, v18  }
0x98: {  	v63 =	vmul.f32 $3.162277640e-01, v60;
	v17 =	vadd.f32 v17, v62;
	v33 =	vadd.f32 v53, v54  }
0x99: {  	[tilespmem:s30+$0x9000] =	vst v15;
	v26 =	vadd.f32 v57, v58;
	v61 =	vmul.f32 $4.082483050e-01, v59;
	v0 =	vadd.f32 v0, v55  }
0x9a: {  	[tilespmem:s30+$0xB380] =	vst v40;
	v62 =	vmul.f32 $8.164966110e-01, v16;
	v16 =	vadd.f32 v44, v45;
	v57 =	vadd.f32 v20, v24  }
0x9b: {  	v53 =	vmul.f32 $4.472135900e-01, v46;
	v44 =	vadd.f32 v37, v35;
	v46 =	vsub.f32 $0.0e+00, v20;
	[tilespmem:s30+$0xE180] =	vst v3  }
0x9c: {  	v54 =	vmul.f32 $1.825741830e-01, v49;
	v48 =	vsub.f32 v35, v37;
	v20 =	vadd.f32 v20, v27;
	[tilespmem:s30+$0xF000] =	vst v18  }
0x9d: {  	v55 =	vmul.f32 $6.324555270e-01, v51;
	v35 =	vsub.f32 $0.0e+00, v35;
	v2 =	vadd.f32 v61, v62;
	[tilespmem:s30+$0x9300] =	vst v17  }
0x9e: {  	v59 =	vmul.f32 v11, v32;
	v16 =	vadd.f32 v16, v47;
	v4 =	vadd.f32 v53, v4;
	[tilespmem:s30+$0xC000] =	vst v33  }
0x9f: {  	v0 =	vmul.f32 $5.773502590e-01, v0;
	v58 =	vadd.f32 v54, v55;
	v34 =	vsub.f32 v57, v27;
	[tilespmem:s30+$0xC100] =	vst v26  }
0xa0: {  	v43 =	vmul.f32 $6.324555270e-01, v31;
	v61 =	vadd.f32 v23, v59;
	v62 =	vadd.f32 v42, v52;
	[tilespmem:s30+$0xC180] =	vst v2  }
0xa1: {  	v33 =	vmul.f32 v12, v8;
	v12 =	vmul.f32 v12, v32;
	v21 =	vsub.f32 $0.0e+00, v59;
	[tilespmem:s30+$0xE200] =	vst v0  }
0xa2: {  	v38 =	vadd.f32 v1, v44;
	v34 =	vmul.f32 $5.477225780e-01, v34;
	v15 =	vadd.f32 v58, v56;
	[tilespmem:s30+$0xE280] =	vst v16  }
0xa3: {  	v40 =	vadd.f32 v1, v48;
	v42 =	vmul.f32 $5.477225780e-01, v61;
	v17 =	vmul.f32 $7.071067690e-01, v62;
	[tilespmem:s30+$0xE300] =	vst v4  }
0xa4: {  	v51 =	vadd.f32 v46, v24;
	v52 =	vmul.f32 $5.477225780e-01, v38;
	v38 =	vmul.f32 $7.071067690e-01, v20;
	[tilespmem:s30+$0xE380] =	vst v15  }
0xa5: {  	v56 =	vmul.f32 $4.082483050e-01, v40;
	v57 =	vmul.f32 $7.071067690e-01, v33;
	v34 =	vadd.f32 v34, v63;
	[tilespmem:s30+$0xF080] =	vst v17  }
0xa6: {  	v47 =	vmul.f32 v11, v25;
	v55 =	vsub.f32 $0.0e+00, v12;
	v19 =	vadd.f32 v42, v43;
	[tilespmem:s30+$0xF100] =	vst v38  }
0xa7: {  	v36 =	vmul.f32 $7.071067690e-01, v60;
	v45 =	vsub.f32 $0.0e+00, v33;
	v15 =	vadd.f32 v56, v57;
	[tilespmem:s30+$0x9380] =	vst v34  }
0xa8: {  	v59 =	vsub.f32 v55, v47;
	v60 =	vadd.f32 v55, v47;
	v55 =	vmul.f32 v28, v14;
	[tilespmem:s30+$0xA000] =	vst v19  }
0xa9: {  	v41 =	vadd.f32 v51, v27;
	v49 =	vmul.f32 $3.162277640e-01, v45;
	v56 =	vmul.f32 v5, v14;
	[tilespmem:s30+$0xD100] =	vst v15  }
0xaa: {  	v2 =	vmul.f32 v10, v9;
	v11 =	vadd.f32 v23, v21;
	v57 =	vmul.f32 v6, v14;
	[tilespmem:s30+$0xA300] =	vst v55  }
0xab: {  	v10 =	vmul.f32 v10, v30;
	v58 =	vmul.f32 $4.082483050e-01, v41;
	v0 =	vadd.f32 v52, v49;
	[tilespmem:s30+$0xA380] =	vst v56  }
0xac: {  	v41 =	vsub.f32 v35, v1;
	v1 =	vadd.f32 v1, v35;
	v26 =	vmul.f32 $7.071067690e-01, v60;
	[tilespmem:s30+$0xB000] =	vst v57  }
0xad: {  	v50 =	vsub.f32 $0.0e+00, v2;
	v53 =	vmul.f32 $4.082483050e-01, v11;
	v61 =	vadd.f32 v58, v36;
	[tilespmem:s30+$0xA080] =	vst v0  }
0xae: {  	v63 =	vmul.f32 $8.164966110e-01, v10;
	v1 =	vmul.f32 $7.071067690e-01, v1;
	[tilespmem:s30+$0xD180] =	vst v26  }
0xaf: {  	v54 =	vmul.f32 $8.164966110e-01, v50;
	v58 =	vmul.f32 v7, v14;
	[tilespmem:s30+$0xD200] =	vst v61  }
0xb0: {  	v10 =	vadd.f32 v12, v10;
	v62 =	vmul.f32 $4.082483050e-01, v59;
	v59 =	vmul.f32 v13, v30;
	[tilespmem:s30+$0x10000] =	vst v1  }
0xb1: {  	v44 =	vsub.f32 v21, v23;
	v60 =	vmul.f32 v13, v32;
	[tilespmem:s30+$0xB080] =	vst v58  }
0xb2: {  	v3 =	vadd.f32 v10, v47;
	v4 =	vadd.f32 v53, v54;
	[tilespmem:s30+$0xC200] =	vst v59  }
0xb3: {  	v48 =	vmul.f32 $7.745966910e-01, v31;
	v47 =	vmul.f32 $4.472135900e-01, v44;
	v36 =	vadd.f32 v62, v63;
	[tilespmem:s30+$0xC280] =	vst v60  }
0xb4: {  	v2 =	vadd.f32 v11, v2;
	v42 =	vmul.f32 $5.773502590e-01, v3;
	[tilespmem:s30+$0xD080] =	vst v4  }
0xb5: {  	v40 =	vmul.f32 $6.324555270e-01, v22;
	v51 =	vadd.f32 v47, v48;
	[tilespmem:s30+$0xD280] =	vst v36  }
0xb6: {  	v34 =	vadd.f32 v46, v27;
	v45 =	vmul.f32 $1.825741830e-01, v41;
	v53 =	vmul.f32 $5.773502590e-01, v2;
	[tilespmem:s30+$0xF180] =	vst v42  }
0xb7: {  	v46 =	vmul.f32 $6.324555270e-01, v33;
	v54 =	vmul.f32 v29, v14;
	[tilespmem:s30+$0xF280] =	vst v51  }
0xb8: {  	v39 =	vmul.f32 $1.825741830e-01, v34;
	v61 =	vmul.f32 v13, v8;
	[tilespmem:s30+$0xF380] =	vst v53  }
0xb9: {  	p1 =	sne.s32 s29, $0x1F0;
	v50 =	vmul.f32 $7.302967310e-01, v37;
	v49 =	vadd.f32 v45, v46;
	v62 =	vmul.f32 v13, v25;
	[tilespmem:s30+$0xA280] =	vst v54  }
.Ltmp5:
0xba: {  	v43 =	vmul.f32 $7.302967310e-01, v24;
	v63 =	vmul.f32 v13, v9;
	v10 =	vadd.f32 v39, v40;
	[tilespmem:s30+$0xC300] =	vst v61;
	(pc) =	sbr.rel @p1 .LBB2_4-.Ltmp5, $4  }
0xbb: {  	v52 =	vadd.f32 v49, v50;
	[tilespmem:s30+$0xC380] =	vst v62  }
0xbc: {  	[tilespmem:s30+$0xD000] =	vst v63;
	v3 =	vadd.f32 v10, v43  }
0xbd: {  	[tilespmem:s30+$0xF300] =	vst v52  }
0xbe: {  	s28 =	sadd.s32 $0x80, s28;
	s29 =	sadd.s32 $0x10, s29;
	[tilespmem:s30+$0xF200] =	vst v3  }
0xbf: {  	s0 =	sadd.s32 s4, s26  }
0xc0: {  	[hbm4b:s0+s13] =	stream.strided.scatter [tilespmem:s18], [sflag:$0x5], $0xB000, s14, s13, $0x38;
	[tilespmem:$0x1E000] =	vst v63  }
.LBB2_6:
0xc1: {  	s0 =	sadd.s32 s9, s25  }
0xc2: {  	p1 =	sgt.u32 s0, $0x61A  }
0xc3: {  	s0 =	sshll.u32 @!p1 s0, $0x9  }
.Ltmp6:
0xc4: {  	s26 =	simm.s32 @!p1 $0x1000;
	s0 =	smin.u32 @!p1 s0, $0xC3300;
	(pc) =	sbr.rel @p0 .LBB2_10-.Ltmp6, $4  }
0xc5: {  	s28 =	simm.s32 @!p1 $0x61A800;
	s29 =	simm.s32 @!p1 $0x0;
	s25 =	sadd.s32 @!p1 s2, s0  }
0xc6: {  	[tilespmem:s29], [sflag:$0x1] =	stream.strided.gather @!p1 [hbm4b:s25+s26], $0x2000, s28, s26, $0x38;
	[tilespmem:$0x1E000] =	vst v63  }
0xc7: {  	s0 =	sadd.s32 @!p1 s3, s0;
	s25 =	simm.s32 @!p1 $0x4000  }
0xc8: {  	[tilespmem:s25], [sflag:$0x3] =	stream.strided.gather @!p1 [hbm4b:s0+s26], $0x2000, s28, s26, $0x38;
	[tilespmem:$0x1E000] =	vst v63  }
0xc9: {  	_ =	swait.ge [sflag:s19], $0x2000  }
0xca: {  	[sflag:s19] =	ssyncset.done $0x0  }
0xcb: {  	[sflag:s19] =	ssyncadd.s32 $0xFFFFE000  }
0xcc: {  	_ =	swait.ge [sflag:s20], $0x2000  }
0xcd: {  	p0 =	seq.s32 s23, $0x0;
	[sflag:s20] =	ssyncset.done $0x0  }
0xce: {  	s0 =	simm.s32 @!p0 $0x6;
	[sflag:s20] =	ssyncadd.s32 $0xFFFFE000  }
0xcf: {  	_ =	swait.ge @!p0 [sflag:s0], $0xB000  }
0xd0: {  	s24 =	sshll.u32 s24, $0x9;
	s25 =	simm.s32 $0x0;
	[sflag:s0] =	ssyncset.done @!p0 $0x0  }
0xd1: {  	s26 =	simm.s32 $0x0;
	s24 =	smin.u32 s24, $0xC3300;
	[sflag:s0] =	ssyncadd.s32 @!p0 $0xFFFF5000  }
.LBB2_8:
0xd2: {  	s0 =	sand.u32 $0x70, s26;
	s29 =	sand.u32 $0xC00, s25  }
0xd3: {  	s28 =	sor.u32 s0, s29  }
0xd4: {  	v17 =	vld [tilespmem:s28+$0x2080]  }
0xd5: {  	v16 =	vld [tilespmem:s28+$0x2100]  }
0xd6: {  	v11 =	vld [tilespmem:s28+$0x6080]  }
0xd7: {  	v10 =	vld [tilespmem:s28+$0x6100]  }
0xd8: {  	v30 =	vld [tilespmem:s28+$0x2200]  }
0xd9: {  	v32 =	vld [tilespmem:s28+$0x2280]  }
0xda: {  	s31 =	sor.u32 s25, s26;
	v29 =	vld [tilespmem:s28+$0x6200]  }
0xdb: {  	s30 =	sor.u32 s29, s26;
	s29 =	sor.u32 $0x380, s31;
	v28 =	vld [tilespmem:s28+$0x6280]  }
0xdc: {  	v6 =	vld [tilespmem:s29+$0x6000]  }
0xdd: {  	v7 =	vld [tilespmem:s28+$0x7000]  }
0xde: {  	v5 =	vld [tilespmem:s28+$0x6300]  }
0xdf: {  	v25 =	vld [tilespmem:s29+$0x2000];
	v4 =	vmul.f32 v11, v17;
	v13 =	vmul.f32 v10, v17  }
0xe0: {  	s0 =	sor.u32 $0x180, s30;
	v14 =	vmul.f32 v10, v16;
	v27 =	vmul.f32 v11, v16  }
0xe1: {  	v12 =	vld [tilespmem:s0+$0x6000];
	v31 =	vmul.f32 v28, v30;
	v34 =	vmul.f32 v6, v30  }
0xe2: {  	v24 =	vmul.f32 v29, v32;
	v36 =	vmul.f32 v7, v30  }
0xe3: {  	v15 =	vld [tilespmem:s0+$0x2000];
	v37 =	vmul.f32 v5, v32;
	v38 =	vmul.f32 v6, v32  }
0xe4: {  	v61 =	vmul.f32 v28, v25;
	v42 =	vmul.f32 v5, v25  }
0xe5: {  	v54 =	vmul.f32 v29, v30;
	v55 =	vmul.f32 v5, v30  }
0xe6: {  	v18 =	vmul.f32 v12, v17;
	v8 =	vadd.f32 v14, v4;
	v23 =	vsub.f32 $0.0e+00, v4  }
0xe7: {  	v21 =	vmul.f32 v12, v16;
	v57 =	vsub.f32 v13, v27;
	v58 =	vsub.f32 $0.0e+00, v31  }
0xe8: {  	v26 =	vmul.f32 v10, v15;
	v13 =	vadd.f32 v13, v27;
	v45 =	vsub.f32 $0.0e+00, v38  }
0xe9: {  	v19 =	vmul.f32 v11, v15;
	v46 =	vsub.f32 $0.0e+00, v36;
	v38 =	vadd.f32 v38, v61  }
0xea: {  	v22 =	vmul.f32 v12, v15;
	v9 =	vsub.f32 $0.0e+00, v18;
	v0 =	vsub.f32 v21, v26  }
0xeb: {  	v27 =	vmul.f32 v7, v32;
	v35 =	vadd.f32 v18, v19;
	v26 =	vadd.f32 v21, v26  }
0xec: {  	v14 =	vmul.f32 $8.164966110e-01, v14;
	v4 =	vadd.f32 v22, v8;
	v20 =	vsub.f32 v23, v22  }
0xed: {  	[tilespmem:$0x1FF60] =	vst v57;
	v59 =	vadd.f32 v58, v24;
	v43 =	vadd.f32 v27, v34;
	v57 =	vmul.f32 v6, v25  }
0xee: {  	v8 =	vld [tilespmem:s28+$0x2300];
	v45 =	vadd.f32 v45, v61;
	v21 =	vmul.f32 $4.629100560e-01, v38;
	v38 =	vmul.f32 $5.345224740e-01, v38  }
0xef: {  	v52 =	vadd.f32 v22, v23;
	v35 =	vmul.f32 $7.071067690e-01, v35;
	v26 =	vmul.f32 $7.071067690e-01, v26  }
0xf0: {  	v56 =	vadd.f32 v9, v19;
	v9 =	vld [tilespmem:s28+$0x3000];
	v33 =	vmul.f32 $4.082483050e-01, v20;
	v20 =	vmul.f32 v7, v25  }
0xf1: {  	[tilespmem:$0x1FF40] =	vst v0;
	v0 =	vsub.f32 $0.0e+00, v55;
	v62 =	vmul.f32 $3.162277640e-01, v45;
	v52 =	vmul.f32 $7.071067690e-01, v52  }
0xf2: {  	[tilespmem:$0x1FF50] =	vst v56;
	v56 =	vsub.f32 $0.0e+00, v54;
	v60 =	vadd.f32 v33, v14;
	v33 =	vmul.f32 v29, v25  }
0xf3: {  	v41 =	vadd.f32 v20, v59;
	v39 =	vmul.f32 v28, v8;
	v40 =	vmul.f32 v6, v8  }
0xf4: {  	v59 =	vmul.f32 v7, v8;
	[tilespmem:$0x1FF80] =	vst v60;
	v49 =	vsub.f32 v43, v33;
	v60 =	vadd.f32 v31, v24  }
0xf5: {  	v19 =	vmul.f32 v6, v9;
	v31 =	vsub.f32 v31, v24;
	v43 =	vadd.f32 v43, v33  }
0xf6: {  	v44 =	vmul.f32 v29, v9;
	v48 =	vsub.f32 v40, v42;
	v51 =	vsub.f32 v37, v39  }
0xf7: {  	v47 =	vmul.f32 v28, v9;
	v40 =	vadd.f32 v40, v42;
	v18 =	vsub.f32 $0.0e+00, v59  }
0xf8: {  	[tilespmem:$0x1FF70] =	vst v58;
	v58 =	vmul.f32 v7, v9;
	v41 =	vsub.f32 v41, v19;
	v46 =	vadd.f32 v46, v44  }
0xf9: {  	v61 =	vmul.f32 v5, v9;
	v49 =	vsub.f32 v49, v47;
	v60 =	vadd.f32 v20, v60  }
0xfa: {  	v43 =	vadd.f32 v43, v47;
	v50 =	vmul.f32 $5.477225780e-01, v48;
	v53 =	vmul.f32 $5.477225780e-01, v51  }
0xfb: {  	v42 =	vsub.f32 v18, v61;
	v48 =	vmul.f32 $4.472135900e-01, v48;
	v41 =	vmul.f32 $3.162277640e-01, v41  }
0xfc: {  	v37 =	vadd.f32 v37, v39;
	v46 =	vmul.f32 $6.324555270e-01, v46;
	v49 =	vmul.f32 $3.162277640e-01, v49  }
0xfd: {  	v60 =	vadd.f32 v60, v19;
	v43 =	vmul.f32 $5.000000000e-01, v43;
	v42 =	vmul.f32 $5.345224740e-01, v42  }
0xfe: {  	v23 =	vadd.f32 v41, v50;
	v22 =	vadd.f32 v46, v62;
	v46 =	vmul.f32 v29, v8  }
0xff: {  	v63 =	vadd.f32 v49, v53;
	v50 =	vsub.f32 v34, v27;
	v53 =	vmul.f32 v5, v8  }
0x100: {  	v41 =	vmul.f32 v28, v32;
	v34 =	vsub.f32 $0.0e+00, v34;
	v1 =	vsub.f32 v0, v46  }
0x101: {  	v60 =	vmul.f32 $4.629100560e-01, v60;
	v2 =	vadd.f32 v50, v33;
	v3 =	vadd.f32 v53, v56  }
0x102: {  	[tilespmem:$0x1FF90] =	vst v63;
	v62 =	vadd.f32 v57, v41;
	v63 =	vsub.f32 v31, v20;
	v0 =	vmul.f32 $2.672612370e-01, v40  }
0x103: {  	v31 =	vadd.f32 v20, v31;
	v50 =	vsub.f32 v50, v33;
	v40 =	vmul.f32 $6.546536680e-01, v40  }
0x104: {  	[tilespmem:s28+$0x15100] =	vst v23;
	v23 =	vmul.f32 v5, v17;
	v49 =	vsub.f32 v2, v47;
	v39 =	vsub.f32 v3, v58  }
0x105: {  	v14 =	vmul.f32 $5.345224740e-01, v1;
	v62 =	vmul.f32 $2.672612370e-01, v62;
	v2 =	vsub.f32 $0.0e+00, v41  }
0x106: {  	v63 =	vadd.f32 v63, v19;
	v1 =	vmul.f32 $2.672612370e-01, v37;
	v60 =	vadd.f32 v60, v0  }
0x107: {  	v31 =	vsub.f32 v31, v19;
	v0 =	vsub.f32 v59, v61;
	v37 =	vmul.f32 $6.546536680e-01, v37  }
0x108: {  	v49 =	vmul.f32 $4.629100560e-01, v49;
	v39 =	vmul.f32 $5.345224740e-01, v39;
	v3 =	vadd.f32 v57, v2  }
0x109: {  	[tilespmem:s28+$0x16100] =	vst v35;
	v18 =	vadd.f32 v14, v21;
	v14 =	vmul.f32 $3.872983460e-01, v63;
	v2 =	vsub.f32 v2, v57  }
0x10a: {  	[tilespmem:s28+$0x16280] =	vst v26;
	v31 =	vmul.f32 $5.000000000e-01, v31;
	v21 =	vadd.f32 v49, v1;
	v39 =	vadd.f32 v39, v62  }
0x10b: {  	[tilespmem:s28+$0x16300] =	vst v52;
	v0 =	vmul.f32 $7.071067690e-01, v0;
	v48 =	vadd.f32 v14, v48;
	v49 =	vadd.f32 v41, v54  }
0x10c: {  	[tilespmem:s28+$0x1C080] =	vst v43;
	v1 =	vmul.f32 $4.629100560e-01, v3;
	v41 =	vsub.f32 v36, v44;
	v36 =	vadd.f32 v36, v44  }
0x10d: {  	v44 =	vsub.f32 v55, v46;
	v2 =	vmul.f32 $4.780914490e-01, v2;
	v3 =	vmul.f32 $5.345224740e-01, v3;
	[tilespmem:s28+$0x18300] =	vst v18  }
0x10e: {  	v18 =	vmul.f32 v28, v17;
	[tilespmem:s28+$0x1B100] =	vst v0;
	v0 =	vmul.f32 v6, v17;
	v14 =	vadd.f32 v53, v49  }
0x10f: {  	[tilespmem:s28+$0x15180] =	vst v22;
	v49 =	vsub.f32 v34, v27;
	v27 =	vadd.f32 v27, v34;
	v34 =	vmul.f32 $5.773502590e-01, v4  }
0x110: {  	v46 =	vadd.f32 v55, v46;
	v62 =	vld [tilespmem:$0x1FF40];
	v44 =	vmul.f32 $7.071067690e-01, v44;
	v36 =	vmul.f32 $7.071067690e-01, v36;
	[tilespmem:s28+$0x19000] =	vst v39  }
0x111: {  	v63 =	vld [tilespmem:$0x1FF50];
	v42 =	vadd.f32 v42, v1;
	v39 =	vmul.f32 v6, v16;
	[tilespmem:s28+$0x1B180] =	vst v48;
	v48 =	vmul.f32 v7, v16  }
0x112: {  	[tilespmem:s28+$0x19080] =	vst v60;
	v4 =	vld [tilespmem:$0x1FF60];
	v49 =	vadd.f32 v49, v33;
	v27 =	vsub.f32 v27, v33;
	v33 =	vmul.f32 $3.162277640e-01, v41  }
0x113: {  	v14 =	vadd.f32 v57, v14;
	v41 =	vmul.f32 $6.324555270e-01, v45;
	[tilespmem:s28+$0x13080] =	vst v34;
	v34 =	vmul.f32 $4.629100560e-01, v46  }
0x114: {  	[tilespmem:s28+$0x1B080] =	vst v31;
	v57 =	vadd.f32 v59, v61;
	v59 =	vadd.f32 v58, v56;
	v56 =	vmul.f32 v29, v17  }
0x115: {  	[tilespmem:s28+$0x19100] =	vst v42;
	v42 =	vmul.f32 v7, v15;
	v55 =	vmul.f32 $7.071067690e-01, v62;
	v1 =	vadd.f32 v58, v14  }
0x116: {  	[tilespmem:s28+$0x18380] =	vst v21;
	v62 =	vmul.f32 $7.071067690e-01, v63;
	v49 =	vadd.f32 v49, v47;
	v27 =	vadd.f32 v27, v47  }
0x117: {  	[tilespmem:s28+$0x1B300] =	vst v44;
	v26 =	vadd.f32 v38, v34;
	v38 =	vmul.f32 v28, v16;
	v63 =	vmul.f32 $7.071067690e-01, v4  }
0x118: {  	v14 =	vld [tilespmem:s28+$0x2000];
	v52 =	vsub.f32 $0.0e+00, v56;
	v4 =	vmul.f32 $7.071067690e-01, v13;
	[tilespmem:s28+$0x14080] =	vst v55;
	v55 =	vmul.f32 v28, v15  }
0x119: {  	[tilespmem:s28+$0x1C000] =	vst v36;
	v13 =	vld [tilespmem:s28+$0x6000];
	v1 =	vmul.f32 $4.472135900e-01, v1;
	v45 =	vmul.f32 $3.872983460e-01, v49;
	v49 =	vadd.f32 v50, v47  }
0x11a: {  	v33 =	vadd.f32 v41, v33;
	[tilespmem:s28+$0x14100] =	vst v62;
	v47 =	vmul.f32 $4.472135900e-01, v51;
	v51 =	vld [tilespmem:$0x1FF70];
	v27 =	vmul.f32 $1.889822330e-01, v27  }
0x11b: {  	v60 =	vadd.f32 v39, v52;
	[tilespmem:s28+$0x16180] =	vst v4;
	v4 =	vmul.f32 $4.629100560e-01, v57;
	v49 =	vmul.f32 $5.000000000e-01, v49  }
0x11c: {  	v61 =	vld [tilespmem:$0x1FF80];
	[tilespmem:s28+$0x1B200] =	vst v33;
	v41 =	vadd.f32 v45, v47;
	v45 =	vmul.f32 v7, v17;
	v47 =	vmul.f32 v29, v15  }
0x11d: {  	[tilespmem:s28+$0x13100] =	vst v1;
	v1 =	vadd.f32 v27, v37;
	v34 =	vmul.f32 v11, v14;
	v27 =	vmul.f32 v10, v14  }
0x11e: {  	[tilespmem:s28+$0x1C100] =	vst v26;
	v57 =	vsub.f32 $0.0e+00, v23;
	v37 =	vmul.f32 v12, v14;
	v50 =	vmul.f32 v13, v14  }
0x11f: {  	[tilespmem:s28+$0x14180] =	vst v63;
	v3 =	vadd.f32 v4, v3;
	v4 =	vmul.f32 v5, v16;
	v24 =	vsub.f32 v51, v24  }
0x120: {  	v22 =	vmul.f32 v13, v17;
	v43 =	vsub.f32 v45, v47;
	[tilespmem:s28+$0x13000] =	vst v50;
	v50 =	vadd.f32 v58, v54  }
0x121: {  	[tilespmem:s28+$0x16200] =	vst v61;
	v63 =	vld [tilespmem:$0x1FF90];
	v58 =	vmul.f32 $3.162277640e-01, v57;
	v57 =	vmul.f32 $6.324555270e-01, v4;
	v54 =	vsub.f32 v24, v20  }
0x122: {  	[tilespmem:s28+$0x1B280] =	vst v41;
	v44 =	vmul.f32 $1.825741830e-01, v43;
	v20 =	vadd.f32 v20, v24;
	v50 =	vmul.f32 $1.195228620e-01, v50  }
0x123: {  	[tilespmem:s28+$0x1B380] =	vst v49;
	v24 =	vmul.f32 $7.171371570e-01, v53;
	v53 =	vsub.f32 v60, v42;
	v46 =	vsub.f32 v54, v19  }
0x124: {  	[tilespmem:s28+$0x1C180] =	vst v1;
	v4 =	vmul.f32 $7.745966910e-01, v4;
	v19 =	vadd.f32 v20, v19;
	v2 =	vadd.f32 v50, v2  }
0x125: {  	[tilespmem:s28+$0x1C300] =	vst v3;
	v20 =	vmul.f32 $7.071067690e-01, v59;
	v35 =	vmul.f32 $1.889822330e-01, v46;
	v46 =	vsub.f32 $0.0e+00, v45  }
0x126: {  	[tilespmem:s28+$0x15200] =	vst v63;
	v19 =	vmul.f32 $5.000000000e-01, v19;
	v2 =	vadd.f32 v2, v24;
	v24 =	vmul.f32 v6, v15  }
0x127: {  	v53 =	vmul.f32 $4.082483050e-01, v53;
	[tilespmem:s28+$0x1D000] =	vst v20;
	v62 =	vadd.f32 v46, v38;
	v21 =	vadd.f32 v35, v40  }
0x128: {  	v50 =	vmul.f32 v13, v16;
	v46 =	vsub.f32 v46, v38;
	[tilespmem:s28+$0x1C380] =	vst v19;
	v61 =	vadd.f32 v24, v18  }
0x129: {  	v16 =	vmul.f32 v29, v16;
	[tilespmem:s28+$0x1C200] =	vst v2;
	v51 =	vadd.f32 v62, v47;
	v62 =	vadd.f32 v39, v56  }
0x12a: {  	v20 =	vmul.f32 v12, v30;
	v46 =	vadd.f32 v46, v47;
	v56 =	vsub.f32 $0.0e+00, v0;
	[tilespmem:s28+$0x1C280] =	vst v21  }
0x12b: {  	v63 =	vmul.f32 $5.477225780e-01, v61;
	v61 =	vsub.f32 v18, v24;
	[tilespmem:s0+$0x13000] =	vst v34;
	v59 =	vmul.f32 $5.477225780e-01, v51  }
0x12c: {  	v18 =	vsub.f32 $0.0e+00, v18;
	v51 =	vmul.f32 v5, v15;
	v15 =	vmul.f32 v13, v15;
	[tilespmem:s28+$0x13200] =	vst v27  }
0x12d: {  	v60 =	vadd.f32 v56, v55;
	[tilespmem:s28+$0x13300] =	vst v22;
	v56 =	vmul.f32 $7.302967310e-01, v39;
	v22 =	vmul.f32 v11, v8  }
0x12e: {  	[tilespmem:s28+$0x13280] =	vst v37;
	v27 =	vmul.f32 v11, v9;
	v37 =	vmul.f32 v10, v25;
	v31 =	vadd.f32 v63, v57  }
0x12f: {  	v40 =	vmul.f32 $4.082483050e-01, v61;
	v57 =	vmul.f32 $4.082483050e-01, v46;
	v46 =	vsub.f32 v18, v24  }
0x130: {  	v63 =	vmul.f32 $8.164966110e-01, v48;
	v18 =	vadd.f32 v48, v18;
	v35 =	vadd.f32 v59, v58  }
0x131: {  	v58 =	vsub.f32 $0.0e+00, v51;
	v59 =	vadd.f32 v42, v62;
	v1 =	vmul.f32 $7.071067690e-01, v60  }
0x132: {  	v40 =	vadd.f32 v63, v40;
	v63 =	vadd.f32 v45, v47;
	v45 =	vmul.f32 $6.324555270e-01, v23  }
0x133: {  	[tilespmem:s29+$0x13000] =	vst v50;
	v47 =	vmul.f32 $7.302967310e-01, v38;
	v18 =	vadd.f32 v18, v24;
	v24 =	vmul.f32 v10, v32  }
0x134: {  	v49 =	vsub.f32 v52, v42;
	[tilespmem:s28+$0x14280] =	vst v31;
	v31 =	vmul.f32 v10, v8;
	v62 =	vmul.f32 $3.162277640e-01, v58  }
0x135: {  	v60 =	vsub.f32 $0.0e+00, v22;
	v17 =	vmul.f32 $5.477225780e-01, v59;
	v54 =	vmul.f32 $7.071067690e-01, v58  }
0x136: {  	v58 =	vmul.f32 $7.071067690e-01, v23;
	v59 =	vadd.f32 v0, v55;
	v23 =	vmul.f32 v12, v25;
	[tilespmem:s28+$0x14200] =	vst v35  }
0x137: {  	v0 =	vadd.f32 v0, v16;
	v35 =	vmul.f32 v11, v30;
	[tilespmem:s28+$0x17080] =	vst v1;
	v1 =	vmul.f32 v12, v9  }
0x138: {  	v16 =	vsub.f32 $0.0e+00, v16;
	v3 =	vmul.f32 $7.071067690e-01, v63;
	v18 =	vmul.f32 $5.773502590e-01, v18  }
0x139: {  	v63 =	vmul.f32 $3.162277640e-01, v60;
	v17 =	vadd.f32 v17, v62;
	v33 =	vadd.f32 v53, v54  }
0x13a: {  	[tilespmem:s28+$0x14000] =	vst v15;
	v26 =	vadd.f32 v57, v58;
	v61 =	vmul.f32 $4.082483050e-01, v59;
	v0 =	vadd.f32 v0, v55  }
0x13b: {  	[tilespmem:s28+$0x16380] =	vst v40;
	v62 =	vmul.f32 $8.164966110e-01, v16;
	v16 =	vadd.f32 v44, v45;
	v57 =	vadd.f32 v20, v24  }
0x13c: {  	v53 =	vmul.f32 $4.472135900e-01, v46;
	v44 =	vadd.f32 v37, v35;
	v46 =	vsub.f32 $0.0e+00, v20;
	[tilespmem:s28+$0x19180] =	vst v3  }
0x13d: {  	v54 =	vmul.f32 $1.825741830e-01, v49;
	v48 =	vsub.f32 v35, v37;
	v20 =	vadd.f32 v20, v27;
	[tilespmem:s28+$0x1A000] =	vst v18  }
0x13e: {  	v55 =	vmul.f32 $6.324555270e-01, v51;
	v35 =	vsub.f32 $0.0e+00, v35;
	v2 =	vadd.f32 v61, v62;
	[tilespmem:s28+$0x14300] =	vst v17  }
0x13f: {  	v59 =	vmul.f32 v11, v32;
	v16 =	vadd.f32 v16, v47;
	v4 =	vadd.f32 v53, v4;
	[tilespmem:s28+$0x17000] =	vst v33  }
0x140: {  	v0 =	vmul.f32 $5.773502590e-01, v0;
	v58 =	vadd.f32 v54, v55;
	v34 =	vsub.f32 v57, v27;
	[tilespmem:s28+$0x17100] =	vst v26  }
0x141: {  	v43 =	vmul.f32 $6.324555270e-01, v31;
	v61 =	vadd.f32 v23, v59;
	v62 =	vadd.f32 v42, v52;
	[tilespmem:s28+$0x17180] =	vst v2  }
0x142: {  	v33 =	vmul.f32 v12, v8;
	v12 =	vmul.f32 v12, v32;
	v21 =	vsub.f32 $0.0e+00, v59;
	[tilespmem:s28+$0x19200] =	vst v0  }
0x143: {  	v38 =	vadd.f32 v1, v44;
	v34 =	vmul.f32 $5.477225780e-01, v34;
	v15 =	vadd.f32 v58, v56;
	[tilespmem:s28+$0x19280] =	vst v16  }
0x144: {  	v40 =	vadd.f32 v1, v48;
	v42 =	vmul.f32 $5.477225780e-01, v61;
	v17 =	vmul.f32 $7.071067690e-01, v62;
	[tilespmem:s28+$0x19300] =	vst v4  }
0x145: {  	v51 =	vadd.f32 v46, v24;
	v52 =	vmul.f32 $5.477225780e-01, v38;
	v38 =	vmul.f32 $7.071067690e-01, v20;
	[tilespmem:s28+$0x19380] =	vst v15  }
0x146: {  	v56 =	vmul.f32 $4.082483050e-01, v40;
	v57 =	vmul.f32 $7.071067690e-01, v33;
	v34 =	vadd.f32 v34, v63;
	[tilespmem:s28+$0x1A080] =	vst v17  }
0x147: {  	v47 =	vmul.f32 v11, v25;
	v55 =	vsub.f32 $0.0e+00, v12;
	v19 =	vadd.f32 v42, v43;
	[tilespmem:s28+$0x1A100] =	vst v38  }
0x148: {  	v36 =	vmul.f32 $7.071067690e-01, v60;
	v45 =	vsub.f32 $0.0e+00, v33;
	v15 =	vadd.f32 v56, v57;
	[tilespmem:s28+$0x14380] =	vst v34  }
0x149: {  	v59 =	vsub.f32 v55, v47;
	v60 =	vadd.f32 v55, v47;
	v55 =	vmul.f32 v28, v14;
	[tilespmem:s28+$0x15000] =	vst v19  }
0x14a: {  	v41 =	vadd.f32 v51, v27;
	v49 =	vmul.f32 $3.162277640e-01, v45;
	v56 =	vmul.f32 v5, v14;
	[tilespmem:s28+$0x18100] =	vst v15  }
0x14b: {  	v2 =	vmul.f32 v10, v9;
	v11 =	vadd.f32 v23, v21;
	v57 =	vmul.f32 v6, v14;
	[tilespmem:s28+$0x15300] =	vst v55  }
0x14c: {  	v10 =	vmul.f32 v10, v30;
	v58 =	vmul.f32 $4.082483050e-01, v41;
	v0 =	vadd.f32 v52, v49;
	[tilespmem:s28+$0x15380] =	vst v56  }
0x14d: {  	v41 =	vsub.f32 v35, v1;
	v1 =	vadd.f32 v1, v35;
	v26 =	vmul.f32 $7.071067690e-01, v60;
	[tilespmem:s28+$0x16000] =	vst v57  }
0x14e: {  	v50 =	vsub.f32 $0.0e+00, v2;
	v53 =	vmul.f32 $4.082483050e-01, v11;
	v61 =	vadd.f32 v58, v36;
	[tilespmem:s28+$0x15080] =	vst v0  }
0x14f: {  	v63 =	vmul.f32 $8.164966110e-01, v10;
	v1 =	vmul.f32 $7.071067690e-01, v1;
	[tilespmem:s28+$0x18180] =	vst v26  }
0x150: {  	v54 =	vmul.f32 $8.164966110e-01, v50;
	v58 =	vmul.f32 v7, v14;
	[tilespmem:s28+$0x18200] =	vst v61  }
0x151: {  	v10 =	vadd.f32 v12, v10;
	v62 =	vmul.f32 $4.082483050e-01, v59;
	v59 =	vmul.f32 v13, v30;
	[tilespmem:s28+$0x1B000] =	vst v1  }
0x152: {  	v44 =	vsub.f32 v21, v23;
	v60 =	vmul.f32 v13, v32;
	[tilespmem:s28+$0x16080] =	vst v58  }
0x153: {  	v3 =	vadd.f32 v10, v47;
	v4 =	vadd.f32 v53, v54;
	[tilespmem:s28+$0x17200] =	vst v59  }
0x154: {  	v48 =	vmul.f32 $7.745966910e-01, v31;
	v47 =	vmul.f32 $4.472135900e-01, v44;
	v36 =	vadd.f32 v62, v63;
	[tilespmem:s28+$0x17280] =	vst v60  }
0x155: {  	v2 =	vadd.f32 v11, v2;
	v42 =	vmul.f32 $5.773502590e-01, v3;
	[tilespmem:s28+$0x18080] =	vst v4  }
0x156: {  	v40 =	vmul.f32 $6.324555270e-01, v22;
	v51 =	vadd.f32 v47, v48;
	[tilespmem:s28+$0x18280] =	vst v36  }
0x157: {  	v34 =	vadd.f32 v46, v27;
	v45 =	vmul.f32 $1.825741830e-01, v41;
	v53 =	vmul.f32 $5.773502590e-01, v2;
	[tilespmem:s28+$0x1A180] =	vst v42  }
0x158: {  	v46 =	vmul.f32 $6.324555270e-01, v33;
	v54 =	vmul.f32 v29, v14;
	[tilespmem:s28+$0x1A280] =	vst v51  }
0x159: {  	v39 =	vmul.f32 $1.825741830e-01, v34;
	v61 =	vmul.f32 v13, v8;
	[tilespmem:s28+$0x1A380] =	vst v53  }
0x15a: {  	p0 =	sne.s32 s26, $0x1F0;
	v50 =	vmul.f32 $7.302967310e-01, v37;
	v49 =	vadd.f32 v45, v46;
	v62 =	vmul.f32 v13, v25;
	[tilespmem:s28+$0x15280] =	vst v54  }
.Ltmp7:
0x15b: {  	v43 =	vmul.f32 $7.302967310e-01, v24;
	v63 =	vmul.f32 v13, v9;
	v10 =	vadd.f32 v39, v40;
	[tilespmem:s28+$0x17300] =	vst v61;
	(pc) =	sbr.rel @p0 .LBB2_8-.Ltmp7, $4  }
0x15c: {  	v52 =	vadd.f32 v49, v50;
	[tilespmem:s28+$0x17380] =	vst v62  }
0x15d: {  	[tilespmem:s28+$0x18000] =	vst v63;
	v3 =	vadd.f32 v10, v43  }
0x15e: {  	[tilespmem:s28+$0x1A300] =	vst v52  }
0x15f: {  	s25 =	sadd.s32 $0x80, s25;
	s26 =	sadd.s32 $0x10, s26;
	[tilespmem:s28+$0x1A200] =	vst v3  }
.Ltmp8:
0x160: {  	(pc) =	sbr.rel .LBB2_10-.Ltmp8, $3  }
0x161: {  	_ =	sdelay $0x1  }
0x162: {  	s0 =	sadd.s32 s4, s24  }
0x163: {  	[hbm4b:s0+s13] =	stream.strided.scatter [tilespmem:s21], [sflag:$0x6], $0xB000, s14, s13, $0x38;
	[tilespmem:$0x1E000] =	vst v63  }
.LBB2_12:
0x164: {  	_ =	sfence.sel $0x180000  }
0x165: {  	[bflag:$0x0] =	sbarrier.arrive $0xFFFF  }
0x166: {  	_ =	strace $0x90000047  }
0x167: {  	[bflag:$0x2] =	sbarrier.arrive $0xFFFF  }
0x168: {  	p0 =	sne.s32 s1, $0x0;
	s0 =	rddreg [dreg:$0x3]  }
0x169: {  	s0 =	sadd.s32 @!p0 $0x100000, s0  }
0x16a: {  	[sflag:s0] =	ssyncadd.tile.s32 @!p0 $0x1;
	_ =	shalt  }
.Lfunc_end2:
_tile_overlayer_lowered:
.L_overlay_start_2:
0x16b: {  	(tag) =	ssettag $0x2  }
0x16c: {  	s0 =	rddreg [dreg:$0x0];
	s2 =	stileid.u32  }
0x16d: {  	s1 =	rddreg [dreg:$0x1];
	p0 =	sne.s32 s2, $0x0  }
0x16e: {  	s3 =	rddreg [dreg:$0x2];
	[bflag:$0x3] =	sbarrier.arrive $0xFFFF;
	s2 =	simm.s32 @!p0 $0x1C07  }
0x16f: {  	[timem:s3], [sflag:s2] =	dma.local @!p0 [hbm:s0], s1  }
0x170: {  	s0 =	simm.s32 @!p0 $0x7  }
0x171: {  	_ =	swait.ge @!p0 [sflag:s0], s1  }
0x172: {  	s1 =	ssub.s32 @!p0 $0x0, s1;
	[sflag:s0] =	ssyncset.done @!p0 $0x0  }
0x173: {  	[sflag:s0] =	ssyncadd.s32 @!p0 s1  }
0x174: {  	[bflag:$0x3] =	sbarrier.arrive $0xFFFF  }
0x175: {  	_ =	shalt  }

</sc_bundles>
